<compile_context>
chip_gen: v7x
topology: tpu7x:2x2x1
jax: 0.10.2.dev20260603
libtpu: 0.0.44.dev20260713+nightly
codegen_flags: <defaults>
</compile_context>

<pallas_src>
import functools

import jax
import jax.numpy as jnp
from jax import lax
from jax.experimental import pallas as pl
from jax.experimental.pallas import tpu as pltpu
from jax.experimental.pallas import tpu_sc as plsc

N_NODES = 10000
N_EDGES = 320000
IN_FEATS = 128
N_HIDDEN = 128
N_CLASSES = 64

NC = 2
NS = 16
NW = NC * NS
LANES = 16

N_PAD = 10240
ROWS_PER_TILE = N_PAD // NS
K = 128
CHUNKS = 80
EDGES_PER_TILE = CHUNKS * K
E_PAD = EDGES_PER_TILE * NW
PAD_DST = N_NODES + 8


@functools.lru_cache(maxsize=None)
def _make_sc_agg(F):
  mesh = plsc.VectorSubcoreMesh(
      core_axis_name="c", subcore_axis_name="s",
      num_cores=NC, num_subcores=NS)

  @functools.partial(
      pl.kernel,
      mesh=mesh,
      compiler_params=pltpu.CompilerParams(needs_layout_passes=False),
      out_type=(
          jax.ShapeDtypeStruct((NC, N_PAD, F), jnp.float32),
          jax.ShapeDtypeStruct((NC, NS * N_PAD), jnp.float32),
      ),
      scratch_types=[
          pltpu.VMEM((K,), jnp.int32),
          pltpu.VMEM((K,), jnp.int32),
          pltpu.VMEM((K,), jnp.int32),
          pltpu.VMEM((K,), jnp.int32),
          pltpu.VMEM((K, F), jnp.float32),
          pltpu.VMEM((K, F), jnp.float32),
          pltpu.VMEM((32, F), jnp.float32),
          pltpu.VMEM((N_PAD,), jnp.float32),
          pltpu.SemaphoreType.DMA,
          pltpu.SemaphoreType.DMA,
          pltpu.SemaphoreType.DMA,
          pltpu.SemaphoreType.DMA,
          pltpu.VMEM_SHARED((N_PAD, F), jnp.float32),
      ],
  )
  def sc_agg(src_hbm, dst_hbm, m_hbm, out_hbm, deg_hbm,
             srcv_a, srcv_b, dstv_a, dstv_b, rows_a, rows_b, zbuf, degv,
             sem_a, sem_b, sem_c, sem_d, acc):
    cid = lax.axis_index("c")
    sid = lax.axis_index("s")

    zero16 = jnp.zeros((LANES,), jnp.float32)
    one16 = jnp.ones((LANES,), jnp.float32)

    def fillz(r, carry):
      for c in range(F // LANES):
        zbuf[r, pl.ds(c * LANES, LANES)] = zero16
      return carry

    lax.fori_loop(0, 32, fillz, 0)

    def filld(r, carry):
      degv[pl.ds(r * LANES, LANES)] = zero16
      return carry

    lax.fori_loop(0, N_PAD // LANES, filld, 0)

    rb = sid * ROWS_PER_TILE
    for j in range(ROWS_PER_TILE // 32):
      pltpu.sync_copy(zbuf, acc.at[pl.ds(rb + j * 32, 32)])

    plsc.subcore_barrier()

    wid = sid * NC + cid
    ebase = wid * CHUNKS * K

    def load_idx(j, srcv, dstv):
      pltpu.sync_copy(src_hbm.at[pl.ds(ebase + j * K, K)], srcv)
      pltpu.sync_copy(dst_hbm.at[pl.ds(ebase + j * K, K)], dstv)

    def deg_update(dstv):
      for c in range(K // LANES):
        idx16 = dstv[pl.ds(c * LANES, LANES)]
        plsc.addupdate_scatter(degv, [idx16], one16)

    def gstart(srcv, buf, sem):
      pltpu.async_copy(m_hbm.at[srcv], buf, sem)

    def gwait(srcv, buf, sem):
      pltpu.make_async_copy(m_hbm.at[srcv], buf, sem).wait()

    def sstart(buf, dstv, sem):
      pltpu.async_copy(buf, acc.at[dstv], sem, add=True)

    def swait(buf, dstv, sem):
      pltpu.make_async_copy(buf, acc.at[dstv], sem).wait()

    load_idx(0, srcv_a, dstv_a)
    gstart(srcv_a, rows_a, sem_a)
    load_idx(1, srcv_b, dstv_b)
    gstart(srcv_b, rows_b, sem_b)

    def body(i, carry):
      j0 = 2 * i
      j1 = j0 + 1
      gwait(srcv_a, rows_a, sem_a)
      sstart(rows_a, dstv_a, sem_c)
      deg_update(dstv_a)
      gwait(srcv_b, rows_b, sem_b)
      sstart(rows_b, dstv_b, sem_d)
      deg_update(dstv_b)

      swait(rows_a, dstv_a, sem_c)

      @pl.when(j0 + 2 < CHUNKS)
      def _():
        load_idx(j0 + 2, srcv_a, dstv_a)
        gstart(srcv_a, rows_a, sem_a)

      swait(rows_b, dstv_b, sem_d)

      @pl.when(j1 + 2 < CHUNKS)
      def _():
        load_idx(j1 + 2, srcv_b, dstv_b)
        gstart(srcv_b, rows_b, sem_b)

      return carry

    lax.fori_loop(0, CHUNKS // 2, body, 0)

    plsc.subcore_barrier()

    for j in range(ROWS_PER_TILE // K):
      pltpu.sync_copy(acc.at[pl.ds(rb + j * K, K)],
                      out_hbm.at[cid, pl.ds(rb + j * K, K)])
    pltpu.sync_copy(degv, deg_hbm.at[cid, pl.ds(sid * N_PAD, N_PAD)])

  return sc_agg


_TC_BLOCK = 1024


def _tc_layer_body(x_ref, p0_ref, p1_ref, d_ref,
                   ws0_ref, wn0_ref, b0_ref, ws1_ref, b1_ref,
                   h_ref, s1_ref):
  deg = jnp.maximum(jnp.sum(d_ref[...], axis=0), 1.0)[:, None]
  hn = (p0_ref[...] + p1_ref[...]) / deg
  h = (jnp.dot(x_ref[...], ws0_ref[...], preferred_element_type=jnp.float32)
       + jnp.dot(hn, wn0_ref[...], preferred_element_type=jnp.float32)
       + b0_ref[...])
  h = jnp.maximum(h, 0.0)
  h_ref[...] = h
  s1_ref[...] = (jnp.dot(h, ws1_ref[...], preferred_element_type=jnp.float32)
                 + b1_ref[...])


def _tc_layer(x, p0, p1, d, ws0, wn0, b0, ws1, b1):
  nblk = N_PAD // _TC_BLOCK
  row_spec = lambda w: pl.BlockSpec((_TC_BLOCK, w), lambda i: (i, 0))
  full_spec = lambda r, c: pl.BlockSpec((r, c), lambda i: (0, 0))
  deg_spec = pl.BlockSpec((NW, _TC_BLOCK), lambda i: (0, i))
  return pl.pallas_call(
      _tc_layer_body,
      grid=(nblk,),
      in_specs=[
          row_spec(IN_FEATS), row_spec(IN_FEATS), row_spec(IN_FEATS),
          deg_spec,
          full_spec(IN_FEATS, N_HIDDEN), full_spec(IN_FEATS, N_HIDDEN),
          full_spec(1, N_HIDDEN),
          full_spec(N_HIDDEN, N_CLASSES),
          full_spec(1, N_CLASSES),
      ],
      out_specs=[row_spec(N_HIDDEN), row_spec(N_CLASSES)],
      out_shape=[
          jax.ShapeDtypeStruct((N_PAD, N_HIDDEN), jnp.float32),
          jax.ShapeDtypeStruct((N_PAD, N_CLASSES), jnp.float32),
      ],
  )(x, p0, p1, d, ws0, wn0, b0, ws1, b1)


def _tc_combine_body(s1_ref, p0_ref, p1_ref, d_ref, wn1_ref, o_ref):
  deg = jnp.maximum(jnp.sum(d_ref[...], axis=0), 1.0)[:, None]
  hn = (p0_ref[...] + p1_ref[...]) / deg
  o_ref[...] = s1_ref[...] + jnp.dot(
      hn, wn1_ref[...], preferred_element_type=jnp.float32)


def _tc_combine(s1, p0, p1, d, wn1):
  nblk = N_PAD // _TC_BLOCK
  row_spec = lambda w: pl.BlockSpec((_TC_BLOCK, w), lambda i: (i, 0))
  deg_spec = pl.BlockSpec((NW, _TC_BLOCK), lambda i: (0, i))
  return pl.pallas_call(
      _tc_combine_body,
      grid=(nblk,),
      in_specs=[
          row_spec(N_CLASSES), row_spec(N_HIDDEN), row_spec(N_HIDDEN),
          deg_spec,
          pl.BlockSpec((N_HIDDEN, N_CLASSES), lambda i: (0, 0)),
      ],
      out_specs=row_spec(N_CLASSES),
      out_shape=jax.ShapeDtypeStruct((N_PAD, N_CLASSES), jnp.float32),
  )(s1, p0, p1, d, wn1)


def _pad_edges(edge_index):
  npad = E_PAD - N_EDGES
  pad_src = (jnp.arange(npad, dtype=jnp.int32) * 37) % N_NODES
  pad_dst = N_NODES + (jnp.arange(npad, dtype=jnp.int32) % (N_PAD - N_NODES))
  src = jnp.concatenate([edge_index[0].astype(jnp.int32), pad_src])
  dst = jnp.concatenate([edge_index[1].astype(jnp.int32), pad_dst])
  return src, dst


@jax.jit
def kernel(x, edge_index_0, edge_index_1,
           W_self0, W_neigh0, b0, W_self1, W_neigh1, b1):
  src0, dst0 = _pad_edges(edge_index_0)
  src1, dst1 = _pad_edges(edge_index_1)

  xp = jnp.pad(x, ((0, N_PAD - N_NODES), (0, 0)))
  p_l0, d_l0 = _make_sc_agg(IN_FEATS)(src0, dst0, xp)
  h, s1 = _tc_layer(
      xp,
      p_l0[0], p_l0[1], d_l0.reshape(NW, N_PAD),
      W_self0, W_neigh0, b0.reshape(1, -1),
      W_self1, b1.reshape(1, -1))

  p_l1, d_l1 = _make_sc_agg(N_HIDDEN)(src1, dst1, h)
  out = _tc_combine(s1, p_l1[0], p_l1[1], d_l1.reshape(NW, N_PAD), W_neigh1)
  return out[:N_NODES]

# --- scband reference (transcript-rebuilt; emitter-appended) ---
"""Pipeline reference for scband-sage-35330400977011 (READ-ONLY COPY).

The authoritative reference and input builder live on the scoring server;
editing this copy changes nothing except your own understanding.
"""

import jax, jax.numpy as jnp
import numpy as np

N_NODES = 10000
N_EDGES = 320000
IN_FEATS = 128
N_HIDDEN = 128
N_CLASSES = 64


def setup_inputs(seed: int = 0) -> dict:
    key = jax.random.key(seed)
    ks = jax.random.split(key, 12)
    x = jax.random.normal(ks[0], (N_NODES, IN_FEATS), dtype=jnp.float32)
    edge_index_0 = jax.random.randint(ks[1], (2, N_EDGES), 0, N_NODES, dtype=jnp.int64)
    edge_index_1 = jax.random.randint(ks[2], (2, N_EDGES), 0, N_NODES, dtype=jnp.int64)
    s0 = 1.0 / np.sqrt(IN_FEATS)
    s1 = 1.0 / np.sqrt(N_HIDDEN)
    W_self0 = jax.random.uniform(ks[3], (IN_FEATS, N_HIDDEN), dtype=jnp.float32, minval=-s0, maxval=s0)
    W_neigh0 = jax.random.uniform(ks[4], (IN_FEATS, N_HIDDEN), dtype=jnp.float32, minval=-s0, maxval=s0)
    b0 = jnp.zeros((N_HIDDEN,), dtype=jnp.float32)
    W_self1 = jax.random.uniform(ks[5], (N_HIDDEN, N_CLASSES), dtype=jnp.float32, minval=-s1, maxval=s1)
    W_neigh1 = jax.random.uniform(ks[6], (N_HIDDEN, N_CLASSES), dtype=jnp.float32, minval=-s1, maxval=s1)
    b1 = jnp.zeros((N_CLASSES,), dtype=jnp.float32)
    return {
        "x": x,
        "edge_index_0": edge_index_0,
        "edge_index_1": edge_index_1,
        "W_self0": W_self0,
        "W_neigh0": W_neigh0,
        "b0": b0,
        "W_self1": W_self1,
        "W_neigh1": W_neigh1,
        "b1": b1,
    }


def _sage_conv(h, edge_index, W_self, W_neigh, b):
    # DGL SAGEConv with 'mean' aggregator:
    #   h_neigh = mean_{u in N(v)} h_u ; out = h_self @ W_self + h_neigh @ W_neigh + b
    src = edge_index[0]
    dst = edge_index[1]
    msgs = jnp.take(h, src, axis=0)
    agg = jax.ops.segment_sum(msgs, dst, num_segments=N_NODES)
    deg = jax.ops.segment_sum(jnp.ones((msgs.shape[0],), dtype=h.dtype), dst, num_segments=N_NODES)
    h_neigh = agg / jnp.maximum(deg, 1.0)[:, None]
    return h @ W_self + h_neigh @ W_neigh + b


def reference(x, edge_index_0, edge_index_1, W_self0, W_neigh0, b0, W_self1, W_neigh1, b1):
    h = _sage_conv(x, edge_index_0, W_self0, W_neigh0, b0)
    h = jax.nn.relu(h)  # activation; dropout p=0.0 is identity
    h = _sage_conv(h, edge_index_1, W_self1, W_neigh1, b1)
    return h

if __name__ == "__main__":
    import jax
    _d = setup_inputs()
    print(jax.jit(kernel)(*tuple(_d.values())))

</pallas_src>

<mosaic_0001>
#map = affine_map<(d0, d1) -> (0)>
#map1 = affine_map<(d0, d1) -> (0, 0)>
#map2 = affine_map<(d0, d1) -> (0, 0, 0)>
module attributes {stable_mosaic.version = 14 : i64} {
  func.func @sc_agg(%arg0: i32, %arg1: i32, %arg2: memref<327680xi32, #tpu.memory_space<hbm>>, %arg3: memref<327680xi32, #tpu.memory_space<hbm>>, %arg4: memref<10240x128xf32, #tpu.memory_space<hbm>>, %arg5: memref<2x10240x128xf32, #tpu.memory_space<hbm>>, %arg6: memref<2x163840xf32, #tpu.memory_space<hbm>>, %arg7: memref<128xi32, #tpu.memory_space<vmem>>, %arg8: memref<128xi32, #tpu.memory_space<vmem>>, %arg9: memref<128xi32, #tpu.memory_space<vmem>>, %arg10: memref<128xi32, #tpu.memory_space<vmem>>, %arg11: memref<128x128xf32, #tpu.memory_space<vmem>>, %arg12: memref<128x128xf32, #tpu.memory_space<vmem>>, %arg13: memref<32x128xf32, #tpu.memory_space<vmem>>, %arg14: memref<10240xf32, #tpu.memory_space<vmem>>, %arg15: memref<!tpu.dma_semaphore, #tpu.memory_space<semaphore_mem>>, %arg16: memref<!tpu.dma_semaphore, #tpu.memory_space<semaphore_mem>>, %arg17: memref<!tpu.dma_semaphore, #tpu.memory_space<semaphore_mem>>, %arg18: memref<!tpu.dma_semaphore, #tpu.memory_space<semaphore_mem>>, %arg19: memref<10240x128xf32, #tpu.memory_space<vmem_shared>>) attributes {dimension_semantics = [#tpu.dimension_semantics<core_parallel>, #tpu.dimension_semantics<subcore_parallel>], iteration_bounds = array<i64: 2, 16>, scalar_prefetch = 0 : i64, scratch_operands = 13 : i64, tpu.core_type = #tpu.core_type<sc_vector_subcore>, window_params = [{transform_indices = #map}, {transform_indices = #map}, {transform_indices = #map1}, {transform_indices = #map2}, {transform_indices = #map1}]} {
    %broadcast_in_dim3A = arith.constant 0.000000e+00 : f32
    %broadcast_in_dim3A_0 = vector.broadcast %broadcast_in_dim3A : f32 to vector<16xf32>
    %broadcast_in_dim3A_1 = arith.constant 1.000000e+00 : f32
    %broadcast_in_dim3A_2 = vector.broadcast %broadcast_in_dim3A_1 : f32 to vector<16xf32>
    %scan3A = arith.constant 0 : i32
    %scan3A_3 = arith.constant 0 : i32
    %scan3A_4 = arith.constant 32 : i32
    %scan3A_5 = arith.addi %scan3A_3, %scan3A_4 : i32
    %scan3A_6 = arith.constant 1 : i32
    scf.for %scan3A_103 = %scan3A_3 to %scan3A_5 step %scan3A_6  : i32 {
      %swap3A = arith.index_cast %scan3A_103 : i32 to index
      %swap3A_104 = arith.constant 0 : index
      %swap3A_105 = tpu.vector_load %arg13[%swap3A, %swap3A_104] {strides = array<i32>} : memref<32x128xf32, #tpu.memory_space<vmem>>, vector<16xf32>,
      tpu.vector_store %arg13[%swap3A, %swap3A_104], %broadcast_in_dim3A_0 {strides = array<i32>} : memref<32x128xf32, #tpu.memory_space<vmem>>, vector<16xf32>,
      %swap3A_106 = arith.index_cast %scan3A_103 : i32 to index
      %swap3A_107 = arith.constant 16 : index
      %swap3A_108 = tpu.vector_load %arg13[%swap3A_106, %swap3A_107] {strides = array<i32>} : memref<32x128xf32, #tpu.memory_space<vmem>>, vector<16xf32>,
      tpu.vector_store %arg13[%swap3A_106, %swap3A_107], %broadcast_in_dim3A_0 {strides = array<i32>} : memref<32x128xf32, #tpu.memory_space<vmem>>, vector<16xf32>,
      %swap3A_109 = arith.index_cast %scan3A_103 : i32 to index
      %swap3A_110 = arith.constant 32 : index
      %swap3A_111 = tpu.vector_load %arg13[%swap3A_109, %swap3A_110] {strides = array<i32>} : memref<32x128xf32, #tpu.memory_space<vmem>>, vector<16xf32>,
      tpu.vector_store %arg13[%swap3A_109, %swap3A_110], %broadcast_in_dim3A_0 {strides = array<i32>} : memref<32x128xf32, #tpu.memory_space<vmem>>, vector<16xf32>,
      %swap3A_112 = arith.index_cast %scan3A_103 : i32 to index
      %swap3A_113 = arith.constant 48 : index
      %swap3A_114 = tpu.vector_load %arg13[%swap3A_112, %swap3A_113] {strides = array<i32>} : memref<32x128xf32, #tpu.memory_space<vmem>>, vector<16xf32>,
      tpu.vector_store %arg13[%swap3A_112, %swap3A_113], %broadcast_in_dim3A_0 {strides = array<i32>} : memref<32x128xf32, #tpu.memory_space<vmem>>, vector<16xf32>,
      %swap3A_115 = arith.index_cast %scan3A_103 : i32 to index
      %swap3A_116 = arith.constant 64 : index
      %swap3A_117 = tpu.vector_load %arg13[%swap3A_115, %swap3A_116] {strides = array<i32>} : memref<32x128xf32, #tpu.memory_space<vmem>>, vector<16xf32>,
      tpu.vector_store %arg13[%swap3A_115, %swap3A_116], %broadcast_in_dim3A_0 {strides = array<i32>} : memref<32x128xf32, #tpu.memory_space<vmem>>, vector<16xf32>,
      %swap3A_118 = arith.index_cast %scan3A_103 : i32 to index
      %swap3A_119 = arith.constant 80 : index
      %swap3A_120 = tpu.vector_load %arg13[%swap3A_118, %swap3A_119] {strides = array<i32>} : memref<32x128xf32, #tpu.memory_space<vmem>>, vector<16xf32>,
      tpu.vector_store %arg13[%swap3A_118, %swap3A_119], %broadcast_in_dim3A_0 {strides = array<i32>} : memref<32x128xf32, #tpu.memory_space<vmem>>, vector<16xf32>,
      %swap3A_121 = arith.index_cast %scan3A_103 : i32 to index
      %swap3A_122 = arith.constant 96 : index
      %swap3A_123 = tpu.vector_load %arg13[%swap3A_121, %swap3A_122] {strides = array<i32>} : memref<32x128xf32, #tpu.memory_space<vmem>>, vector<16xf32>,
      tpu.vector_store %arg13[%swap3A_121, %swap3A_122], %broadcast_in_dim3A_0 {strides = array<i32>} : memref<32x128xf32, #tpu.memory_space<vmem>>, vector<16xf32>,
      %swap3A_124 = arith.index_cast %scan3A_103 : i32 to index
      %swap3A_125 = arith.constant 112 : index
      %swap3A_126 = tpu.vector_load %arg13[%swap3A_124, %swap3A_125] {strides = array<i32>} : memref<32x128xf32, #tpu.memory_space<vmem>>, vector<16xf32>,
      tpu.vector_store %arg13[%swap3A_124, %swap3A_125], %broadcast_in_dim3A_0 {strides = array<i32>} : memref<32x128xf32, #tpu.memory_space<vmem>>, vector<16xf32>,
    }
    %scan3A_7 = arith.constant 32 : i32
    %scan3A_8 = arith.constant 0 : i32
    %scan3A_9 = arith.constant 0 : i32
    %scan3A_10 = arith.constant 640 : i32
    %scan3A_11 = arith.addi %scan3A_9, %scan3A_10 : i32
    %scan3A_12 = arith.constant 1 : i32
    scf.for %scan3A_103 = %scan3A_9 to %scan3A_11 step %scan3A_12  : i32 {
      %mul3A_104 = arith.constant 16 : i32
      %mul3A_105 = arith.muli %scan3A_103, %mul3A_104 : i32
      %swap3A = arith.index_cast %mul3A_105 : i32 to index
      %swap3A_106 = tpu.vector_load %arg14[%swap3A] {strides = array<i32>} : memref<10240xf32, #tpu.memory_space<vmem>>, vector<16xf32>,
      tpu.vector_store %arg14[%swap3A], %broadcast_in_dim3A_0 {strides = array<i32>} : memref<10240xf32, #tpu.memory_space<vmem>>, vector<16xf32>,
    }
    %scan3A_13 = arith.constant 640 : i32
    %mul3A = arith.constant 640 : i32
    %mul3A_14 = arith.muli %arg1, %mul3A : i32
    %add3A = arith.constant 0 : i32
    %add3A_15 = arith.addi %mul3A_14, %add3A : i32
    "tpu.region"() ({
      %run_scoped3A = tpu.sem_alloc : memref<!tpu.dma_semaphore, #tpu.memory_space<semaphore_mem>>
      %dma_start3A_103 = arith.constant 0 : i32
      %dma_start3A_104 = tpu.memref_slice %arg19[%add3A_15, %dma_start3A_103] : memref<10240x128xf32, #tpu.memory_space<vmem_shared>> -> memref<32x128xf32, #tpu.memory_space<vmem_shared>>
      %dma_start3A_105 = arith.constant 0 : i32
      %dma_start3A_106 = tpu.memref_slice %arg19[%add3A_15, %dma_start3A_105] : memref<10240x128xf32, #tpu.memory_space<vmem_shared>> -> memref<32x128xf32, #tpu.memory_space<vmem_shared>>
      tpu.enqueue_dma source(%arg13 : memref<32x128xf32, #tpu.memory_space<vmem>>) target(%dma_start3A_106 : memref<32x128xf32, #tpu.memory_space<vmem_shared>>) target_semaphore(%run_scoped3A : memref<!tpu.dma_semaphore, #tpu.memory_space<semaphore_mem>>)
      %dma_wait3A = arith.constant 0 : i32
      %dma_wait3A_107 = tpu.memref_slice %arg19[%add3A_15, %dma_wait3A] : memref<10240x128xf32, #tpu.memory_space<vmem_shared>> -> memref<32x128xf32, #tpu.memory_space<vmem_shared>>
      %dma_wait3A_108 = arith.constant 0 : i32
      %dma_wait3A_109 = tpu.memref_slice %arg19[%add3A_15, %dma_wait3A_108] : memref<10240x128xf32, #tpu.memory_space<vmem_shared>> -> memref<32x128xf32, #tpu.memory_space<vmem_shared>>
      tpu.wait_dma2 semaphore(%run_scoped3A : memref<!tpu.dma_semaphore, #tpu.memory_space<semaphore_mem>>) src(%arg13 : memref<32x128xf32, #tpu.memory_space<vmem>>) dst(%dma_wait3A_109 : memref<32x128xf32, #tpu.memory_space<vmem_shared>>)
      tpu.yield
    }) : () -> ()
    %add3A_16 = arith.constant 32 : i32
    %add3A_17 = arith.addi %mul3A_14, %add3A_16 : i32
    "tpu.region"() ({
      %run_scoped3A = tpu.sem_alloc : memref<!tpu.dma_semaphore, #tpu.memory_space<semaphore_mem>>
      %dma_start3A_103 = arith.constant 0 : i32
      %dma_start3A_104 = tpu.memref_slice %arg19[%add3A_17, %dma_start3A_103] : memref<10240x128xf32, #tpu.memory_space<vmem_shared>> -> memref<32x128xf32, #tpu.memory_space<vmem_shared>>
      %dma_start3A_105 = arith.constant 0 : i32
      %dma_start3A_106 = tpu.memref_slice %arg19[%add3A_17, %dma_start3A_105] : memref<10240x128xf32, #tpu.memory_space<vmem_shared>> -> memref<32x128xf32, #tpu.memory_space<vmem_shared>>
      tpu.enqueue_dma source(%arg13 : memref<32x128xf32, #tpu.memory_space<vmem>>) target(%dma_start3A_106 : memref<32x128xf32, #tpu.memory_space<vmem_shared>>) target_semaphore(%run_scoped3A : memref<!tpu.dma_semaphore, #tpu.memory_space<semaphore_mem>>)
      %dma_wait3A = arith.constant 0 : i32
      %dma_wait3A_107 = tpu.memref_slice %arg19[%add3A_17, %dma_wait3A] : memref<10240x128xf32, #tpu.memory_space<vmem_shared>> -> memref<32x128xf32, #tpu.memory_space<vmem_shared>>
      %dma_wait3A_108 = arith.constant 0 : i32
      %dma_wait3A_109 = tpu.memref_slice %arg19[%add3A_17, %dma_wait3A_108] : memref<10240x128xf32, #tpu.memory_space<vmem_shared>> -> memref<32x128xf32, #tpu.memory_space<vmem_shared>>
      tpu.wait_dma2 semaphore(%run_scoped3A : memref<!tpu.dma_semaphore, #tpu.memory_space<semaphore_mem>>) src(%arg13 : memref<32x128xf32, #tpu.memory_space<vmem>>) dst(%dma_wait3A_109 : memref<32x128xf32, #tpu.memory_space<vmem_shared>>)
      tpu.yield
    }) : () -> ()
    %add3A_18 = arith.constant 64 : i32
    %add3A_19 = arith.addi %mul3A_14, %add3A_18 : i32
    "tpu.region"() ({
      %run_scoped3A = tpu.sem_alloc : memref<!tpu.dma_semaphore, #tpu.memory_space<semaphore_mem>>
      %dma_start3A_103 = arith.constant 0 : i32
      %dma_start3A_104 = tpu.memref_slice %arg19[%add3A_19, %dma_start3A_103] : memref<10240x128xf32, #tpu.memory_space<vmem_shared>> -> memref<32x128xf32, #tpu.memory_space<vmem_shared>>
      %dma_start3A_105 = arith.constant 0 : i32
      %dma_start3A_106 = tpu.memref_slice %arg19[%add3A_19, %dma_start3A_105] : memref<10240x128xf32, #tpu.memory_space<vmem_shared>> -> memref<32x128xf32, #tpu.memory_space<vmem_shared>>
      tpu.enqueue_dma source(%arg13 : memref<32x128xf32, #tpu.memory_space<vmem>>) target(%dma_start3A_106 : memref<32x128xf32, #tpu.memory_space<vmem_shared>>) target_semaphore(%run_scoped3A : memref<!tpu.dma_semaphore, #tpu.memory_space<semaphore_mem>>)
      %dma_wait3A = arith.constant 0 : i32
      %dma_wait3A_107 = tpu.memref_slice %arg19[%add3A_19, %dma_wait3A] : memref<10240x128xf32, #tpu.memory_space<vmem_shared>> -> memref<32x128xf32, #tpu.memory_space<vmem_shared>>
      %dma_wait3A_108 = arith.constant 0 : i32
      %dma_wait3A_109 = tpu.memref_slice %arg19[%add3A_19, %dma_wait3A_108] : memref<10240x128xf32, #tpu.memory_space<vmem_shared>> -> memref<32x128xf32, #tpu.memory_space<vmem_shared>>
      tpu.wait_dma2 semaphore(%run_scoped3A : memref<!tpu.dma_semaphore, #tpu.memory_space<semaphore_mem>>) src(%arg13 : memref<32x128xf32, #tpu.memory_space<vmem>>) dst(%dma_wait3A_109 : memref<32x128xf32, #tpu.memory_space<vmem_shared>>)
      tpu.yield
    }) : () -> ()
    %add3A_20 = arith.constant 96 : i32
    %add3A_21 = arith.addi %mul3A_14, %add3A_20 : i32
    "tpu.region"() ({
      %run_scoped3A = tpu.sem_alloc : memref<!tpu.dma_semaphore, #tpu.memory_space<semaphore_mem>>
      %dma_start3A_103 = arith.constant 0 : i32
      %dma_start3A_104 = tpu.memref_slice %arg19[%add3A_21, %dma_start3A_103] : memref<10240x128xf32, #tpu.memory_space<vmem_shared>> -> memref<32x128xf32, #tpu.memory_space<vmem_shared>>
      %dma_start3A_105 = arith.constant 0 : i32
      %dma_start3A_106 = tpu.memref_slice %arg19[%add3A_21, %dma_start3A_105] : memref<10240x128xf32, #tpu.memory_space<vmem_shared>> -> memref<32x128xf32, #tpu.memory_space<vmem_shared>>
      tpu.enqueue_dma source(%arg13 : memref<32x128xf32, #tpu.memory_space<vmem>>) target(%dma_start3A_106 : memref<32x128xf32, #tpu.memory_space<vmem_shared>>) target_semaphore(%run_scoped3A : memref<!tpu.dma_semaphore, #tpu.memory_space<semaphore_mem>>)
      %dma_wait3A = arith.constant 0 : i32
      %dma_wait3A_107 = tpu.memref_slice %arg19[%add3A_21, %dma_wait3A] : memref<10240x128xf32, #tpu.memory_space<vmem_shared>> -> memref<32x128xf32, #tpu.memory_space<vmem_shared>>
      %dma_wait3A_108 = arith.constant 0 : i32
      %dma_wait3A_109 = tpu.memref_slice %arg19[%add3A_21, %dma_wait3A_108] : memref<10240x128xf32, #tpu.memory_space<vmem_shared>> -> memref<32x128xf32, #tpu.memory_space<vmem_shared>>
      tpu.wait_dma2 semaphore(%run_scoped3A : memref<!tpu.dma_semaphore, #tpu.memory_space<semaphore_mem>>) src(%arg13 : memref<32x128xf32, #tpu.memory_space<vmem>>) dst(%dma_wait3A_109 : memref<32x128xf32, #tpu.memory_space<vmem_shared>>)
      tpu.yield
    }) : () -> ()
    %add3A_22 = arith.constant 128 : i32
    %add3A_23 = arith.addi %mul3A_14, %add3A_22 : i32
    "tpu.region"() ({
      %run_scoped3A = tpu.sem_alloc : memref<!tpu.dma_semaphore, #tpu.memory_space<semaphore_mem>>
      %dma_start3A_103 = arith.constant 0 : i32
      %dma_start3A_104 = tpu.memref_slice %arg19[%add3A_23, %dma_start3A_103] : memref<10240x128xf32, #tpu.memory_space<vmem_shared>> -> memref<32x128xf32, #tpu.memory_space<vmem_shared>>
      %dma_start3A_105 = arith.constant 0 : i32
      %dma_start3A_106 = tpu.memref_slice %arg19[%add3A_23, %dma_start3A_105] : memref<10240x128xf32, #tpu.memory_space<vmem_shared>> -> memref<32x128xf32, #tpu.memory_space<vmem_shared>>
      tpu.enqueue_dma source(%arg13 : memref<32x128xf32, #tpu.memory_space<vmem>>) target(%dma_start3A_106 : memref<32x128xf32, #tpu.memory_space<vmem_shared>>) target_semaphore(%run_scoped3A : memref<!tpu.dma_semaphore, #tpu.memory_space<semaphore_mem>>)
      %dma_wait3A = arith.constant 0 : i32
      %dma_wait3A_107 = tpu.memref_slice %arg19[%add3A_23, %dma_wait3A] : memref<10240x128xf32, #tpu.memory_space<vmem_shared>> -> memref<32x128xf32, #tpu.memory_space<vmem_shared>>
      %dma_wait3A_108 = arith.constant 0 : i32
      %dma_wait3A_109 = tpu.memref_slice %arg19[%add3A_23, %dma_wait3A_108] : memref<10240x128xf32, #tpu.memory_space<vmem_shared>> -> memref<32x128xf32, #tpu.memory_space<vmem_shared>>
      tpu.wait_dma2 semaphore(%run_scoped3A : memref<!tpu.dma_semaphore, #tpu.memory_space<semaphore_mem>>) src(%arg13 : memref<32x128xf32, #tpu.memory_space<vmem>>) dst(%dma_wait3A_109 : memref<32x128xf32, #tpu.memory_space<vmem_shared>>)
      tpu.yield
    }) : () -> ()
    %add3A_24 = arith.constant 160 : i32
    %add3A_25 = arith.addi %mul3A_14, %add3A_24 : i32
    "tpu.region"() ({
      %run_scoped3A = tpu.sem_alloc : memref<!tpu.dma_semaphore, #tpu.memory_space<semaphore_mem>>
      %dma_start3A_103 = arith.constant 0 : i32
      %dma_start3A_104 = tpu.memref_slice %arg19[%add3A_25, %dma_start3A_103] : memref<10240x128xf32, #tpu.memory_space<vmem_shared>> -> memref<32x128xf32, #tpu.memory_space<vmem_shared>>
      %dma_start3A_105 = arith.constant 0 : i32
      %dma_start3A_106 = tpu.memref_slice %arg19[%add3A_25, %dma_start3A_105] : memref<10240x128xf32, #tpu.memory_space<vmem_shared>> -> memref<32x128xf32, #tpu.memory_space<vmem_shared>>
      tpu.enqueue_dma source(%arg13 : memref<32x128xf32, #tpu.memory_space<vmem>>) target(%dma_start3A_106 : memref<32x128xf32, #tpu.memory_space<vmem_shared>>) target_semaphore(%run_scoped3A : memref<!tpu.dma_semaphore, #tpu.memory_space<semaphore_mem>>)
      %dma_wait3A = arith.constant 0 : i32
      %dma_wait3A_107 = tpu.memref_slice %arg19[%add3A_25, %dma_wait3A] : memref<10240x128xf32, #tpu.memory_space<vmem_shared>> -> memref<32x128xf32, #tpu.memory_space<vmem_shared>>
      %dma_wait3A_108 = arith.constant 0 : i32
      %dma_wait3A_109 = tpu.memref_slice %arg19[%add3A_25, %dma_wait3A_108] : memref<10240x128xf32, #tpu.memory_space<vmem_shared>> -> memref<32x128xf32, #tpu.memory_space<vmem_shared>>
      tpu.wait_dma2 semaphore(%run_scoped3A : memref<!tpu.dma_semaphore, #tpu.memory_space<semaphore_mem>>) src(%arg13 : memref<32x128xf32, #tpu.memory_space<vmem>>) dst(%dma_wait3A_109 : memref<32x128xf32, #tpu.memory_space<vmem_shared>>)
      tpu.yield
    }) : () -> ()
    %add3A_26 = arith.constant 192 : i32
    %add3A_27 = arith.addi %mul3A_14, %add3A_26 : i32
    "tpu.region"() ({
      %run_scoped3A = tpu.sem_alloc : memref<!tpu.dma_semaphore, #tpu.memory_space<semaphore_mem>>
      %dma_start3A_103 = arith.constant 0 : i32
      %dma_start3A_104 = tpu.memref_slice %arg19[%add3A_27, %dma_start3A_103] : memref<10240x128xf32, #tpu.memory_space<vmem_shared>> -> memref<32x128xf32, #tpu.memory_space<vmem_shared>>
      %dma_start3A_105 = arith.constant 0 : i32
      %dma_start3A_106 = tpu.memref_slice %arg19[%add3A_27, %dma_start3A_105] : memref<10240x128xf32, #tpu.memory_space<vmem_shared>> -> memref<32x128xf32, #tpu.memory_space<vmem_shared>>
      tpu.enqueue_dma source(%arg13 : memref<32x128xf32, #tpu.memory_space<vmem>>) target(%dma_start3A_106 : memref<32x128xf32, #tpu.memory_space<vmem_shared>>) target_semaphore(%run_scoped3A : memref<!tpu.dma_semaphore, #tpu.memory_space<semaphore_mem>>)
      %dma_wait3A = arith.constant 0 : i32
      %dma_wait3A_107 = tpu.memref_slice %arg19[%add3A_27, %dma_wait3A] : memref<10240x128xf32, #tpu.memory_space<vmem_shared>> -> memref<32x128xf32, #tpu.memory_space<vmem_shared>>
      %dma_wait3A_108 = arith.constant 0 : i32
      %dma_wait3A_109 = tpu.memref_slice %arg19[%add3A_27, %dma_wait3A_108] : memref<10240x128xf32, #tpu.memory_space<vmem_shared>> -> memref<32x128xf32, #tpu.memory_space<vmem_shared>>
      tpu.wait_dma2 semaphore(%run_scoped3A : memref<!tpu.dma_semaphore, #tpu.memory_space<semaphore_mem>>) src(%arg13 : memref<32x128xf32, #tpu.memory_space<vmem>>) dst(%dma_wait3A_109 : memref<32x128xf32, #tpu.memory_space<vmem_shared>>)
      tpu.yield
    }) : () -> ()
    %add3A_28 = arith.constant 224 : i32
    %add3A_29 = arith.addi %mul3A_14, %add3A_28 : i32
    "tpu.region"() ({
      %run_scoped3A = tpu.sem_alloc : memref<!tpu.dma_semaphore, #tpu.memory_space<semaphore_mem>>
      %dma_start3A_103 = arith.constant 0 : i32
      %dma_start3A_104 = tpu.memref_slice %arg19[%add3A_29, %dma_start3A_103] : memref<10240x128xf32, #tpu.memory_space<vmem_shared>> -> memref<32x128xf32, #tpu.memory_space<vmem_shared>>
      %dma_start3A_105 = arith.constant 0 : i32
      %dma_start3A_106 = tpu.memref_slice %arg19[%add3A_29, %dma_start3A_105] : memref<10240x128xf32, #tpu.memory_space<vmem_shared>> -> memref<32x128xf32, #tpu.memory_space<vmem_shared>>
      tpu.enqueue_dma source(%arg13 : memref<32x128xf32, #tpu.memory_space<vmem>>) target(%dma_start3A_106 : memref<32x128xf32, #tpu.memory_space<vmem_shared>>) target_semaphore(%run_scoped3A : memref<!tpu.dma_semaphore, #tpu.memory_space<semaphore_mem>>)
      %dma_wait3A = arith.constant 0 : i32
      %dma_wait3A_107 = tpu.memref_slice %arg19[%add3A_29, %dma_wait3A] : memref<10240x128xf32, #tpu.memory_space<vmem_shared>> -> memref<32x128xf32, #tpu.memory_space<vmem_shared>>
      %dma_wait3A_108 = arith.constant 0 : i32
      %dma_wait3A_109 = tpu.memref_slice %arg19[%add3A_29, %dma_wait3A_108] : memref<10240x128xf32, #tpu.memory_space<vmem_shared>> -> memref<32x128xf32, #tpu.memory_space<vmem_shared>>
      tpu.wait_dma2 semaphore(%run_scoped3A : memref<!tpu.dma_semaphore, #tpu.memory_space<semaphore_mem>>) src(%arg13 : memref<32x128xf32, #tpu.memory_space<vmem>>) dst(%dma_wait3A_109 : memref<32x128xf32, #tpu.memory_space<vmem_shared>>)
      tpu.yield
    }) : () -> ()
    %add3A_30 = arith.constant 256 : i32
    %add3A_31 = arith.addi %mul3A_14, %add3A_30 : i32
    "tpu.region"() ({
      %run_scoped3A = tpu.sem_alloc : memref<!tpu.dma_semaphore, #tpu.memory_space<semaphore_mem>>
      %dma_start3A_103 = arith.constant 0 : i32
      %dma_start3A_104 = tpu.memref_slice %arg19[%add3A_31, %dma_start3A_103] : memref<10240x128xf32, #tpu.memory_space<vmem_shared>> -> memref<32x128xf32, #tpu.memory_space<vmem_shared>>
      %dma_start3A_105 = arith.constant 0 : i32
      %dma_start3A_106 = tpu.memref_slice %arg19[%add3A_31, %dma_start3A_105] : memref<10240x128xf32, #tpu.memory_space<vmem_shared>> -> memref<32x128xf32, #tpu.memory_space<vmem_shared>>
      tpu.enqueue_dma source(%arg13 : memref<32x128xf32, #tpu.memory_space<vmem>>) target(%dma_start3A_106 : memref<32x128xf32, #tpu.memory_space<vmem_shared>>) target_semaphore(%run_scoped3A : memref<!tpu.dma_semaphore, #tpu.memory_space<semaphore_mem>>)
      %dma_wait3A = arith.constant 0 : i32
      %dma_wait3A_107 = tpu.memref_slice %arg19[%add3A_31, %dma_wait3A] : memref<10240x128xf32, #tpu.memory_space<vmem_shared>> -> memref<32x128xf32, #tpu.memory_space<vmem_shared>>
      %dma_wait3A_108 = arith.constant 0 : i32
      %dma_wait3A_109 = tpu.memref_slice %arg19[%add3A_31, %dma_wait3A_108] : memref<10240x128xf32, #tpu.memory_space<vmem_shared>> -> memref<32x128xf32, #tpu.memory_space<vmem_shared>>
      tpu.wait_dma2 semaphore(%run_scoped3A : memref<!tpu.dma_semaphore, #tpu.memory_space<semaphore_mem>>) src(%arg13 : memref<32x128xf32, #tpu.memory_space<vmem>>) dst(%dma_wait3A_109 : memref<32x128xf32, #tpu.memory_space<vmem_shared>>)
      tpu.yield
    }) : () -> ()
    %add3A_32 = arith.constant 288 : i32
    %add3A_33 = arith.addi %mul3A_14, %add3A_32 : i32
    "tpu.region"() ({
      %run_scoped3A = tpu.sem_alloc : memref<!tpu.dma_semaphore, #tpu.memory_space<semaphore_mem>>
      %dma_start3A_103 = arith.constant 0 : i32
      %dma_start3A_104 = tpu.memref_slice %arg19[%add3A_33, %dma_start3A_103] : memref<10240x128xf32, #tpu.memory_space<vmem_shared>> -> memref<32x128xf32, #tpu.memory_space<vmem_shared>>
      %dma_start3A_105 = arith.constant 0 : i32
      %dma_start3A_106 = tpu.memref_slice %arg19[%add3A_33, %dma_start3A_105] : memref<10240x128xf32, #tpu.memory_space<vmem_shared>> -> memref<32x128xf32, #tpu.memory_space<vmem_shared>>
      tpu.enqueue_dma source(%arg13 : memref<32x128xf32, #tpu.memory_space<vmem>>) target(%dma_start3A_106 : memref<32x128xf32, #tpu.memory_space<vmem_shared>>) target_semaphore(%run_scoped3A : memref<!tpu.dma_semaphore, #tpu.memory_space<semaphore_mem>>)
      %dma_wait3A = arith.constant 0 : i32
      %dma_wait3A_107 = tpu.memref_slice %arg19[%add3A_33, %dma_wait3A] : memref<10240x128xf32, #tpu.memory_space<vmem_shared>> -> memref<32x128xf32, #tpu.memory_space<vmem_shared>>
      %dma_wait3A_108 = arith.constant 0 : i32
      %dma_wait3A_109 = tpu.memref_slice %arg19[%add3A_33, %dma_wait3A_108] : memref<10240x128xf32, #tpu.memory_space<vmem_shared>> -> memref<32x128xf32, #tpu.memory_space<vmem_shared>>
      tpu.wait_dma2 semaphore(%run_scoped3A : memref<!tpu.dma_semaphore, #tpu.memory_space<semaphore_mem>>) src(%arg13 : memref<32x128xf32, #tpu.memory_space<vmem>>) dst(%dma_wait3A_109 : memref<32x128xf32, #tpu.memory_space<vmem_shared>>)
      tpu.yield
    }) : () -> ()
    %add3A_34 = arith.constant 320 : i32
    %add3A_35 = arith.addi %mul3A_14, %add3A_34 : i32
    "tpu.region"() ({
      %run_scoped3A = tpu.sem_alloc : memref<!tpu.dma_semaphore, #tpu.memory_space<semaphore_mem>>
      %dma_start3A_103 = arith.constant 0 : i32
      %dma_start3A_104 = tpu.memref_slice %arg19[%add3A_35, %dma_start3A_103] : memref<10240x128xf32, #tpu.memory_space<vmem_shared>> -> memref<32x128xf32, #tpu.memory_space<vmem_shared>>
      %dma_start3A_105 = arith.constant 0 : i32
      %dma_start3A_106 = tpu.memref_slice %arg19[%add3A_35, %dma_start3A_105] : memref<10240x128xf32, #tpu.memory_space<vmem_shared>> -> memref<32x128xf32, #tpu.memory_space<vmem_shared>>
      tpu.enqueue_dma source(%arg13 : memref<32x128xf32, #tpu.memory_space<vmem>>) target(%dma_start3A_106 : memref<32x128xf32, #tpu.memory_space<vmem_shared>>) target_semaphore(%run_scoped3A : memref<!tpu.dma_semaphore, #tpu.memory_space<semaphore_mem>>)
      %dma_wait3A = arith.constant 0 : i32
      %dma_wait3A_107 = tpu.memref_slice %arg19[%add3A_35, %dma_wait3A] : memref<10240x128xf32, #tpu.memory_space<vmem_shared>> -> memref<32x128xf32, #tpu.memory_space<vmem_shared>>
      %dma_wait3A_108 = arith.constant 0 : i32
      %dma_wait3A_109 = tpu.memref_slice %arg19[%add3A_35, %dma_wait3A_108] : memref<10240x128xf32, #tpu.memory_space<vmem_shared>> -> memref<32x128xf32, #tpu.memory_space<vmem_shared>>
      tpu.wait_dma2 semaphore(%run_scoped3A : memref<!tpu.dma_semaphore, #tpu.memory_space<semaphore_mem>>) src(%arg13 : memref<32x128xf32, #tpu.memory_space<vmem>>) dst(%dma_wait3A_109 : memref<32x128xf32, #tpu.memory_space<vmem_shared>>)
      tpu.yield
    }) : () -> ()
    %add3A_36 = arith.constant 352 : i32
    %add3A_37 = arith.addi %mul3A_14, %add3A_36 : i32
    "tpu.region"() ({
      %run_scoped3A = tpu.sem_alloc : memref<!tpu.dma_semaphore, #tpu.memory_space<semaphore_mem>>
      %dma_start3A_103 = arith.constant 0 : i32
      %dma_start3A_104 = tpu.memref_slice %arg19[%add3A_37, %dma_start3A_103] : memref<10240x128xf32, #tpu.memory_space<vmem_shared>> -> memref<32x128xf32, #tpu.memory_space<vmem_shared>>
      %dma_start3A_105 = arith.constant 0 : i32
      %dma_start3A_106 = tpu.memref_slice %arg19[%add3A_37, %dma_start3A_105] : memref<10240x128xf32, #tpu.memory_space<vmem_shared>> -> memref<32x128xf32, #tpu.memory_space<vmem_shared>>
      tpu.enqueue_dma source(%arg13 : memref<32x128xf32, #tpu.memory_space<vmem>>) target(%dma_start3A_106 : memref<32x128xf32, #tpu.memory_space<vmem_shared>>) target_semaphore(%run_scoped3A : memref<!tpu.dma_semaphore, #tpu.memory_space<semaphore_mem>>)
      %dma_wait3A = arith.constant 0 : i32
      %dma_wait3A_107 = tpu.memref_slice %arg19[%add3A_37, %dma_wait3A] : memref<10240x128xf32, #tpu.memory_space<vmem_shared>> -> memref<32x128xf32, #tpu.memory_space<vmem_shared>>
      %dma_wait3A_108 = arith.constant 0 : i32
      %dma_wait3A_109 = tpu.memref_slice %arg19[%add3A_37, %dma_wait3A_108] : memref<10240x128xf32, #tpu.memory_space<vmem_shared>> -> memref<32x128xf32, #tpu.memory_space<vmem_shared>>
      tpu.wait_dma2 semaphore(%run_scoped3A : memref<!tpu.dma_semaphore, #tpu.memory_space<semaphore_mem>>) src(%arg13 : memref<32x128xf32, #tpu.memory_space<vmem>>) dst(%dma_wait3A_109 : memref<32x128xf32, #tpu.memory_space<vmem_shared>>)
      tpu.yield
    }) : () -> ()
    %add3A_38 = arith.constant 384 : i32
    %add3A_39 = arith.addi %mul3A_14, %add3A_38 : i32
    "tpu.region"() ({
      %run_scoped3A = tpu.sem_alloc : memref<!tpu.dma_semaphore, #tpu.memory_space<semaphore_mem>>
      %dma_start3A_103 = arith.constant 0 : i32
      %dma_start3A_104 = tpu.memref_slice %arg19[%add3A_39, %dma_start3A_103] : memref<10240x128xf32, #tpu.memory_space<vmem_shared>> -> memref<32x128xf32, #tpu.memory_space<vmem_shared>>
      %dma_start3A_105 = arith.constant 0 : i32
      %dma_start3A_106 = tpu.memref_slice %arg19[%add3A_39, %dma_start3A_105] : memref<10240x128xf32, #tpu.memory_space<vmem_shared>> -> memref<32x128xf32, #tpu.memory_space<vmem_shared>>
      tpu.enqueue_dma source(%arg13 : memref<32x128xf32, #tpu.memory_space<vmem>>) target(%dma_start3A_106 : memref<32x128xf32, #tpu.memory_space<vmem_shared>>) target_semaphore(%run_scoped3A : memref<!tpu.dma_semaphore, #tpu.memory_space<semaphore_mem>>)
      %dma_wait3A = arith.constant 0 : i32
      %dma_wait3A_107 = tpu.memref_slice %arg19[%add3A_39, %dma_wait3A] : memref<10240x128xf32, #tpu.memory_space<vmem_shared>> -> memref<32x128xf32, #tpu.memory_space<vmem_shared>>
      %dma_wait3A_108 = arith.constant 0 : i32
      %dma_wait3A_109 = tpu.memref_slice %arg19[%add3A_39, %dma_wait3A_108] : memref<10240x128xf32, #tpu.memory_space<vmem_shared>> -> memref<32x128xf32, #tpu.memory_space<vmem_shared>>
      tpu.wait_dma2 semaphore(%run_scoped3A : memref<!tpu.dma_semaphore, #tpu.memory_space<semaphore_mem>>) src(%arg13 : memref<32x128xf32, #tpu.memory_space<vmem>>) dst(%dma_wait3A_109 : memref<32x128xf32, #tpu.memory_space<vmem_shared>>)
      tpu.yield
    }) : () -> ()
    %add3A_40 = arith.constant 416 : i32
    %add3A_41 = arith.addi %mul3A_14, %add3A_40 : i32
    "tpu.region"() ({
      %run_scoped3A = tpu.sem_alloc : memref<!tpu.dma_semaphore, #tpu.memory_space<semaphore_mem>>
      %dma_start3A_103 = arith.constant 0 : i32
      %dma_start3A_104 = tpu.memref_slice %arg19[%add3A_41, %dma_start3A_103] : memref<10240x128xf32, #tpu.memory_space<vmem_shared>> -> memref<32x128xf32, #tpu.memory_space<vmem_shared>>
      %dma_start3A_105 = arith.constant 0 : i32
      %dma_start3A_106 = tpu.memref_slice %arg19[%add3A_41, %dma_start3A_105] : memref<10240x128xf32, #tpu.memory_space<vmem_shared>> -> memref<32x128xf32, #tpu.memory_space<vmem_shared>>
      tpu.enqueue_dma source(%arg13 : memref<32x128xf32, #tpu.memory_space<vmem>>) target(%dma_start3A_106 : memref<32x128xf32, #tpu.memory_space<vmem_shared>>) target_semaphore(%run_scoped3A : memref<!tpu.dma_semaphore, #tpu.memory_space<semaphore_mem>>)
      %dma_wait3A = arith.constant 0 : i32
      %dma_wait3A_107 = tpu.memref_slice %arg19[%add3A_41, %dma_wait3A] : memref<10240x128xf32, #tpu.memory_space<vmem_shared>> -> memref<32x128xf32, #tpu.memory_space<vmem_shared>>
      %dma_wait3A_108 = arith.constant 0 : i32
      %dma_wait3A_109 = tpu.memref_slice %arg19[%add3A_41, %dma_wait3A_108] : memref<10240x128xf32, #tpu.memory_space<vmem_shared>> -> memref<32x128xf32, #tpu.memory_space<vmem_shared>>
      tpu.wait_dma2 semaphore(%run_scoped3A : memref<!tpu.dma_semaphore, #tpu.memory_space<semaphore_mem>>) src(%arg13 : memref<32x128xf32, #tpu.memory_space<vmem>>) dst(%dma_wait3A_109 : memref<32x128xf32, #tpu.memory_space<vmem_shared>>)
      tpu.yield
    }) : () -> ()
    %add3A_42 = arith.constant 448 : i32
    %add3A_43 = arith.addi %mul3A_14, %add3A_42 : i32
    "tpu.region"() ({
      %run_scoped3A = tpu.sem_alloc : memref<!tpu.dma_semaphore, #tpu.memory_space<semaphore_mem>>
      %dma_start3A_103 = arith.constant 0 : i32
      %dma_start3A_104 = tpu.memref_slice %arg19[%add3A_43, %dma_start3A_103] : memref<10240x128xf32, #tpu.memory_space<vmem_shared>> -> memref<32x128xf32, #tpu.memory_space<vmem_shared>>
      %dma_start3A_105 = arith.constant 0 : i32
      %dma_start3A_106 = tpu.memref_slice %arg19[%add3A_43, %dma_start3A_105] : memref<10240x128xf32, #tpu.memory_space<vmem_shared>> -> memref<32x128xf32, #tpu.memory_space<vmem_shared>>
      tpu.enqueue_dma source(%arg13 : memref<32x128xf32, #tpu.memory_space<vmem>>) target(%dma_start3A_106 : memref<32x128xf32, #tpu.memory_space<vmem_shared>>) target_semaphore(%run_scoped3A : memref<!tpu.dma_semaphore, #tpu.memory_space<semaphore_mem>>)
      %dma_wait3A = arith.constant 0 : i32
      %dma_wait3A_107 = tpu.memref_slice %arg19[%add3A_43, %dma_wait3A] : memref<10240x128xf32, #tpu.memory_space<vmem_shared>> -> memref<32x128xf32, #tpu.memory_space<vmem_shared>>
      %dma_wait3A_108 = arith.constant 0 : i32
      %dma_wait3A_109 = tpu.memref_slice %arg19[%add3A_43, %dma_wait3A_108] : memref<10240x128xf32, #tpu.memory_space<vmem_shared>> -> memref<32x128xf32, #tpu.memory_space<vmem_shared>>
      tpu.wait_dma2 semaphore(%run_scoped3A : memref<!tpu.dma_semaphore, #tpu.memory_space<semaphore_mem>>) src(%arg13 : memref<32x128xf32, #tpu.memory_space<vmem>>) dst(%dma_wait3A_109 : memref<32x128xf32, #tpu.memory_space<vmem_shared>>)
      tpu.yield
    }) : () -> ()
    %add3A_44 = arith.constant 480 : i32
    %add3A_45 = arith.addi %mul3A_14, %add3A_44 : i32
    "tpu.region"() ({
      %run_scoped3A = tpu.sem_alloc : memref<!tpu.dma_semaphore, #tpu.memory_space<semaphore_mem>>
      %dma_start3A_103 = arith.constant 0 : i32
      %dma_start3A_104 = tpu.memref_slice %arg19[%add3A_45, %dma_start3A_103] : memref<10240x128xf32, #tpu.memory_space<vmem_shared>> -> memref<32x128xf32, #tpu.memory_space<vmem_shared>>
      %dma_start3A_105 = arith.constant 0 : i32
      %dma_start3A_106 = tpu.memref_slice %arg19[%add3A_45, %dma_start3A_105] : memref<10240x128xf32, #tpu.memory_space<vmem_shared>> -> memref<32x128xf32, #tpu.memory_space<vmem_shared>>
      tpu.enqueue_dma source(%arg13 : memref<32x128xf32, #tpu.memory_space<vmem>>) target(%dma_start3A_106 : memref<32x128xf32, #tpu.memory_space<vmem_shared>>) target_semaphore(%run_scoped3A : memref<!tpu.dma_semaphore, #tpu.memory_space<semaphore_mem>>)
      %dma_wait3A = arith.constant 0 : i32
      %dma_wait3A_107 = tpu.memref_slice %arg19[%add3A_45, %dma_wait3A] : memref<10240x128xf32, #tpu.memory_space<vmem_shared>> -> memref<32x128xf32, #tpu.memory_space<vmem_shared>>
      %dma_wait3A_108 = arith.constant 0 : i32
      %dma_wait3A_109 = tpu.memref_slice %arg19[%add3A_45, %dma_wait3A_108] : memref<10240x128xf32, #tpu.memory_space<vmem_shared>> -> memref<32x128xf32, #tpu.memory_space<vmem_shared>>
      tpu.wait_dma2 semaphore(%run_scoped3A : memref<!tpu.dma_semaphore, #tpu.memory_space<semaphore_mem>>) src(%arg13 : memref<32x128xf32, #tpu.memory_space<vmem>>) dst(%dma_wait3A_109 : memref<32x128xf32, #tpu.memory_space<vmem_shared>>)
      tpu.yield
    }) : () -> ()
    %add3A_46 = arith.constant 512 : i32
    %add3A_47 = arith.addi %mul3A_14, %add3A_46 : i32
    "tpu.region"() ({
      %run_scoped3A = tpu.sem_alloc : memref<!tpu.dma_semaphore, #tpu.memory_space<semaphore_mem>>
      %dma_start3A_103 = arith.constant 0 : i32
      %dma_start3A_104 = tpu.memref_slice %arg19[%add3A_47, %dma_start3A_103] : memref<10240x128xf32, #tpu.memory_space<vmem_shared>> -> memref<32x128xf32, #tpu.memory_space<vmem_shared>>
      %dma_start3A_105 = arith.constant 0 : i32
      %dma_start3A_106 = tpu.memref_slice %arg19[%add3A_47, %dma_start3A_105] : memref<10240x128xf32, #tpu.memory_space<vmem_shared>> -> memref<32x128xf32, #tpu.memory_space<vmem_shared>>
      tpu.enqueue_dma source(%arg13 : memref<32x128xf32, #tpu.memory_space<vmem>>) target(%dma_start3A_106 : memref<32x128xf32, #tpu.memory_space<vmem_shared>>) target_semaphore(%run_scoped3A : memref<!tpu.dma_semaphore, #tpu.memory_space<semaphore_mem>>)
      %dma_wait3A = arith.constant 0 : i32
      %dma_wait3A_107 = tpu.memref_slice %arg19[%add3A_47, %dma_wait3A] : memref<10240x128xf32, #tpu.memory_space<vmem_shared>> -> memref<32x128xf32, #tpu.memory_space<vmem_shared>>
      %dma_wait3A_108 = arith.constant 0 : i32
      %dma_wait3A_109 = tpu.memref_slice %arg19[%add3A_47, %dma_wait3A_108] : memref<10240x128xf32, #tpu.memory_space<vmem_shared>> -> memref<32x128xf32, #tpu.memory_space<vmem_shared>>
      tpu.wait_dma2 semaphore(%run_scoped3A : memref<!tpu.dma_semaphore, #tpu.memory_space<semaphore_mem>>) src(%arg13 : memref<32x128xf32, #tpu.memory_space<vmem>>) dst(%dma_wait3A_109 : memref<32x128xf32, #tpu.memory_space<vmem_shared>>)
      tpu.yield
    }) : () -> ()
    %add3A_48 = arith.constant 544 : i32
    %add3A_49 = arith.addi %mul3A_14, %add3A_48 : i32
    "tpu.region"() ({
      %run_scoped3A = tpu.sem_alloc : memref<!tpu.dma_semaphore, #tpu.memory_space<semaphore_mem>>
      %dma_start3A_103 = arith.constant 0 : i32
      %dma_start3A_104 = tpu.memref_slice %arg19[%add3A_49, %dma_start3A_103] : memref<10240x128xf32, #tpu.memory_space<vmem_shared>> -> memref<32x128xf32, #tpu.memory_space<vmem_shared>>
      %dma_start3A_105 = arith.constant 0 : i32
      %dma_start3A_106 = tpu.memref_slice %arg19[%add3A_49, %dma_start3A_105] : memref<10240x128xf32, #tpu.memory_space<vmem_shared>> -> memref<32x128xf32, #tpu.memory_space<vmem_shared>>
      tpu.enqueue_dma source(%arg13 : memref<32x128xf32, #tpu.memory_space<vmem>>) target(%dma_start3A_106 : memref<32x128xf32, #tpu.memory_space<vmem_shared>>) target_semaphore(%run_scoped3A : memref<!tpu.dma_semaphore, #tpu.memory_space<semaphore_mem>>)
      %dma_wait3A = arith.constant 0 : i32
      %dma_wait3A_107 = tpu.memref_slice %arg19[%add3A_49, %dma_wait3A] : memref<10240x128xf32, #tpu.memory_space<vmem_shared>> -> memref<32x128xf32, #tpu.memory_space<vmem_shared>>
      %dma_wait3A_108 = arith.constant 0 : i32
      %dma_wait3A_109 = tpu.memref_slice %arg19[%add3A_49, %dma_wait3A_108] : memref<10240x128xf32, #tpu.memory_space<vmem_shared>> -> memref<32x128xf32, #tpu.memory_space<vmem_shared>>
      tpu.wait_dma2 semaphore(%run_scoped3A : memref<!tpu.dma_semaphore, #tpu.memory_space<semaphore_mem>>) src(%arg13 : memref<32x128xf32, #tpu.memory_space<vmem>>) dst(%dma_wait3A_109 : memref<32x128xf32, #tpu.memory_space<vmem_shared>>)
      tpu.yield
    }) : () -> ()
    %add3A_50 = arith.constant 576 : i32
    %add3A_51 = arith.addi %mul3A_14, %add3A_50 : i32
    "tpu.region"() ({
      %run_scoped3A = tpu.sem_alloc : memref<!tpu.dma_semaphore, #tpu.memory_space<semaphore_mem>>
      %dma_start3A_103 = arith.constant 0 : i32
      %dma_start3A_104 = tpu.memref_slice %arg19[%add3A_51, %dma_start3A_103] : memref<10240x128xf32, #tpu.memory_space<vmem_shared>> -> memref<32x128xf32, #tpu.memory_space<vmem_shared>>
      %dma_start3A_105 = arith.constant 0 : i32
      %dma_start3A_106 = tpu.memref_slice %arg19[%add3A_51, %dma_start3A_105] : memref<10240x128xf32, #tpu.memory_space<vmem_shared>> -> memref<32x128xf32, #tpu.memory_space<vmem_shared>>
      tpu.enqueue_dma source(%arg13 : memref<32x128xf32, #tpu.memory_space<vmem>>) target(%dma_start3A_106 : memref<32x128xf32, #tpu.memory_space<vmem_shared>>) target_semaphore(%run_scoped3A : memref<!tpu.dma_semaphore, #tpu.memory_space<semaphore_mem>>)
      %dma_wait3A = arith.constant 0 : i32
      %dma_wait3A_107 = tpu.memref_slice %arg19[%add3A_51, %dma_wait3A] : memref<10240x128xf32, #tpu.memory_space<vmem_shared>> -> memref<32x128xf32, #tpu.memory_space<vmem_shared>>
      %dma_wait3A_108 = arith.constant 0 : i32
      %dma_wait3A_109 = tpu.memref_slice %arg19[%add3A_51, %dma_wait3A_108] : memref<10240x128xf32, #tpu.memory_space<vmem_shared>> -> memref<32x128xf32, #tpu.memory_space<vmem_shared>>
      tpu.wait_dma2 semaphore(%run_scoped3A : memref<!tpu.dma_semaphore, #tpu.memory_space<semaphore_mem>>) src(%arg13 : memref<32x128xf32, #tpu.memory_space<vmem>>) dst(%dma_wait3A_109 : memref<32x128xf32, #tpu.memory_space<vmem_shared>>)
      tpu.yield
    }) : () -> ()
    %add3A_52 = arith.constant 608 : i32
    %add3A_53 = arith.addi %mul3A_14, %add3A_52 : i32
    "tpu.region"() ({
      %run_scoped3A = tpu.sem_alloc : memref<!tpu.dma_semaphore, #tpu.memory_space<semaphore_mem>>
      %dma_start3A_103 = arith.constant 0 : i32
      %dma_start3A_104 = tpu.memref_slice %arg19[%add3A_53, %dma_start3A_103] : memref<10240x128xf32, #tpu.memory_space<vmem_shared>> -> memref<32x128xf32, #tpu.memory_space<vmem_shared>>
      %dma_start3A_105 = arith.constant 0 : i32
      %dma_start3A_106 = tpu.memref_slice %arg19[%add3A_53, %dma_start3A_105] : memref<10240x128xf32, #tpu.memory_space<vmem_shared>> -> memref<32x128xf32, #tpu.memory_space<vmem_shared>>
      tpu.enqueue_dma source(%arg13 : memref<32x128xf32, #tpu.memory_space<vmem>>) target(%dma_start3A_106 : memref<32x128xf32, #tpu.memory_space<vmem_shared>>) target_semaphore(%run_scoped3A : memref<!tpu.dma_semaphore, #tpu.memory_space<semaphore_mem>>)
      %dma_wait3A = arith.constant 0 : i32
      %dma_wait3A_107 = tpu.memref_slice %arg19[%add3A_53, %dma_wait3A] : memref<10240x128xf32, #tpu.memory_space<vmem_shared>> -> memref<32x128xf32, #tpu.memory_space<vmem_shared>>
      %dma_wait3A_108 = arith.constant 0 : i32
      %dma_wait3A_109 = tpu.memref_slice %arg19[%add3A_53, %dma_wait3A_108] : memref<10240x128xf32, #tpu.memory_space<vmem_shared>> -> memref<32x128xf32, #tpu.memory_space<vmem_shared>>
      tpu.wait_dma2 semaphore(%run_scoped3A : memref<!tpu.dma_semaphore, #tpu.memory_space<semaphore_mem>>) src(%arg13 : memref<32x128xf32, #tpu.memory_space<vmem>>) dst(%dma_wait3A_109 : memref<32x128xf32, #tpu.memory_space<vmem_shared>>)
      tpu.yield
    }) : () -> ()
    %barrier3A = arith.constant 0 : index
    tpu.barrier barrier_id(%barrier3A)
    %mul3A_54 = arith.constant 2 : i32
    %mul3A_55 = arith.muli %arg1, %mul3A_54 : i32
    %add3A_56 = arith.addi %mul3A_55, %arg0 : i32
    %mul3A_57 = arith.constant 80 : i32
    %mul3A_58 = arith.muli %add3A_56, %mul3A_57 : i32
    %mul3A_59 = arith.constant 128 : i32
    %mul3A_60 = arith.muli %mul3A_58, %mul3A_59 : i32
    %add3A_61 = arith.constant 0 : i32
    %add3A_62 = arith.addi %mul3A_60, %add3A_61 : i32
    "tpu.region"() ({
      %run_scoped3A = tpu.sem_alloc : memref<!tpu.dma_semaphore, #tpu.memory_space<semaphore_mem>>
      %dma_start3A_103 = tpu.memref_slice %arg2[%add3A_62] : memref<327680xi32, #tpu.memory_space<hbm>> -> memref<128xi32, #tpu.memory_space<hbm>>
      %dma_start3A_104 = tpu.memref_slice %arg2[%add3A_62] : memref<327680xi32, #tpu.memory_space<hbm>> -> memref<128xi32, #tpu.memory_space<hbm>>
      tpu.enqueue_dma source(%dma_start3A_104 : memref<128xi32, #tpu.memory_space<hbm>>) target(%arg7 : memref<128xi32, #tpu.memory_space<vmem>>) target_semaphore(%run_scoped3A : memref<!tpu.dma_semaphore, #tpu.memory_space<semaphore_mem>>)
      %dma_wait3A = tpu.memref_slice %arg2[%add3A_62] : memref<327680xi32, #tpu.memory_space<hbm>> -> memref<128xi32, #tpu.memory_space<hbm>>
      %dma_wait3A_105 = tpu.memref_slice %arg2[%add3A_62] : memref<327680xi32, #tpu.memory_space<hbm>> -> memref<128xi32, #tpu.memory_space<hbm>>
      tpu.wait_dma2 semaphore(%run_scoped3A : memref<!tpu.dma_semaphore, #tpu.memory_space<semaphore_mem>>) src(%dma_wait3A_105 : memref<128xi32, #tpu.memory_space<hbm>>) dst(%arg7 : memref<128xi32, #tpu.memory_space<vmem>>)
      tpu.yield
    }) : () -> ()
    %add3A_63 = arith.constant 0 : i32
    %add3A_64 = arith.addi %mul3A_60, %add3A_63 : i32
    "tpu.region"() ({
      %run_scoped3A = tpu.sem_alloc : memref<!tpu.dma_semaphore, #tpu.memory_space<semaphore_mem>>
      %dma_start3A_103 = tpu.memref_slice %arg3[%add3A_64] : memref<327680xi32, #tpu.memory_space<hbm>> -> memref<128xi32, #tpu.memory_space<hbm>>
      %dma_start3A_104 = tpu.memref_slice %arg3[%add3A_64] : memref<327680xi32, #tpu.memory_space<hbm>> -> memref<128xi32, #tpu.memory_space<hbm>>
      tpu.enqueue_dma source(%dma_start3A_104 : memref<128xi32, #tpu.memory_space<hbm>>) target(%arg9 : memref<128xi32, #tpu.memory_space<vmem>>) target_semaphore(%run_scoped3A : memref<!tpu.dma_semaphore, #tpu.memory_space<semaphore_mem>>)
      %dma_wait3A = tpu.memref_slice %arg3[%add3A_64] : memref<327680xi32, #tpu.memory_space<hbm>> -> memref<128xi32, #tpu.memory_space<hbm>>
      %dma_wait3A_105 = tpu.memref_slice %arg3[%add3A_64] : memref<327680xi32, #tpu.memory_space<hbm>> -> memref<128xi32, #tpu.memory_space<hbm>>
      tpu.wait_dma2 semaphore(%run_scoped3A : memref<!tpu.dma_semaphore, #tpu.memory_space<semaphore_mem>>) src(%dma_wait3A_105 : memref<128xi32, #tpu.memory_space<hbm>>) dst(%arg9 : memref<128xi32, #tpu.memory_space<vmem>>)
      tpu.yield
    }) : () -> ()
    %dma_start3A = arith.constant 0 : i32
    %dma_start3A_65 = arith.constant 0 : i32
    %dma_start3A_66 = tpu.memref_slice %arg4[%dma_start3A, %dma_start3A_65] : memref<10240x128xf32, #tpu.memory_space<hbm>> -> memref<10240x128xf32, #tpu.memory_space<hbm>>
    tpu.enqueue_indirect_dma source(%dma_start3A_66 : memref<10240x128xf32, #tpu.memory_space<hbm>>) target(%arg11 : memref<128x128xf32, #tpu.memory_space<vmem>>) offsets(%arg7 : memref<128xi32, #tpu.memory_space<vmem>>) semaphore(%arg15 : memref<!tpu.dma_semaphore, #tpu.memory_space<semaphore_mem>>)
    %add3A_67 = arith.constant 128 : i32
    %add3A_68 = arith.addi %mul3A_60, %add3A_67 : i32
    "tpu.region"() ({
      %run_scoped3A = tpu.sem_alloc : memref<!tpu.dma_semaphore, #tpu.memory_space<semaphore_mem>>
      %dma_start3A_103 = tpu.memref_slice %arg2[%add3A_68] : memref<327680xi32, #tpu.memory_space<hbm>> -> memref<128xi32, #tpu.memory_space<hbm>>
      %dma_start3A_104 = tpu.memref_slice %arg2[%add3A_68] : memref<327680xi32, #tpu.memory_space<hbm>> -> memref<128xi32, #tpu.memory_space<hbm>>
      tpu.enqueue_dma source(%dma_start3A_104 : memref<128xi32, #tpu.memory_space<hbm>>) target(%arg8 : memref<128xi32, #tpu.memory_space<vmem>>) target_semaphore(%run_scoped3A : memref<!tpu.dma_semaphore, #tpu.memory_space<semaphore_mem>>)
      %dma_wait3A = tpu.memref_slice %arg2[%add3A_68] : memref<327680xi32, #tpu.memory_space<hbm>> -> memref<128xi32, #tpu.memory_space<hbm>>
      %dma_wait3A_105 = tpu.memref_slice %arg2[%add3A_68] : memref<327680xi32, #tpu.memory_space<hbm>> -> memref<128xi32, #tpu.memory_space<hbm>>
      tpu.wait_dma2 semaphore(%run_scoped3A : memref<!tpu.dma_semaphore, #tpu.memory_space<semaphore_mem>>) src(%dma_wait3A_105 : memref<128xi32, #tpu.memory_space<hbm>>) dst(%arg8 : memref<128xi32, #tpu.memory_space<vmem>>)
      tpu.yield
    }) : () -> ()
    %add3A_69 = arith.constant 128 : i32
    %add3A_70 = arith.addi %mul3A_60, %add3A_69 : i32
    "tpu.region"() ({
      %run_scoped3A = tpu.sem_alloc : memref<!tpu.dma_semaphore, #tpu.memory_space<semaphore_mem>>
      %dma_start3A_103 = tpu.memref_slice %arg3[%add3A_70] : memref<327680xi32, #tpu.memory_space<hbm>> -> memref<128xi32, #tpu.memory_space<hbm>>
      %dma_start3A_104 = tpu.memref_slice %arg3[%add3A_70] : memref<327680xi32, #tpu.memory_space<hbm>> -> memref<128xi32, #tpu.memory_space<hbm>>
      tpu.enqueue_dma source(%dma_start3A_104 : memref<128xi32, #tpu.memory_space<hbm>>) target(%arg10 : memref<128xi32, #tpu.memory_space<vmem>>) target_semaphore(%run_scoped3A : memref<!tpu.dma_semaphore, #tpu.memory_space<semaphore_mem>>)
      %dma_wait3A = tpu.memref_slice %arg3[%add3A_70] : memref<327680xi32, #tpu.memory_space<hbm>> -> memref<128xi32, #tpu.memory_space<hbm>>
      %dma_wait3A_105 = tpu.memref_slice %arg3[%add3A_70] : memref<327680xi32, #tpu.memory_space<hbm>> -> memref<128xi32, #tpu.memory_space<hbm>>
      tpu.wait_dma2 semaphore(%run_scoped3A : memref<!tpu.dma_semaphore, #tpu.memory_space<semaphore_mem>>) src(%dma_wait3A_105 : memref<128xi32, #tpu.memory_space<hbm>>) dst(%arg10 : memref<128xi32, #tpu.memory_space<vmem>>)
      tpu.yield
    }) : () -> ()
    %dma_start3A_71 = arith.constant 0 : i32
    %dma_start3A_72 = arith.constant 0 : i32
    %dma_start3A_73 = tpu.memref_slice %arg4[%dma_start3A_71, %dma_start3A_72] : memref<10240x128xf32, #tpu.memory_space<hbm>> -> memref<10240x128xf32, #tpu.memory_space<hbm>>
    tpu.enqueue_indirect_dma source(%dma_start3A_73 : memref<10240x128xf32, #tpu.memory_space<hbm>>) target(%arg12 : memref<128x128xf32, #tpu.memory_space<vmem>>) offsets(%arg8 : memref<128xi32, #tpu.memory_space<vmem>>) semaphore(%arg16 : memref<!tpu.dma_semaphore, #tpu.memory_space<semaphore_mem>>)
    %scan3A_74 = arith.constant 0 : i32
    %scan3A_75 = arith.constant 0 : i32
    %scan3A_76 = arith.constant 40 : i32
    %scan3A_77 = arith.addi %scan3A_75, %scan3A_76 : i32
    %scan3A_78 = arith.constant 1 : i32
    scf.for %scan3A_103 = %scan3A_75 to %scan3A_77 step %scan3A_78  : i32 {
      %mul3A_104 = arith.constant 2 : i32
      %mul3A_105 = arith.muli %mul3A_104, %scan3A_103 : i32
      %add3A_106 = arith.constant 1 : i32
      %add3A_107 = arith.addi %mul3A_105, %add3A_106 : i32
      %dma_wait3A = arith.constant 0 : i32
      %dma_wait3A_108 = arith.constant 0 : i32
      %dma_wait3A_109 = tpu.memref_slice %arg4[%dma_wait3A, %dma_wait3A_108] : memref<10240x128xf32, #tpu.memory_space<hbm>> -> memref<10240x128xf32, #tpu.memory_space<hbm>>
      tpu.wait_indirect_dma semaphore(%arg15 : memref<!tpu.dma_semaphore, #tpu.memory_space<semaphore_mem>>) src(%dma_wait3A_109 : memref<10240x128xf32, #tpu.memory_space<hbm>>) dst(%arg11 : memref<128x128xf32, #tpu.memory_space<vmem>>)
      %dma_start3A_110 = arith.constant 0 : i32
      %dma_start3A_111 = arith.constant 0 : i32
      %dma_start3A_112 = tpu.memref_slice %arg19[%dma_start3A_110, %dma_start3A_111] : memref<10240x128xf32, #tpu.memory_space<vmem_shared>> -> memref<10240x128xf32, #tpu.memory_space<vmem_shared>>
      tpu.enqueue_indirect_dma source(%arg11 : memref<128x128xf32, #tpu.memory_space<vmem>>) target(%dma_start3A_112 : memref<10240x128xf32, #tpu.memory_space<vmem_shared>>) offsets(%arg9 : memref<128xi32, #tpu.memory_space<vmem>>) semaphore(%arg17 : memref<!tpu.dma_semaphore, #tpu.memory_space<semaphore_mem>>) {add = true}
      %get3A = arith.constant 0 : index
      %get3A_113 = tpu.vector_load %arg9[%get3A] {strides = array<i32>} : memref<128xi32, #tpu.memory_space<vmem>>, vector<16xi32>,
      tpu.vector_store_idx %arg14[%get3A_113], %broadcast_in_dim3A_2 {add = true} : memref<10240xf32, #tpu.memory_space<vmem>>[vector<16xi32>], vector<16xf32>,
      %get3A_114 = arith.constant 16 : index
      %get3A_115 = tpu.vector_load %arg9[%get3A_114] {strides = array<i32>} : memref<128xi32, #tpu.memory_space<vmem>>, vector<16xi32>,
      tpu.vector_store_idx %arg14[%get3A_115], %broadcast_in_dim3A_2 {add = true} : memref<10240xf32, #tpu.memory_space<vmem>>[vector<16xi32>], vector<16xf32>,
      %get3A_116 = arith.constant 32 : index
      %get3A_117 = tpu.vector_load %arg9[%get3A_116] {strides = array<i32>} : memref<128xi32, #tpu.memory_space<vmem>>, vector<16xi32>,
      tpu.vector_store_idx %arg14[%get3A_117], %broadcast_in_dim3A_2 {add = true} : memref<10240xf32, #tpu.memory_space<vmem>>[vector<16xi32>], vector<16xf32>,
      %get3A_118 = arith.constant 48 : index
      %get3A_119 = tpu.vector_load %arg9[%get3A_118] {strides = array<i32>} : memref<128xi32, #tpu.memory_space<vmem>>, vector<16xi32>,
      tpu.vector_store_idx %arg14[%get3A_119], %broadcast_in_dim3A_2 {add = true} : memref<10240xf32, #tpu.memory_space<vmem>>[vector<16xi32>], vector<16xf32>,
      %get3A_120 = arith.constant 64 : index
      %get3A_121 = tpu.vector_load %arg9[%get3A_120] {strides = array<i32>} : memref<128xi32, #tpu.memory_space<vmem>>, vector<16xi32>,
      tpu.vector_store_idx %arg14[%get3A_121], %broadcast_in_dim3A_2 {add = true} : memref<10240xf32, #tpu.memory_space<vmem>>[vector<16xi32>], vector<16xf32>,
      %get3A_122 = arith.constant 80 : index
      %get3A_123 = tpu.vector_load %arg9[%get3A_122] {strides = array<i32>} : memref<128xi32, #tpu.memory_space<vmem>>, vector<16xi32>,
      tpu.vector_store_idx %arg14[%get3A_123], %broadcast_in_dim3A_2 {add = true} : memref<10240xf32, #tpu.memory_space<vmem>>[vector<16xi32>], vector<16xf32>,
      %get3A_124 = arith.constant 96 : index
      %get3A_125 = tpu.vector_load %arg9[%get3A_124] {strides = array<i32>} : memref<128xi32, #tpu.memory_space<vmem>>, vector<16xi32>,
      tpu.vector_store_idx %arg14[%get3A_125], %broadcast_in_dim3A_2 {add = true} : memref<10240xf32, #tpu.memory_space<vmem>>[vector<16xi32>], vector<16xf32>,
      %get3A_126 = arith.constant 112 : index
      %get3A_127 = tpu.vector_load %arg9[%get3A_126] {strides = array<i32>} : memref<128xi32, #tpu.memory_space<vmem>>, vector<16xi32>,
      tpu.vector_store_idx %arg14[%get3A_127], %broadcast_in_dim3A_2 {add = true} : memref<10240xf32, #tpu.memory_space<vmem>>[vector<16xi32>], vector<16xf32>,
      %dma_wait3A_128 = arith.constant 0 : i32
      %dma_wait3A_129 = arith.constant 0 : i32
      %dma_wait3A_130 = tpu.memref_slice %arg4[%dma_wait3A_128, %dma_wait3A_129] : memref<10240x128xf32, #tpu.memory_space<hbm>> -> memref<10240x128xf32, #tpu.memory_space<hbm>>
      tpu.wait_indirect_dma semaphore(%arg16 : memref<!tpu.dma_semaphore, #tpu.memory_space<semaphore_mem>>) src(%dma_wait3A_130 : memref<10240x128xf32, #tpu.memory_space<hbm>>) dst(%arg12 : memref<128x128xf32, #tpu.memory_space<vmem>>)
      %dma_start3A_131 = arith.constant 0 : i32
      %dma_start3A_132 = arith.constant 0 : i32
      %dma_start3A_133 = tpu.memref_slice %arg19[%dma_start3A_131, %dma_start3A_132] : memref<10240x128xf32, #tpu.memory_space<vmem_shared>> -> memref<10240x128xf32, #tpu.memory_space<vmem_shared>>
      tpu.enqueue_indirect_dma source(%arg12 : memref<128x128xf32, #tpu.memory_space<vmem>>) target(%dma_start3A_133 : memref<10240x128xf32, #tpu.memory_space<vmem_shared>>) offsets(%arg10 : memref<128xi32, #tpu.memory_space<vmem>>) semaphore(%arg18 : memref<!tpu.dma_semaphore, #tpu.memory_space<semaphore_mem>>) {add = true}
      %get3A_134 = arith.constant 0 : index
      %get3A_135 = tpu.vector_load %arg10[%get3A_134] {strides = array<i32>} : memref<128xi32, #tpu.memory_space<vmem>>, vector<16xi32>,
      tpu.vector_store_idx %arg14[%get3A_135], %broadcast_in_dim3A_2 {add = true} : memref<10240xf32, #tpu.memory_space<vmem>>[vector<16xi32>], vector<16xf32>,
      %get3A_136 = arith.constant 16 : index
      %get3A_137 = tpu.vector_load %arg10[%get3A_136] {strides = array<i32>} : memref<128xi32, #tpu.memory_space<vmem>>, vector<16xi32>,
      tpu.vector_store_idx %arg14[%get3A_137], %broadcast_in_dim3A_2 {add = true} : memref<10240xf32, #tpu.memory_space<vmem>>[vector<16xi32>], vector<16xf32>,
      %get3A_138 = arith.constant 32 : index
      %get3A_139 = tpu.vector_load %arg10[%get3A_138] {strides = array<i32>} : memref<128xi32, #tpu.memory_space<vmem>>, vector<16xi32>,
      tpu.vector_store_idx %arg14[%get3A_139], %broadcast_in_dim3A_2 {add = true} : memref<10240xf32, #tpu.memory_space<vmem>>[vector<16xi32>], vector<16xf32>,
      %get3A_140 = arith.constant 48 : index
      %get3A_141 = tpu.vector_load %arg10[%get3A_140] {strides = array<i32>} : memref<128xi32, #tpu.memory_space<vmem>>, vector<16xi32>,
      tpu.vector_store_idx %arg14[%get3A_141], %broadcast_in_dim3A_2 {add = true} : memref<10240xf32, #tpu.memory_space<vmem>>[vector<16xi32>], vector<16xf32>,
      %get3A_142 = arith.constant 64 : index
      %get3A_143 = tpu.vector_load %arg10[%get3A_142] {strides = array<i32>} : memref<128xi32, #tpu.memory_space<vmem>>, vector<16xi32>,
      tpu.vector_store_idx %arg14[%get3A_143], %broadcast_in_dim3A_2 {add = true} : memref<10240xf32, #tpu.memory_space<vmem>>[vector<16xi32>], vector<16xf32>,
      %get3A_144 = arith.constant 80 : index
      %get3A_145 = tpu.vector_load %arg10[%get3A_144] {strides = array<i32>} : memref<128xi32, #tpu.memory_space<vmem>>, vector<16xi32>,
      tpu.vector_store_idx %arg14[%get3A_145], %broadcast_in_dim3A_2 {add = true} : memref<10240xf32, #tpu.memory_space<vmem>>[vector<16xi32>], vector<16xf32>,
      %get3A_146 = arith.constant 96 : index
      %get3A_147 = tpu.vector_load %arg10[%get3A_146] {strides = array<i32>} : memref<128xi32, #tpu.memory_space<vmem>>, vector<16xi32>,
      tpu.vector_store_idx %arg14[%get3A_147], %broadcast_in_dim3A_2 {add = true} : memref<10240xf32, #tpu.memory_space<vmem>>[vector<16xi32>], vector<16xf32>,
      %get3A_148 = arith.constant 112 : index
      %get3A_149 = tpu.vector_load %arg10[%get3A_148] {strides = array<i32>} : memref<128xi32, #tpu.memory_space<vmem>>, vector<16xi32>,
      tpu.vector_store_idx %arg14[%get3A_149], %broadcast_in_dim3A_2 {add = true} : memref<10240xf32, #tpu.memory_space<vmem>>[vector<16xi32>], vector<16xf32>,
      %dma_wait3A_150 = arith.constant 0 : i32
      %dma_wait3A_151 = arith.constant 0 : i32
      %dma_wait3A_152 = tpu.memref_slice %arg19[%dma_wait3A_150, %dma_wait3A_151] : memref<10240x128xf32, #tpu.memory_space<vmem_shared>> -> memref<10240x128xf32, #tpu.memory_space<vmem_shared>>
      tpu.wait_indirect_dma semaphore(%arg17 : memref<!tpu.dma_semaphore, #tpu.memory_space<semaphore_mem>>) src(%arg11 : memref<128x128xf32, #tpu.memory_space<vmem>>) dst(%dma_wait3A_152 : memref<10240x128xf32, #tpu.memory_space<vmem_shared>>)
      %add3A_153 = arith.constant 2 : i32
      %add3A_154 = arith.addi %mul3A_105, %add3A_153 : i32
      %lt3A = arith.constant 80 : i32
      %lt3A_155 = arith.cmpi slt, %add3A_154, %lt3A : i32
      %convert_element_type3A = arith.extui %lt3A_155 : i1 to i32
      %cond3A = arith.constant 0 : i32
      %cond3A_156 = arith.cmpi ne, %convert_element_type3A, %cond3A : i32
      scf.if %cond3A_156 {
        %add3A_167 = arith.constant 2 : i32
        %add3A_168 = arith.addi %mul3A_105, %add3A_167 : i32
        %mul3A_169 = arith.constant 128 : i32
        %mul3A_170 = arith.muli %add3A_168, %mul3A_169 : i32
        %add3A_171 = arith.addi %mul3A_60, %mul3A_170 : i32
        "tpu.region"() ({
          %run_scoped3A = tpu.sem_alloc : memref<!tpu.dma_semaphore, #tpu.memory_space<semaphore_mem>>
          %dma_start3A_178 = tpu.memref_slice %arg2[%add3A_171] : memref<327680xi32, #tpu.memory_space<hbm>> -> memref<128xi32, #tpu.memory_space<hbm>>
          %dma_start3A_179 = tpu.memref_slice %arg2[%add3A_171] : memref<327680xi32, #tpu.memory_space<hbm>> -> memref<128xi32, #tpu.memory_space<hbm>>
          tpu.enqueue_dma source(%dma_start3A_179 : memref<128xi32, #tpu.memory_space<hbm>>) target(%arg7 : memref<128xi32, #tpu.memory_space<vmem>>) target_semaphore(%run_scoped3A : memref<!tpu.dma_semaphore, #tpu.memory_space<semaphore_mem>>)
          %dma_wait3A_180 = tpu.memref_slice %arg2[%add3A_171] : memref<327680xi32, #tpu.memory_space<hbm>> -> memref<128xi32, #tpu.memory_space<hbm>>
          %dma_wait3A_181 = tpu.memref_slice %arg2[%add3A_171] : memref<327680xi32, #tpu.memory_space<hbm>> -> memref<128xi32, #tpu.memory_space<hbm>>
          tpu.wait_dma2 semaphore(%run_scoped3A : memref<!tpu.dma_semaphore, #tpu.memory_space<semaphore_mem>>) src(%dma_wait3A_181 : memref<128xi32, #tpu.memory_space<hbm>>) dst(%arg7 : memref<128xi32, #tpu.memory_space<vmem>>)
          tpu.yield
        }) : () -> ()
        %mul3A_172 = arith.constant 128 : i32
        %mul3A_173 = arith.muli %add3A_168, %mul3A_172 : i32
        %add3A_174 = arith.addi %mul3A_60, %mul3A_173 : i32
        "tpu.region"() ({
          %run_scoped3A = tpu.sem_alloc : memref<!tpu.dma_semaphore, #tpu.memory_space<semaphore_mem>>
          %dma_start3A_178 = tpu.memref_slice %arg3[%add3A_174] : memref<327680xi32, #tpu.memory_space<hbm>> -> memref<128xi32, #tpu.memory_space<hbm>>
          %dma_start3A_179 = tpu.memref_slice %arg3[%add3A_174] : memref<327680xi32, #tpu.memory_space<hbm>> -> memref<128xi32, #tpu.memory_space<hbm>>
          tpu.enqueue_dma source(%dma_start3A_179 : memref<128xi32, #tpu.memory_space<hbm>>) target(%arg9 : memref<128xi32, #tpu.memory_space<vmem>>) target_semaphore(%run_scoped3A : memref<!tpu.dma_semaphore, #tpu.memory_space<semaphore_mem>>)
          %dma_wait3A_180 = tpu.memref_slice %arg3[%add3A_174] : memref<327680xi32, #tpu.memory_space<hbm>> -> memref<128xi32, #tpu.memory_space<hbm>>
          %dma_wait3A_181 = tpu.memref_slice %arg3[%add3A_174] : memref<327680xi32, #tpu.memory_space<hbm>> -> memref<128xi32, #tpu.memory_space<hbm>>
          tpu.wait_dma2 semaphore(%run_scoped3A : memref<!tpu.dma_semaphore, #tpu.memory_space<semaphore_mem>>) src(%dma_wait3A_181 : memref<128xi32, #tpu.memory_space<hbm>>) dst(%arg9 : memref<128xi32, #tpu.memory_space<vmem>>)
          tpu.yield
        }) : () -> ()
        %dma_start3A_175 = arith.constant 0 : i32
        %dma_start3A_176 = arith.constant 0 : i32
        %dma_start3A_177 = tpu.memref_slice %arg4[%dma_start3A_175, %dma_start3A_176] : memref<10240x128xf32, #tpu.memory_space<hbm>> -> memref<10240x128xf32, #tpu.memory_space<hbm>>
        tpu.enqueue_indirect_dma source(%dma_start3A_177 : memref<10240x128xf32, #tpu.memory_space<hbm>>) target(%arg11 : memref<128x128xf32, #tpu.memory_space<vmem>>) offsets(%arg7 : memref<128xi32, #tpu.memory_space<vmem>>) semaphore(%arg15 : memref<!tpu.dma_semaphore, #tpu.memory_space<semaphore_mem>>)
      } else {
      }
      %dma_wait3A_157 = arith.constant 0 : i32
      %dma_wait3A_158 = arith.constant 0 : i32
      %dma_wait3A_159 = tpu.memref_slice %arg19[%dma_wait3A_157, %dma_wait3A_158] : memref<10240x128xf32, #tpu.memory_space<vmem_shared>> -> memref<10240x128xf32, #tpu.memory_space<vmem_shared>>
      tpu.wait_indirect_dma semaphore(%arg18 : memref<!tpu.dma_semaphore, #tpu.memory_space<semaphore_mem>>) src(%arg12 : memref<128x128xf32, #tpu.memory_space<vmem>>) dst(%dma_wait3A_159 : memref<10240x128xf32, #tpu.memory_space<vmem_shared>>)
      %add3A_160 = arith.constant 2 : i32
      %add3A_161 = arith.addi %add3A_107, %add3A_160 : i32
      %lt3A_162 = arith.constant 80 : i32
      %lt3A_163 = arith.cmpi slt, %add3A_161, %lt3A_162 : i32
      %convert_element_type3A_164 = arith.extui %lt3A_163 : i1 to i32
      %cond3A_165 = arith.constant 0 : i32
      %cond3A_166 = arith.cmpi ne, %convert_element_type3A_164, %cond3A_165 : i32
      scf.if %cond3A_166 {
        %add3A_167 = arith.constant 2 : i32
        %add3A_168 = arith.addi %add3A_107, %add3A_167 : i32
        %mul3A_169 = arith.constant 128 : i32
        %mul3A_170 = arith.muli %add3A_168, %mul3A_169 : i32
        %add3A_171 = arith.addi %mul3A_60, %mul3A_170 : i32
        "tpu.region"() ({
          %run_scoped3A = tpu.sem_alloc : memref<!tpu.dma_semaphore, #tpu.memory_space<semaphore_mem>>
          %dma_start3A_178 = tpu.memref_slice %arg2[%add3A_171] : memref<327680xi32, #tpu.memory_space<hbm>> -> memref<128xi32, #tpu.memory_space<hbm>>
          %dma_start3A_179 = tpu.memref_slice %arg2[%add3A_171] : memref<327680xi32, #tpu.memory_space<hbm>> -> memref<128xi32, #tpu.memory_space<hbm>>
          tpu.enqueue_dma source(%dma_start3A_179 : memref<128xi32, #tpu.memory_space<hbm>>) target(%arg8 : memref<128xi32, #tpu.memory_space<vmem>>) target_semaphore(%run_scoped3A : memref<!tpu.dma_semaphore, #tpu.memory_space<semaphore_mem>>)
          %dma_wait3A_180 = tpu.memref_slice %arg2[%add3A_171] : memref<327680xi32, #tpu.memory_space<hbm>> -> memref<128xi32, #tpu.memory_space<hbm>>
          %dma_wait3A_181 = tpu.memref_slice %arg2[%add3A_171] : memref<327680xi32, #tpu.memory_space<hbm>> -> memref<128xi32, #tpu.memory_space<hbm>>
          tpu.wait_dma2 semaphore(%run_scoped3A : memref<!tpu.dma_semaphore, #tpu.memory_space<semaphore_mem>>) src(%dma_wait3A_181 : memref<128xi32, #tpu.memory_space<hbm>>) dst(%arg8 : memref<128xi32, #tpu.memory_space<vmem>>)
          tpu.yield
        }) : () -> ()
        %mul3A_172 = arith.constant 128 : i32
        %mul3A_173 = arith.muli %add3A_168, %mul3A_172 : i32
        %add3A_174 = arith.addi %mul3A_60, %mul3A_173 : i32
        "tpu.region"() ({
          %run_scoped3A = tpu.sem_alloc : memref<!tpu.dma_semaphore, #tpu.memory_space<semaphore_mem>>
          %dma_start3A_178 = tpu.memref_slice %arg3[%add3A_174] : memref<327680xi32, #tpu.memory_space<hbm>> -> memref<128xi32, #tpu.memory_space<hbm>>
          %dma_start3A_179 = tpu.memref_slice %arg3[%add3A_174] : memref<327680xi32, #tpu.memory_space<hbm>> -> memref<128xi32, #tpu.memory_space<hbm>>
          tpu.enqueue_dma source(%dma_start3A_179 : memref<128xi32, #tpu.memory_space<hbm>>) target(%arg10 : memref<128xi32, #tpu.memory_space<vmem>>) target_semaphore(%run_scoped3A : memref<!tpu.dma_semaphore, #tpu.memory_space<semaphore_mem>>)
          %dma_wait3A_180 = tpu.memref_slice %arg3[%add3A_174] : memref<327680xi32, #tpu.memory_space<hbm>> -> memref<128xi32, #tpu.memory_space<hbm>>
          %dma_wait3A_181 = tpu.memref_slice %arg3[%add3A_174] : memref<327680xi32, #tpu.memory_space<hbm>> -> memref<128xi32, #tpu.memory_space<hbm>>
          tpu.wait_dma2 semaphore(%run_scoped3A : memref<!tpu.dma_semaphore, #tpu.memory_space<semaphore_mem>>) src(%dma_wait3A_181 : memref<128xi32, #tpu.memory_space<hbm>>) dst(%arg10 : memref<128xi32, #tpu.memory_space<vmem>>)
          tpu.yield
        }) : () -> ()
        %dma_start3A_175 = arith.constant 0 : i32
        %dma_start3A_176 = arith.constant 0 : i32
        %dma_start3A_177 = tpu.memref_slice %arg4[%dma_start3A_175, %dma_start3A_176] : memref<10240x128xf32, #tpu.memory_space<hbm>> -> memref<10240x128xf32, #tpu.memory_space<hbm>>
        tpu.enqueue_indirect_dma source(%dma_start3A_177 : memref<10240x128xf32, #tpu.memory_space<hbm>>) target(%arg12 : memref<128x128xf32, #tpu.memory_space<vmem>>) offsets(%arg8 : memref<128xi32, #tpu.memory_space<vmem>>) semaphore(%arg16 : memref<!tpu.dma_semaphore, #tpu.memory_space<semaphore_mem>>)
      } else {
      }
    }
    %scan3A_79 = arith.constant 40 : i32
    %barrier3A_80 = arith.constant 0 : index
    tpu.barrier barrier_id(%barrier3A_80)
    %add3A_81 = arith.constant 0 : i32
    %add3A_82 = arith.addi %mul3A_14, %add3A_81 : i32
    %add3A_83 = arith.constant 0 : i32
    %add3A_84 = arith.addi %mul3A_14, %add3A_83 : i32
    "tpu.region"() ({
      %run_scoped3A = tpu.sem_alloc : memref<!tpu.dma_semaphore, #tpu.memory_space<semaphore_mem>>
      %dma_start3A_103 = arith.constant 0 : i32
      %dma_start3A_104 = tpu.memref_slice %arg5[%arg0, %add3A_84, %dma_start3A_103] : memref<2x10240x128xf32, #tpu.memory_space<hbm>> -> memref<1x128x128xf32, #tpu.memory_space<hbm>>
      %dma_start3A_105 = tpu.memref_squeeze %dma_start3A_104 : memref<1x128x128xf32, #tpu.memory_space<hbm>> -> memref<128x128xf32, #tpu.memory_space<hbm>>
      %dma_start3A_106 = arith.constant 0 : i32
      %dma_start3A_107 = tpu.memref_slice %arg19[%add3A_82, %dma_start3A_106] : memref<10240x128xf32, #tpu.memory_space<vmem_shared>> -> memref<128x128xf32, #tpu.memory_space<vmem_shared>>
      tpu.enqueue_dma source(%dma_start3A_107 : memref<128x128xf32, #tpu.memory_space<vmem_shared>>) target(%dma_start3A_105 : memref<128x128xf32, #tpu.memory_space<hbm>>) target_semaphore(%run_scoped3A : memref<!tpu.dma_semaphore, #tpu.memory_space<semaphore_mem>>)
      %dma_wait3A = arith.constant 0 : i32
      %dma_wait3A_108 = tpu.memref_slice %arg5[%arg0, %add3A_84, %dma_wait3A] : memref<2x10240x128xf32, #tpu.memory_space<hbm>> -> memref<1x128x128xf32, #tpu.memory_space<hbm>>
      %dma_wait3A_109 = tpu.memref_squeeze %dma_wait3A_108 : memref<1x128x128xf32, #tpu.memory_space<hbm>> -> memref<128x128xf32, #tpu.memory_space<hbm>>
      %dma_wait3A_110 = arith.constant 0 : i32
      %dma_wait3A_111 = tpu.memref_slice %arg19[%add3A_82, %dma_wait3A_110] : memref<10240x128xf32, #tpu.memory_space<vmem_shared>> -> memref<128x128xf32, #tpu.memory_space<vmem_shared>>
      tpu.wait_dma2 semaphore(%run_scoped3A : memref<!tpu.dma_semaphore, #tpu.memory_space<semaphore_mem>>) src(%dma_wait3A_111 : memref<128x128xf32, #tpu.memory_space<vmem_shared>>) dst(%dma_wait3A_109 : memref<128x128xf32, #tpu.memory_space<hbm>>)
      tpu.yield
    }) : () -> ()
    %add3A_85 = arith.constant 128 : i32
    %add3A_86 = arith.addi %mul3A_14, %add3A_85 : i32
    %add3A_87 = arith.constant 128 : i32
    %add3A_88 = arith.addi %mul3A_14, %add3A_87 : i32
    "tpu.region"() ({
      %run_scoped3A = tpu.sem_alloc : memref<!tpu.dma_semaphore, #tpu.memory_space<semaphore_mem>>
      %dma_start3A_103 = arith.constant 0 : i32
      %dma_start3A_104 = tpu.memref_slice %arg5[%arg0, %add3A_88, %dma_start3A_103] : memref<2x10240x128xf32, #tpu.memory_space<hbm>> -> memref<1x128x128xf32, #tpu.memory_space<hbm>>
      %dma_start3A_105 = tpu.memref_squeeze %dma_start3A_104 : memref<1x128x128xf32, #tpu.memory_space<hbm>> -> memref<128x128xf32, #tpu.memory_space<hbm>>
      %dma_start3A_106 = arith.constant 0 : i32
      %dma_start3A_107 = tpu.memref_slice %arg19[%add3A_86, %dma_start3A_106] : memref<10240x128xf32, #tpu.memory_space<vmem_shared>> -> memref<128x128xf32, #tpu.memory_space<vmem_shared>>
      tpu.enqueue_dma source(%dma_start3A_107 : memref<128x128xf32, #tpu.memory_space<vmem_shared>>) target(%dma_start3A_105 : memref<128x128xf32, #tpu.memory_space<hbm>>) target_semaphore(%run_scoped3A : memref<!tpu.dma_semaphore, #tpu.memory_space<semaphore_mem>>)
      %dma_wait3A = arith.constant 0 : i32
      %dma_wait3A_108 = tpu.memref_slice %arg5[%arg0, %add3A_88, %dma_wait3A] : memref<2x10240x128xf32, #tpu.memory_space<hbm>> -> memref<1x128x128xf32, #tpu.memory_space<hbm>>
      %dma_wait3A_109 = tpu.memref_squeeze %dma_wait3A_108 : memref<1x128x128xf32, #tpu.memory_space<hbm>> -> memref<128x128xf32, #tpu.memory_space<hbm>>
      %dma_wait3A_110 = arith.constant 0 : i32
      %dma_wait3A_111 = tpu.memref_slice %arg19[%add3A_86, %dma_wait3A_110] : memref<10240x128xf32, #tpu.memory_space<vmem_shared>> -> memref<128x128xf32, #tpu.memory_space<vmem_shared>>
      tpu.wait_dma2 semaphore(%run_scoped3A : memref<!tpu.dma_semaphore, #tpu.memory_space<semaphore_mem>>) src(%dma_wait3A_111 : memref<128x128xf32, #tpu.memory_space<vmem_shared>>) dst(%dma_wait3A_109 : memref<128x128xf32, #tpu.memory_space<hbm>>)
      tpu.yield
    }) : () -> ()
    %add3A_89 = arith.constant 256 : i32
    %add3A_90 = arith.addi %mul3A_14, %add3A_89 : i32
    %add3A_91 = arith.constant 256 : i32
    %add3A_92 = arith.addi %mul3A_14, %add3A_91 : i32
    "tpu.region"() ({
      %run_scoped3A = tpu.sem_alloc : memref<!tpu.dma_semaphore, #tpu.memory_space<semaphore_mem>>
      %dma_start3A_103 = arith.constant 0 : i32
      %dma_start3A_104 = tpu.memref_slice %arg5[%arg0, %add3A_92, %dma_start3A_103] : memref<2x10240x128xf32, #tpu.memory_space<hbm>> -> memref<1x128x128xf32, #tpu.memory_space<hbm>>
      %dma_start3A_105 = tpu.memref_squeeze %dma_start3A_104 : memref<1x128x128xf32, #tpu.memory_space<hbm>> -> memref<128x128xf32, #tpu.memory_space<hbm>>
      %dma_start3A_106 = arith.constant 0 : i32
      %dma_start3A_107 = tpu.memref_slice %arg19[%add3A_90, %dma_start3A_106] : memref<10240x128xf32, #tpu.memory_space<vmem_shared>> -> memref<128x128xf32, #tpu.memory_space<vmem_shared>>
      tpu.enqueue_dma source(%dma_start3A_107 : memref<128x128xf32, #tpu.memory_space<vmem_shared>>) target(%dma_start3A_105 : memref<128x128xf32, #tpu.memory_space<hbm>>) target_semaphore(%run_scoped3A : memref<!tpu.dma_semaphore, #tpu.memory_space<semaphore_mem>>)
      %dma_wait3A = arith.constant 0 : i32
      %dma_wait3A_108 = tpu.memref_slice %arg5[%arg0, %add3A_92, %dma_wait3A] : memref<2x10240x128xf32, #tpu.memory_space<hbm>> -> memref<1x128x128xf32, #tpu.memory_space<hbm>>
      %dma_wait3A_109 = tpu.memref_squeeze %dma_wait3A_108 : memref<1x128x128xf32, #tpu.memory_space<hbm>> -> memref<128x128xf32, #tpu.memory_space<hbm>>
      %dma_wait3A_110 = arith.constant 0 : i32
      %dma_wait3A_111 = tpu.memref_slice %arg19[%add3A_90, %dma_wait3A_110] : memref<10240x128xf32, #tpu.memory_space<vmem_shared>> -> memref<128x128xf32, #tpu.memory_space<vmem_shared>>
      tpu.wait_dma2 semaphore(%run_scoped3A : memref<!tpu.dma_semaphore, #tpu.memory_space<semaphore_mem>>) src(%dma_wait3A_111 : memref<128x128xf32, #tpu.memory_space<vmem_shared>>) dst(%dma_wait3A_109 : memref<128x128xf32, #tpu.memory_space<hbm>>)
      tpu.yield
    }) : () -> ()
    %add3A_93 = arith.constant 384 : i32
    %add3A_94 = arith.addi %mul3A_14, %add3A_93 : i32
    %add3A_95 = arith.constant 384 : i32
    %add3A_96 = arith.addi %mul3A_14, %add3A_95 : i32
    "tpu.region"() ({
      %run_scoped3A = tpu.sem_alloc : memref<!tpu.dma_semaphore, #tpu.memory_space<semaphore_mem>>
      %dma_start3A_103 = arith.constant 0 : i32
      %dma_start3A_104 = tpu.memref_slice %arg5[%arg0, %add3A_96, %dma_start3A_103] : memref<2x10240x128xf32, #tpu.memory_space<hbm>> -> memref<1x128x128xf32, #tpu.memory_space<hbm>>
      %dma_start3A_105 = tpu.memref_squeeze %dma_start3A_104 : memref<1x128x128xf32, #tpu.memory_space<hbm>> -> memref<128x128xf32, #tpu.memory_space<hbm>>
      %dma_start3A_106 = arith.constant 0 : i32
      %dma_start3A_107 = tpu.memref_slice %arg19[%add3A_94, %dma_start3A_106] : memref<10240x128xf32, #tpu.memory_space<vmem_shared>> -> memref<128x128xf32, #tpu.memory_space<vmem_shared>>
      tpu.enqueue_dma source(%dma_start3A_107 : memref<128x128xf32, #tpu.memory_space<vmem_shared>>) target(%dma_start3A_105 : memref<128x128xf32, #tpu.memory_space<hbm>>) target_semaphore(%run_scoped3A : memref<!tpu.dma_semaphore, #tpu.memory_space<semaphore_mem>>)
      %dma_wait3A = arith.constant 0 : i32
      %dma_wait3A_108 = tpu.memref_slice %arg5[%arg0, %add3A_96, %dma_wait3A] : memref<2x10240x128xf32, #tpu.memory_space<hbm>> -> memref<1x128x128xf32, #tpu.memory_space<hbm>>
      %dma_wait3A_109 = tpu.memref_squeeze %dma_wait3A_108 : memref<1x128x128xf32, #tpu.memory_space<hbm>> -> memref<128x128xf32, #tpu.memory_space<hbm>>
      %dma_wait3A_110 = arith.constant 0 : i32
      %dma_wait3A_111 = tpu.memref_slice %arg19[%add3A_94, %dma_wait3A_110] : memref<10240x128xf32, #tpu.memory_space<vmem_shared>> -> memref<128x128xf32, #tpu.memory_space<vmem_shared>>
      tpu.wait_dma2 semaphore(%run_scoped3A : memref<!tpu.dma_semaphore, #tpu.memory_space<semaphore_mem>>) src(%dma_wait3A_111 : memref<128x128xf32, #tpu.memory_space<vmem_shared>>) dst(%dma_wait3A_109 : memref<128x128xf32, #tpu.memory_space<hbm>>)
      tpu.yield
    }) : () -> ()
    %add3A_97 = arith.constant 512 : i32
    %add3A_98 = arith.addi %mul3A_14, %add3A_97 : i32
    %add3A_99 = arith.constant 512 : i32
    %add3A_100 = arith.addi %mul3A_14, %add3A_99 : i32
    "tpu.region"() ({
      %run_scoped3A = tpu.sem_alloc : memref<!tpu.dma_semaphore, #tpu.memory_space<semaphore_mem>>
      %dma_start3A_103 = arith.constant 0 : i32
      %dma_start3A_104 = tpu.memref_slice %arg5[%arg0, %add3A_100, %dma_start3A_103] : memref<2x10240x128xf32, #tpu.memory_space<hbm>> -> memref<1x128x128xf32, #tpu.memory_space<hbm>>
      %dma_start3A_105 = tpu.memref_squeeze %dma_start3A_104 : memref<1x128x128xf32, #tpu.memory_space<hbm>> -> memref<128x128xf32, #tpu.memory_space<hbm>>
      %dma_start3A_106 = arith.constant 0 : i32
      %dma_start3A_107 = tpu.memref_slice %arg19[%add3A_98, %dma_start3A_106] : memref<10240x128xf32, #tpu.memory_space<vmem_shared>> -> memref<128x128xf32, #tpu.memory_space<vmem_shared>>
      tpu.enqueue_dma source(%dma_start3A_107 : memref<128x128xf32, #tpu.memory_space<vmem_shared>>) target(%dma_start3A_105 : memref<128x128xf32, #tpu.memory_space<hbm>>) target_semaphore(%run_scoped3A : memref<!tpu.dma_semaphore, #tpu.memory_space<semaphore_mem>>)
      %dma_wait3A = arith.constant 0 : i32
      %dma_wait3A_108 = tpu.memref_slice %arg5[%arg0, %add3A_100, %dma_wait3A] : memref<2x10240x128xf32, #tpu.memory_space<hbm>> -> memref<1x128x128xf32, #tpu.memory_space<hbm>>
      %dma_wait3A_109 = tpu.memref_squeeze %dma_wait3A_108 : memref<1x128x128xf32, #tpu.memory_space<hbm>> -> memref<128x128xf32, #tpu.memory_space<hbm>>
      %dma_wait3A_110 = arith.constant 0 : i32
      %dma_wait3A_111 = tpu.memref_slice %arg19[%add3A_98, %dma_wait3A_110] : memref<10240x128xf32, #tpu.memory_space<vmem_shared>> -> memref<128x128xf32, #tpu.memory_space<vmem_shared>>
      tpu.wait_dma2 semaphore(%run_scoped3A : memref<!tpu.dma_semaphore, #tpu.memory_space<semaphore_mem>>) src(%dma_wait3A_111 : memref<128x128xf32, #tpu.memory_space<vmem_shared>>) dst(%dma_wait3A_109 : memref<128x128xf32, #tpu.memory_space<hbm>>)
      tpu.yield
    }) : () -> ()
    %mul3A_101 = arith.constant 10240 : i32
    %mul3A_102 = arith.muli %arg1, %mul3A_101 : i32
    "tpu.region"() ({
      %run_scoped3A = tpu.sem_alloc : memref<!tpu.dma_semaphore, #tpu.memory_space<semaphore_mem>>
      %dma_start3A_103 = tpu.memref_slice %arg6[%arg0, %mul3A_102] : memref<2x163840xf32, #tpu.memory_space<hbm>> -> memref<1x10240xf32, #tpu.memory_space<hbm>>
      %dma_start3A_104 = tpu.memref_squeeze %dma_start3A_103 : memref<1x10240xf32, #tpu.memory_space<hbm>> -> memref<10240xf32, #tpu.memory_space<hbm>>
      %dma_start3A_105 = tpu.memref_slice %arg6[%arg0, %mul3A_102] : memref<2x163840xf32, #tpu.memory_space<hbm>> -> memref<1x10240xf32, #tpu.memory_space<hbm>>
      %dma_start3A_106 = tpu.memref_squeeze %dma_start3A_105 : memref<1x10240xf32, #tpu.memory_space<hbm>> -> memref<10240xf32, #tpu.memory_space<hbm>>
      tpu.enqueue_dma source(%arg14 : memref<10240xf32, #tpu.memory_space<vmem>>) target(%dma_start3A_106 : memref<10240xf32, #tpu.memory_space<hbm>>) target_semaphore(%run_scoped3A : memref<!tpu.dma_semaphore, #tpu.memory_space<semaphore_mem>>)
      %dma_wait3A = tpu.memref_slice %arg6[%arg0, %mul3A_102] : memref<2x163840xf32, #tpu.memory_space<hbm>> -> memref<1x10240xf32, #tpu.memory_space<hbm>>
      %dma_wait3A_107 = tpu.memref_squeeze %dma_wait3A : memref<1x10240xf32, #tpu.memory_space<hbm>> -> memref<10240xf32, #tpu.memory_space<hbm>>
      %dma_wait3A_108 = tpu.memref_slice %arg6[%arg0, %mul3A_102] : memref<2x163840xf32, #tpu.memory_space<hbm>> -> memref<1x10240xf32, #tpu.memory_space<hbm>>
      %dma_wait3A_109 = tpu.memref_squeeze %dma_wait3A_108 : memref<1x10240xf32, #tpu.memory_space<hbm>> -> memref<10240xf32, #tpu.memory_space<hbm>>
      tpu.wait_dma2 semaphore(%run_scoped3A : memref<!tpu.dma_semaphore, #tpu.memory_space<semaphore_mem>>) src(%arg14 : memref<10240xf32, #tpu.memory_space<vmem>>) dst(%dma_wait3A_109 : memref<10240xf32, #tpu.memory_space<hbm>>)
      tpu.yield
    }) : () -> ()
    return
  }
}

#map = affine_map<(d0, d1) -> (0)>
#map1 = affine_map<(d0, d1) -> (0, 0)>
#map2 = affine_map<(d0, d1) -> (0, 0, 0)>
module attributes {stable_mosaic.version = 14 : i64} {
  func.func @sc_agg(%arg0: i32, %arg1: i32, %arg2: memref<327680xi32, #tpu.memory_space<hbm>>, %arg3: memref<327680xi32, #tpu.memory_space<hbm>>, %arg4: memref<10240x128xf32, #tpu.memory_space<hbm>>, %arg5: memref<2x10240x128xf32, #tpu.memory_space<hbm>>, %arg6: memref<2x163840xf32, #tpu.memory_space<hbm>>, %arg7: memref<128xi32, #tpu.memory_space<vmem>>, %arg8: memref<128xi32, #tpu.memory_space<vmem>>, %arg9: memref<128xi32, #tpu.memory_space<vmem>>, %arg10: memref<128xi32, #tpu.memory_space<vmem>>, %arg11: memref<128x128xf32, #tpu.memory_space<vmem>>, %arg12: memref<128x128xf32, #tpu.memory_space<vmem>>, %arg13: memref<32x128xf32, #tpu.memory_space<vmem>>, %arg14: memref<10240xf32, #tpu.memory_space<vmem>>, %arg15: memref<!tpu.dma_semaphore, #tpu.memory_space<semaphore_mem>>, %arg16: memref<!tpu.dma_semaphore, #tpu.memory_space<semaphore_mem>>, %arg17: memref<!tpu.dma_semaphore, #tpu.memory_space<semaphore_mem>>, %arg18: memref<!tpu.dma_semaphore, #tpu.memory_space<semaphore_mem>>, %arg19: memref<10240x128xf32, #tpu.memory_space<vmem_shared>>) attributes {dimension_semantics = [#tpu.dimension_semantics<core_parallel>, #tpu.dimension_semantics<subcore_parallel>], iteration_bounds = array<i64: 2, 16>, scalar_prefetch = 0 : i64, scratch_operands = 13 : i64, tpu.core_type = #tpu.core_type<sc_vector_subcore>, window_params = [{transform_indices = #map}, {transform_indices = #map}, {transform_indices = #map1}, {transform_indices = #map2}, {transform_indices = #map1}]} {
    %broadcast_in_dim3A = arith.constant 0.000000e+00 : f32
    %broadcast_in_dim3A_0 = vector.broadcast %broadcast_in_dim3A : f32 to vector<16xf32>
    %broadcast_in_dim3A_1 = arith.constant 1.000000e+00 : f32
    %broadcast_in_dim3A_2 = vector.broadcast %broadcast_in_dim3A_1 : f32 to vector<16xf32>
    %scan3A = arith.constant 0 : i32
    %scan3A_3 = arith.constant 0 : i32
    %scan3A_4 = arith.constant 32 : i32
    %scan3A_5 = arith.addi %scan3A_3, %scan3A_4 : i32
    %scan3A_6 = arith.constant 1 : i32
    scf.for %scan3A_103 = %scan3A_3 to %scan3A_5 step %scan3A_6  : i32 {
      %swap3A = arith.index_cast %scan3A_103 : i32 to index
      %swap3A_104 = arith.constant 0 : index
      %swap3A_105 = tpu.vector_load %arg13[%swap3A, %swap3A_104] {strides = array<i32>} : memref<32x128xf32, #tpu.memory_space<vmem>>, vector<16xf32>,
      tpu.vector_store %arg13[%swap3A, %swap3A_104], %broadcast_in_dim3A_0 {strides = array<i32>} : memref<32x128xf32, #tpu.memory_space<vmem>>, vector<16xf32>,
      %swap3A_106 = arith.index_cast %scan3A_103 : i32 to index
      %swap3A_107 = arith.constant 16 : index
      %swap3A_108 = tpu.vector_load %arg13[%swap3A_106, %swap3A_107] {strides = array<i32>} : memref<32x128xf32, #tpu.memory_space<vmem>>, vector<16xf32>,
      tpu.vector_store %arg13[%swap3A_106, %swap3A_107], %broadcast_in_dim3A_0 {strides = array<i32>} : memref<32x128xf32, #tpu.memory_space<vmem>>, vector<16xf32>,
      %swap3A_109 = arith.index_cast %scan3A_103 : i32 to index
      %swap3A_110 = arith.constant 32 : index
      %swap3A_111 = tpu.vector_load %arg13[%swap3A_109, %swap3A_110] {strides = array<i32>} : memref<32x128xf32, #tpu.memory_space<vmem>>, vector<16xf32>,
      tpu.vector_store %arg13[%swap3A_109, %swap3A_110], %broadcast_in_dim3A_0 {strides = array<i32>} : memref<32x128xf32, #tpu.memory_space<vmem>>, vector<16xf32>,
      %swap3A_112 = arith.index_cast %scan3A_103 : i32 to index
      %swap3A_113 = arith.constant 48 : index
      %swap3A_114 = tpu.vector_load %arg13[%swap3A_112, %swap3A_113] {strides = array<i32>} : memref<32x128xf32, #tpu.memory_space<vmem>>, vector<16xf32>,
      tpu.vector_store %arg13[%swap3A_112, %swap3A_113], %broadcast_in_dim3A_0 {strides = array<i32>} : memref<32x128xf32, #tpu.memory_space<vmem>>, vector<16xf32>,
      %swap3A_115 = arith.index_cast %scan3A_103 : i32 to index
      %swap3A_116 = arith.constant 64 : index
      %swap3A_117 = tpu.vector_load %arg13[%swap3A_115, %swap3A_116] {strides = array<i32>} : memref<32x128xf32, #tpu.memory_space<vmem>>, vector<16xf32>,
      tpu.vector_store %arg13[%swap3A_115, %swap3A_116], %broadcast_in_dim3A_0 {strides = array<i32>} : memref<32x128xf32, #tpu.memory_space<vmem>>, vector<16xf32>,
      %swap3A_118 = arith.index_cast %scan3A_103 : i32 to index
      %swap3A_119 = arith.constant 80 : index
      %swap3A_120 = tpu.vector_load %arg13[%swap3A_118, %swap3A_119] {strides = array<i32>} : memref<32x128xf32, #tpu.memory_space<vmem>>, vector<16xf32>,
      tpu.vector_store %arg13[%swap3A_118, %swap3A_119], %broadcast_in_dim3A_0 {strides = array<i32>} : memref<32x128xf32, #tpu.memory_space<vmem>>, vector<16xf32>,
      %swap3A_121 = arith.index_cast %scan3A_103 : i32 to index
      %swap3A_122 = arith.constant 96 : index
      %swap3A_123 = tpu.vector_load %arg13[%swap3A_121, %swap3A_122] {strides = array<i32>} : memref<32x128xf32, #tpu.memory_space<vmem>>, vector<16xf32>,
      tpu.vector_store %arg13[%swap3A_121, %swap3A_122], %broadcast_in_dim3A_0 {strides = array<i32>} : memref<32x128xf32, #tpu.memory_space<vmem>>, vector<16xf32>,
      %swap3A_124 = arith.index_cast %scan3A_103 : i32 to index
      %swap3A_125 = arith.constant 112 : index
      %swap3A_126 = tpu.vector_load %arg13[%swap3A_124, %swap3A_125] {strides = array<i32>} : memref<32x128xf32, #tpu.memory_space<vmem>>, vector<16xf32>,
      tpu.vector_store %arg13[%swap3A_124, %swap3A_125], %broadcast_in_dim3A_0 {strides = array<i32>} : memref<32x128xf32, #tpu.memory_space<vmem>>, vector<16xf32>,
    }
    %scan3A_7 = arith.constant 32 : i32
    %scan3A_8 = arith.constant 0 : i32
    %scan3A_9 = arith.constant 0 : i32
    %scan3A_10 = arith.constant 640 : i32
    %scan3A_11 = arith.addi %scan3A_9, %scan3A_10 : i32
    %scan3A_12 = arith.constant 1 : i32
    scf.for %scan3A_103 = %scan3A_9 to %scan3A_11 step %scan3A_12  : i32 {
      %mul3A_104 = arith.constant 16 : i32
      %mul3A_105 = arith.muli %scan3A_103, %mul3A_104 : i32
      %swap3A = arith.index_cast %mul3A_105 : i32 to index
      %swap3A_106 = tpu.vector_load %arg14[%swap3A] {strides = array<i32>} : memref<10240xf32, #tpu.memory_space<vmem>>, vector<16xf32>,
      tpu.vector_store %arg14[%swap3A], %broadcast_in_dim3A_0 {strides = array<i32>} : memref<10240xf32, #tpu.memory_space<vmem>>, vector<16xf32>,
    }
    %scan3A_13 = arith.constant 640 : i32
    %mul3A = arith.constant 640 : i32
    %mul3A_14 = arith.muli %arg1, %mul3A : i32
    %add3A = arith.constant 0 : i32
    %add3A_15 = arith.addi %mul3A_14, %add3A : i32
    "tpu.region"() ({
      %run_scoped3A = tpu.sem_alloc : memref<!tpu.dma_semaphore, #tpu.memory_space<semaphore_mem>>
      %dma_start3A_103 = arith.constant 0 : i32
      %dma_start3A_104 = tpu.memref_slice %arg19[%add3A_15, %dma_start3A_103] : memref<10240x128xf32, #tpu.memory_space<vmem_shared>> -> memref<32x128xf32, #tpu.memory_space<vmem_shared>>
      %dma_start3A_105 = arith.constant 0 : i32
      %dma_start3A_106 = tpu.memref_slice %arg19[%add3A_15, %dma_start3A_105] : memref<10240x128xf32, #tpu.memory_space<vmem_shared>> -> memref<32x128xf32, #tpu.memory_space<vmem_shared>>
      tpu.enqueue_dma source(%arg13 : memref<32x128xf32, #tpu.memory_space<vmem>>) target(%dma_start3A_106 : memref<32x128xf32, #tpu.memory_space<vmem_shared>>) target_semaphore(%run_scoped3A : memref<!tpu.dma_semaphore, #tpu.memory_space<semaphore_mem>>)
      %dma_wait3A = arith.constant 0 : i32
      %dma_wait3A_107 = tpu.memref_slice %arg19[%add3A_15, %dma_wait3A] : memref<10240x128xf32, #tpu.memory_space<vmem_shared>> -> memref<32x128xf32, #tpu.memory_space<vmem_shared>>
      %dma_wait3A_108 = arith.constant 0 : i32
      %dma_wait3A_109 = tpu.memref_slice %arg19[%add3A_15, %dma_wait3A_108] : memref<10240x128xf32, #tpu.memory_space<vmem_shared>> -> memref<32x128xf32, #tpu.memory_space<vmem_shared>>
      tpu.wait_dma2 semaphore(%run_scoped3A : memref<!tpu.dma_semaphore, #tpu.memory_space<semaphore_mem>>) src(%arg13 : memref<32x128xf32, #tpu.memory_space<vmem>>) dst(%dma_wait3A_109 : memref<32x128xf32, #tpu.memory_space<vmem_shared>>)
      tpu.yield
    }) : () -> ()
    %add3A_16 = arith.constant 32 : i32
    %add3A_17 = arith.addi %mul3A_14, %add3A_16 : i32
    "tpu.region"() ({
      %run_scoped3A = tpu.sem_alloc : memref<!tpu.dma_semaphore, #tpu.memory_space<semaphore_mem>>
      %dma_start3A_103 = arith.constant 0 : i32
      %dma_start3A_104 = tpu.memref_slice %arg19[%add3A_17, %dma_start3A_103] : memref<10240x128xf32, #tpu.memory_space<vmem_shared>> -> memref<32x128xf32, #tpu.memory_space<vmem_shared>>
      %dma_start3A_105 = arith.constant 0 : i32
      %dma_start3A_106 = tpu.memref_slice %arg19[%add3A_17, %dma_start3A_105] : memref<10240x128xf32, #tpu.memory_space<vmem_shared>> -> memref<32x128xf32, #tpu.memory_space<vmem_shared>>
      tpu.enqueue_dma source(%arg13 : memref<32x128xf32, #tpu.memory_space<vmem>>) target(%dma_start3A_106 : memref<32x128xf32, #tpu.memory_space<vmem_shared>>) target_semaphore(%run_scoped3A : memref<!tpu.dma_semaphore, #tpu.memory_space<semaphore_mem>>)
      %dma_wait3A = arith.constant 0 : i32
      %dma_wait3A_107 = tpu.memref_slice %arg19[%add3A_17, %dma_wait3A] : memref<10240x128xf32, #tpu.memory_space<vmem_shared>> -> memref<32x128xf32, #tpu.memory_space<vmem_shared>>
      %dma_wait3A_108 = arith.constant 0 : i32
      %dma_wait3A_109 = tpu.memref_slice %arg19[%add3A_17, %dma_wait3A_108] : memref<10240x128xf32, #tpu.memory_space<vmem_shared>> -> memref<32x128xf32, #tpu.memory_space<vmem_shared>>
      tpu.wait_dma2 semaphore(%run_scoped3A : memref<!tpu.dma_semaphore, #tpu.memory_space<semaphore_mem>>) src(%arg13 : memref<32x128xf32, #tpu.memory_space<vmem>>) dst(%dma_wait3A_109 : memref<32x128xf32, #tpu.memory_space<vmem_shared>>)
      tpu.yield
    }) : () -> ()
    %add3A_18 = arith.constant 64 : i32
    %add3A_19 = arith.addi %mul3A_14, %add3A_18 : i32
    "tpu.region"() ({
      %run_scoped3A = tpu.sem_alloc : memref<!tpu.dma_semaphore, #tpu.memory_space<semaphore_mem>>
      %dma_start3A_103 = arith.constant 0 : i32
      %dma_start3A_104 = tpu.memref_slice %arg19[%add3A_19, %dma_start3A_103] : memref<10240x128xf32, #tpu.memory_space<vmem_shared>> -> memref<32x128xf32, #tpu.memory_space<vmem_shared>>
      %dma_start3A_105 = arith.constant 0 : i32
      %dma_start3A_106 = tpu.memref_slice %arg19[%add3A_19, %dma_start3A_105] : memref<10240x128xf32, #tpu.memory_space<vmem_shared>> -> memref<32x128xf32, #tpu.memory_space<vmem_shared>>
      tpu.enqueue_dma source(%arg13 : memref<32x128xf32, #tpu.memory_space<vmem>>) target(%dma_start3A_106 : memref<32x128xf32, #tpu.memory_space<vmem_shared>>) target_semaphore(%run_scoped3A : memref<!tpu.dma_semaphore, #tpu.memory_space<semaphore_mem>>)
      %dma_wait3A = arith.constant 0 : i32
      %dma_wait3A_107 = tpu.memref_slice %arg19[%add3A_19, %dma_wait3A] : memref<10240x128xf32, #tpu.memory_space<vmem_shared>> -> memref<32x128xf32, #tpu.memory_space<vmem_shared>>
      %dma_wait3A_108 = arith.constant 0 : i32
      %dma_wait3A_109 = tpu.memref_slice %arg19[%add3A_19, %dma_wait3A_108] : memref<10240x128xf32, #tpu.memory_space<vmem_shared>> -> memref<32x128xf32, #tpu.memory_space<vmem_shared>>
      tpu.wait_dma2 semaphore(%run_scoped3A : memref<!tpu.dma_semaphore, #tpu.memory_space<semaphore_mem>>) src(%arg13 : memref<32x128xf32, #tpu.memory_space<vmem>>) dst(%dma_wait3A_109 : memref<32x128xf32, #tpu.memory_space<vmem_shared>>)
      tpu.yield
    }) : () -> ()
    %add3A_20 = arith.constant 96 : i32
    %add3A_21 = arith.addi %mul3A_14, %add3A_20 : i32
    "tpu.region"() ({
      %run_scoped3A = tpu.sem_alloc : memref<!tpu.dma_semaphore, #tpu.memory_space<semaphore_mem>>
      %dma_start3A_103 = arith.constant 0 : i32
      %dma_start3A_104 = tpu.memref_slice %arg19[%add3A_21, %dma_start3A_103] : memref<10240x128xf32, #tpu.memory_space<vmem_shared>> -> memref<32x128xf32, #tpu.memory_space<vmem_shared>>
      %dma_start3A_105 = arith.constant 0 : i32
      %dma_start3A_106 = tpu.memref_slice %arg19[%add3A_21, %dma_start3A_105] : memref<10240x128xf32, #tpu.memory_space<vmem_shared>> -> memref<32x128xf32, #tpu.memory_space<vmem_shared>>
      tpu.enqueue_dma source(%arg13 : memref<32x128xf32, #tpu.memory_space<vmem>>) target(%dma_start3A_106 : memref<32x128xf32, #tpu.memory_space<vmem_shared>>) target_semaphore(%run_scoped3A : memref<!tpu.dma_semaphore, #tpu.memory_space<semaphore_mem>>)
      %dma_wait3A = arith.constant 0 : i32
      %dma_wait3A_107 = tpu.memref_slice %arg19[%add3A_21, %dma_wait3A] : memref<10240x128xf32, #tpu.memory_space<vmem_shared>> -> memref<32x128xf32, #tpu.memory_space<vmem_shared>>
      %dma_wait3A_108 = arith.constant 0 : i32
      %dma_wait3A_109 = tpu.memref_slice %arg19[%add3A_21, %dma_wait3A_108] : memref<10240x128xf32, #tpu.memory_space<vmem_shared>> -> memref<32x128xf32, #tpu.memory_space<vmem_shared>>
      tpu.wait_dma2 semaphore(%run_scoped3A : memref<!tpu.dma_semaphore, #tpu.memory_space<semaphore_mem>>) src(%arg13 : memref<32x128xf32, #tpu.memory_space<vmem>>) dst(%dma_wait3A_109 : memref<32x128xf32, #tpu.memory_space<vmem_shared>>)
      tpu.yield
    }) : () -> ()
    %add3A_22 = arith.constant 128 : i32
    %add3A_23 = arith.addi %mul3A_14, %add3A_22 : i32
    "tpu.region"() ({
      %run_scoped3A = tpu.sem_alloc : memref<!tpu.dma_semaphore, #tpu.memory_space<semaphore_mem>>
      %dma_start3A_103 = arith.constant 0 : i32
      %dma_start3A_104 = tpu.memref_slice %arg19[%add3A_23, %dma_start3A_103] : memref<10240x128xf32, #tpu.memory_space<vmem_shared>> -> memref<32x128xf32, #tpu.memory_space<vmem_shared>>
      %dma_start3A_105 = arith.constant 0 : i32
      %dma_start3A_106 = tpu.memref_slice %arg19[%add3A_23, %dma_start3A_105] : memref<10240x128xf32, #tpu.memory_space<vmem_shared>> -> memref<32x128xf32, #tpu.memory_space<vmem_shared>>
      tpu.enqueue_dma source(%arg13 : memref<32x128xf32, #tpu.memory_space<vmem>>) target(%dma_start3A_106 : memref<32x128xf32, #tpu.memory_space<vmem_shared>>) target_semaphore(%run_scoped3A : memref<!tpu.dma_semaphore, #tpu.memory_space<semaphore_mem>>)
      %dma_wait3A = arith.constant 0 : i32
      %dma_wait3A_107 = tpu.memref_slice %arg19[%add3A_23, %dma_wait3A] : memref<10240x128xf32, #tpu.memory_space<vmem_shared>> -> memref<32x128xf32, #tpu.memory_space<vmem_shared>>
      %dma_wait3A_108 = arith.constant 0 : i32
      %dma_wait3A_109 = tpu.memref_slice %arg19[%add3A_23, %dma_wait3A_108] : memref<10240x128xf32, #tpu.memory_space<vmem_shared>> -> memref<32x128xf32, #tpu.memory_space<vmem_shared>>
      tpu.wait_dma2 semaphore(%run_scoped3A : memref<!tpu.dma_semaphore, #tpu.memory_space<semaphore_mem>>) src(%arg13 : memref<32x128xf32, #tpu.memory_space<vmem>>) dst(%dma_wait3A_109 : memref<32x128xf32, #tpu.memory_space<vmem_shared>>)
      tpu.yield
    }) : () -> ()
    %add3A_24 = arith.constant 160 : i32
    %add3A_25 = arith.addi %mul3A_14, %add3A_24 : i32
    "tpu.region"() ({
      %run_scoped3A = tpu.sem_alloc : memref<!tpu.dma_semaphore, #tpu.memory_space<semaphore_mem>>
      %dma_start3A_103 = arith.constant 0 : i32
      %dma_start3A_104 = tpu.memref_slice %arg19[%add3A_25, %dma_start3A_103] : memref<10240x128xf32, #tpu.memory_space<vmem_shared>> -> memref<32x128xf32, #tpu.memory_space<vmem_shared>>
      %dma_start3A_105 = arith.constant 0 : i32
      %dma_start3A_106 = tpu.memref_slice %arg19[%add3A_25, %dma_start3A_105] : memref<10240x128xf32, #tpu.memory_space<vmem_shared>> -> memref<32x128xf32, #tpu.memory_space<vmem_shared>>
      tpu.enqueue_dma source(%arg13 : memref<32x128xf32, #tpu.memory_space<vmem>>) target(%dma_start3A_106 : memref<32x128xf32, #tpu.memory_space<vmem_shared>>) target_semaphore(%run_scoped3A : memref<!tpu.dma_semaphore, #tpu.memory_space<semaphore_mem>>)
      %dma_wait3A = arith.constant 0 : i32
      %dma_wait3A_107 = tpu.memref_slice %arg19[%add3A_25, %dma_wait3A] : memref<10240x128xf32, #tpu.memory_space<vmem_shared>> -> memref<32x128xf32, #tpu.memory_space<vmem_shared>>
      %dma_wait3A_108 = arith.constant 0 : i32
      %dma_wait3A_109 = tpu.memref_slice %arg19[%add3A_25, %dma_wait3A_108] : memref<10240x128xf32, #tpu.memory_space<vmem_shared>> -> memref<32x128xf32, #tpu.memory_space<vmem_shared>>
      tpu.wait_dma2 semaphore(%run_scoped3A : memref<!tpu.dma_semaphore, #tpu.memory_space<semaphore_mem>>) src(%arg13 : memref<32x128xf32, #tpu.memory_space<vmem>>) dst(%dma_wait3A_109 : memref<32x128xf32, #tpu.memory_space<vmem_shared>>)
      tpu.yield
    }) : () -> ()
    %add3A_26 = arith.constant 192 : i32
    %add3A_27 = arith.addi %mul3A_14, %add3A_26 : i32
    "tpu.region"() ({
      %run_scoped3A = tpu.sem_alloc : memref<!tpu.dma_semaphore, #tpu.memory_space<semaphore_mem>>
      %dma_start3A_103 = arith.constant 0 : i32
      %dma_start3A_104 = tpu.memref_slice %arg19[%add3A_27, %dma_start3A_103] : memref<10240x128xf32, #tpu.memory_space<vmem_shared>> -> memref<32x128xf32, #tpu.memory_space<vmem_shared>>
      %dma_start3A_105 = arith.constant 0 : i32
      %dma_start3A_106 = tpu.memref_slice %arg19[%add3A_27, %dma_start3A_105] : memref<10240x128xf32, #tpu.memory_space<vmem_shared>> -> memref<32x128xf32, #tpu.memory_space<vmem_shared>>
      tpu.enqueue_dma source(%arg13 : memref<32x128xf32, #tpu.memory_space<vmem>>) target(%dma_start3A_106 : memref<32x128xf32, #tpu.memory_space<vmem_shared>>) target_semaphore(%run_scoped3A : memref<!tpu.dma_semaphore, #tpu.memory_space<semaphore_mem>>)
      %dma_wait3A = arith.constant 0 : i32
      %dma_wait3A_107 = tpu.memref_slice %arg19[%add3A_27, %dma_wait3A] : memref<10240x128xf32, #tpu.memory_space<vmem_shared>> -> memref<32x128xf32, #tpu.memory_space<vmem_shared>>
      %dma_wait3A_108 = arith.constant 0 : i32
      %dma_wait3A_109 = tpu.memref_slice %arg19[%add3A_27, %dma_wait3A_108] : memref<10240x128xf32, #tpu.memory_space<vmem_shared>> -> memref<32x128xf32, #tpu.memory_space<vmem_shared>>
      tpu.wait_dma2 semaphore(%run_scoped3A : memref<!tpu.dma_semaphore, #tpu.memory_space<semaphore_mem>>) src(%arg13 : memref<32x128xf32, #tpu.memory_space<vmem>>) dst(%dma_wait3A_109 : memref<32x128xf32, #tpu.memory_space<vmem_shared>>)
      tpu.yield
    }) : () -> ()
    %add3A_28 = arith.constant 224 : i32
    %add3A_29 = arith.addi %mul3A_14, %add3A_28 : i32
    "tpu.region"() ({
      %run_scoped3A = tpu.sem_alloc : memref<!tpu.dma_semaphore, #tpu.memory_space<semaphore_mem>>
      %dma_start3A_103 = arith.constant 0 : i32
      %dma_start3A_104 = tpu.memref_slice %arg19[%add3A_29, %dma_start3A_103] : memref<10240x128xf32, #tpu.memory_space<vmem_shared>> -> memref<32x128xf32, #tpu.memory_space<vmem_shared>>
      %dma_start3A_105 = arith.constant 0 : i32
      %dma_start3A_106 = tpu.memref_slice %arg19[%add3A_29, %dma_start3A_105] : memref<10240x128xf32, #tpu.memory_space<vmem_shared>> -> memref<32x128xf32, #tpu.memory_space<vmem_shared>>
      tpu.enqueue_dma source(%arg13 : memref<32x128xf32, #tpu.memory_space<vmem>>) target(%dma_start3A_106 : memref<32x128xf32, #tpu.memory_space<vmem_shared>>) target_semaphore(%run_scoped3A : memref<!tpu.dma_semaphore, #tpu.memory_space<semaphore_mem>>)
      %dma_wait3A = arith.constant 0 : i32
      %dma_wait3A_107 = tpu.memref_slice %arg19[%add3A_29, %dma_wait3A] : memref<10240x128xf32, #tpu.memory_space<vmem_shared>> -> memref<32x128xf32, #tpu.memory_space<vmem_shared>>
      %dma_wait3A_108 = arith.constant 0 : i32
      %dma_wait3A_109 = tpu.memref_slice %arg19[%add3A_29, %dma_wait3A_108] : memref<10240x128xf32, #tpu.memory_space<vmem_shared>> -> memref<32x128xf32, #tpu.memory_space<vmem_shared>>
      tpu.wait_dma2 semaphore(%run_scoped3A : memref<!tpu.dma_semaphore, #tpu.memory_space<semaphore_mem>>) src(%arg13 : memref<32x128xf32, #tpu.memory_space<vmem>>) dst(%dma_wait3A_109 : memref<32x128xf32, #tpu.memory_space<vmem_shared>>)
      tpu.yield
    }) : () -> ()
    %add3A_30 = arith.constant 256 : i32
    %add3A_31 = arith.addi %mul3A_14, %add3A_30 : i32
    "tpu.region"() ({
      %run_scoped3A = tpu.sem_alloc : memref<!tpu.dma_semaphore, #tpu.memory_space<semaphore_mem>>
      %dma_start3A_103 = arith.constant 0 : i32
      %dma_start3A_104 = tpu.memref_slice %arg19[%add3A_31, %dma_start3A_103] : memref<10240x128xf32, #tpu.memory_space<vmem_shared>> -> memref<32x128xf32, #tpu.memory_space<vmem_shared>>
      %dma_start3A_105 = arith.constant 0 : i32
      %dma_start3A_106 = tpu.memref_slice %arg19[%add3A_31, %dma_start3A_105] : memref<10240x128xf32, #tpu.memory_space<vmem_shared>> -> memref<32x128xf32, #tpu.memory_space<vmem_shared>>
      tpu.enqueue_dma source(%arg13 : memref<32x128xf32, #tpu.memory_space<vmem>>) target(%dma_start3A_106 : memref<32x128xf32, #tpu.memory_space<vmem_shared>>) target_semaphore(%run_scoped3A : memref<!tpu.dma_semaphore, #tpu.memory_space<semaphore_mem>>)
      %dma_wait3A = arith.constant 0 : i32
      %dma_wait3A_107 = tpu.memref_slice %arg19[%add3A_31, %dma_wait3A] : memref<10240x128xf32, #tpu.memory_space<vmem_shared>> -> memref<32x128xf32, #tpu.memory_space<vmem_shared>>
      %dma_wait3A_108 = arith.constant 0 : i32
      %dma_wait3A_109 = tpu.memref_slice %arg19[%add3A_31, %dma_wait3A_108] : memref<10240x128xf32, #tpu.memory_space<vmem_shared>> -> memref<32x128xf32, #tpu.memory_space<vmem_shared>>
      tpu.wait_dma2 semaphore(%run_scoped3A : memref<!tpu.dma_semaphore, #tpu.memory_space<semaphore_mem>>) src(%arg13 : memref<32x128xf32, #tpu.memory_space<vmem>>) dst(%dma_wait3A_109 : memref<32x128xf32, #tpu.memory_space<vmem_shared>>)
      tpu.yield
    }) : () -> ()
    %add3A_32 = arith.constant 288 : i32
    %add3A_33 = arith.addi %mul3A_14, %add3A_32 : i32
    "tpu.region"() ({
      %run_scoped3A = tpu.sem_alloc : memref<!tpu.dma_semaphore, #tpu.memory_space<semaphore_mem>>
      %dma_start3A_103 = arith.constant 0 : i32
      %dma_start3A_104 = tpu.memref_slice %arg19[%add3A_33, %dma_start3A_103] : memref<10240x128xf32, #tpu.memory_space<vmem_shared>> -> memref<32x128xf32, #tpu.memory_space<vmem_shared>>
      %dma_start3A_105 = arith.constant 0 : i32
      %dma_start3A_106 = tpu.memref_slice %arg19[%add3A_33, %dma_start3A_105] : memref<10240x128xf32, #tpu.memory_space<vmem_shared>> -> memref<32x128xf32, #tpu.memory_space<vmem_shared>>
      tpu.enqueue_dma source(%arg13 : memref<32x128xf32, #tpu.memory_space<vmem>>) target(%dma_start3A_106 : memref<32x128xf32, #tpu.memory_space<vmem_shared>>) target_semaphore(%run_scoped3A : memref<!tpu.dma_semaphore, #tpu.memory_space<semaphore_mem>>)
      %dma_wait3A = arith.constant 0 : i32
      %dma_wait3A_107 = tpu.memref_slice %arg19[%add3A_33, %dma_wait3A] : memref<10240x128xf32, #tpu.memory_space<vmem_shared>> -> memref<32x128xf32, #tpu.memory_space<vmem_shared>>
      %dma_wait3A_108 = arith.constant 0 : i32
      %dma_wait3A_109 = tpu.memref_slice %arg19[%add3A_33, %dma_wait3A_108] : memref<10240x128xf32, #tpu.memory_space<vmem_shared>> -> memref<32x128xf32, #tpu.memory_space<vmem_shared>>
      tpu.wait_dma2 semaphore(%run_scoped3A : memref<!tpu.dma_semaphore, #tpu.memory_space<semaphore_mem>>) src(%arg13 : memref<32x128xf32, #tpu.memory_space<vmem>>) dst(%dma_wait3A_109 : memref<32x128xf32, #tpu.memory_space<vmem_shared>>)
      tpu.yield
    }) : () -> ()
    %add3A_34 = arith.constant 320 : i32
    %add3A_35 = arith.addi %mul3A_14, %add3A_34 : i32
    "tpu.region"() ({
      %run_scoped3A = tpu.sem_alloc : memref<!tpu.dma_semaphore, #tpu.memory_space<semaphore_mem>>
      %dma_start3A_103 = arith.constant 0 : i32
      %dma_start3A_104 = tpu.memref_slice %arg19[%add3A_35, %dma_start3A_103] : memref<10240x128xf32, #tpu.memory_space<vmem_shared>> -> memref<32x128xf32, #tpu.memory_space<vmem_shared>>
      %dma_start3A_105 = arith.constant 0 : i32
      %dma_start3A_106 = tpu.memref_slice %arg19[%add3A_35, %dma_start3A_105] : memref<10240x128xf32, #tpu.memory_space<vmem_shared>> -> memref<32x128xf32, #tpu.memory_space<vmem_shared>>
      tpu.enqueue_dma source(%arg13 : memref<32x128xf32, #tpu.memory_space<vmem>>) target(%dma_start3A_106 : memref<32x128xf32, #tpu.memory_space<vmem_shared>>) target_semaphore(%run_scoped3A : memref<!tpu.dma_semaphore, #tpu.memory_space<semaphore_mem>>)
      %dma_wait3A = arith.constant 0 : i32
      %dma_wait3A_107 = tpu.memref_slice %arg19[%add3A_35, %dma_wait3A] : memref<10240x128xf32, #tpu.memory_space<vmem_shared>> -> memref<32x128xf32, #tpu.memory_space<vmem_shared>>
      %dma_wait3A_108 = arith.constant 0 : i32
      %dma_wait3A_109 = tpu.memref_slice %arg19[%add3A_35, %dma_wait3A_108] : memref<10240x128xf32, #tpu.memory_space<vmem_shared>> -> memref<32x128xf32, #tpu.memory_space<vmem_shared>>
      tpu.wait_dma2 semaphore(%run_scoped3A : memref<!tpu.dma_semaphore, #tpu.memory_space<semaphore_mem>>) src(%arg13 : memref<32x128xf32, #tpu.memory_space<vmem>>) dst(%dma_wait3A_109 : memref<32x128xf32, #tpu.memory_space<vmem_shared>>)
      tpu.yield
    }) : () -> ()
    %add3A_36 = arith.constant 352 : i32
    %add3A_37 = arith.addi %mul3A_14, %add3A_36 : i32
    "tpu.region"() ({
      %run_scoped3A = tpu.sem_alloc : memref<!tpu.dma_semaphore, #tpu.memory_space<semaphore_mem>>
      %dma_start3A_103 = arith.constant 0 : i32
      %dma_start3A_104 = tpu.memref_slice %arg19[%add3A_37, %dma_start3A_103] : memref<10240x128xf32, #tpu.memory_space<vmem_shared>> -> memref<32x128xf32, #tpu.memory_space<vmem_shared>>
      %dma_start3A_105 = arith.constant 0 : i32
      %dma_start3A_106 = tpu.memref_slice %arg19[%add3A_37, %dma_start3A_105] : memref<10240x128xf32, #tpu.memory_space<vmem_shared>> -> memref<32x128xf32, #tpu.memory_space<vmem_shared>>
      tpu.enqueue_dma source(%arg13 : memref<32x128xf32, #tpu.memory_space<vmem>>) target(%dma_start3A_106 : memref<32x128xf32, #tpu.memory_space<vmem_shared>>) target_semaphore(%run_scoped3A : memref<!tpu.dma_semaphore, #tpu.memory_space<semaphore_mem>>)
      %dma_wait3A = arith.constant 0 : i32
      %dma_wait3A_107 = tpu.memref_slice %arg19[%add3A_37, %dma_wait3A] : memref<10240x128xf32, #tpu.memory_space<vmem_shared>> -> memref<32x128xf32, #tpu.memory_space<vmem_shared>>
      %dma_wait3A_108 = arith.constant 0 : i32
      %dma_wait3A_109 = tpu.memref_slice %arg19[%add3A_37, %dma_wait3A_108] : memref<10240x128xf32, #tpu.memory_space<vmem_shared>> -> memref<32x128xf32, #tpu.memory_space<vmem_shared>>
      tpu.wait_dma2 semaphore(%run_scoped3A : memref<!tpu.dma_semaphore, #tpu.memory_space<semaphore_mem>>) src(%arg13 : memref<32x128xf32, #tpu.memory_space<vmem>>) dst(%dma_wait3A_109 : memref<32x128xf32, #tpu.memory_space<vmem_shared>>)
      tpu.yield
    }) : () -> ()
    %add3A_38 = arith.constant 384 : i32
    %add3A_39 = arith.addi %mul3A_14, %add3A_38 : i32
    "tpu.region"() ({
      %run_scoped3A = tpu.sem_alloc : memref<!tpu.dma_semaphore, #tpu.memory_space<semaphore_mem>>
      %dma_start3A_103 = arith.constant 0 : i32
      %dma_start3A_104 = tpu.memref_slice %arg19[%add3A_39, %dma_start3A_103] : memref<10240x128xf32, #tpu.memory_space<vmem_shared>> -> memref<32x128xf32, #tpu.memory_space<vmem_shared>>
      %dma_start3A_105 = arith.constant 0 : i32
      %dma_start3A_106 = tpu.memref_slice %arg19[%add3A_39, %dma_start3A_105] : memref<10240x128xf32, #tpu.memory_space<vmem_shared>> -> memref<32x128xf32, #tpu.memory_space<vmem_shared>>
      tpu.enqueue_dma source(%arg13 : memref<32x128xf32, #tpu.memory_space<vmem>>) target(%dma_start3A_106 : memref<32x128xf32, #tpu.memory_space<vmem_shared>>) target_semaphore(%run_scoped3A : memref<!tpu.dma_semaphore, #tpu.memory_space<semaphore_mem>>)
      %dma_wait3A = arith.constant 0 : i32
      %dma_wait3A_107 = tpu.memref_slice %arg19[%add3A_39, %dma_wait3A] : memref<10240x128xf32, #tpu.memory_space<vmem_shared>> -> memref<32x128xf32, #tpu.memory_space<vmem_shared>>
      %dma_wait3A_108 = arith.constant 0 : i32
      %dma_wait3A_109 = tpu.memref_slice %arg19[%add3A_39, %dma_wait3A_108] : memref<10240x128xf32, #tpu.memory_space<vmem_shared>> -> memref<32x128xf32, #tpu.memory_space<vmem_shared>>
      tpu.wait_dma2 semaphore(%run_scoped3A : memref<!tpu.dma_semaphore, #tpu.memory_space<semaphore_mem>>) src(%arg13 : memref<32x128xf32, #tpu.memory_space<vmem>>) dst(%dma_wait3A_109 : memref<32x128xf32, #tpu.memory_space<vmem_shared>>)
      tpu.yield
    }) : () -> ()
    %add3A_40 = arith.constant 416 : i32
    %add3A_41 = arith.addi %mul3A_14, %add3A_40 : i32
    "tpu.region"() ({
      %run_scoped3A = tpu.sem_alloc : memref<!tpu.dma_semaphore, #tpu.memory_space<semaphore_mem>>
      %dma_start3A_103 = arith.constant 0 : i32
      %dma_start3A_104 = tpu.memref_slice %arg19[%add3A_41, %dma_start3A_103] : memref<10240x128xf32, #tpu.memory_space<vmem_shared>> -> memref<32x128xf32, #tpu.memory_space<vmem_shared>>
      %dma_start3A_105 = arith.constant 0 : i32
      %dma_start3A_106 = tpu.memref_slice %arg19[%add3A_41, %dma_start3A_105] : memref<10240x128xf32, #tpu.memory_space<vmem_shared>> -> memref<32x128xf32, #tpu.memory_space<vmem_shared>>
      tpu.enqueue_dma source(%arg13 : memref<32x128xf32, #tpu.memory_space<vmem>>) target(%dma_start3A_106 : memref<32x128xf32, #tpu.memory_space<vmem_shared>>) target_semaphore(%run_scoped3A : memref<!tpu.dma_semaphore, #tpu.memory_space<semaphore_mem>>)
      %dma_wait3A = arith.constant 0 : i32
      %dma_wait3A_107 = tpu.memref_slice %arg19[%add3A_41, %dma_wait3A] : memref<10240x128xf32, #tpu.memory_space<vmem_shared>> -> memref<32x128xf32, #tpu.memory_space<vmem_shared>>
      %dma_wait3A_108 = arith.constant 0 : i32
      %dma_wait3A_109 = tpu.memref_slice %arg19[%add3A_41, %dma_wait3A_108] : memref<10240x128xf32, #tpu.memory_space<vmem_shared>> -> memref<32x128xf32, #tpu.memory_space<vmem_shared>>
      tpu.wait_dma2 semaphore(%run_scoped3A : memref<!tpu.dma_semaphore, #tpu.memory_space<semaphore_mem>>) src(%arg13 : memref<32x128xf32, #tpu.memory_space<vmem>>) dst(%dma_wait3A_109 : memref<32x128xf32, #tpu.memory_space<vmem_shared>>)
      tpu.yield
    }) : () -> ()
    %add3A_42 = arith.constant 448 : i32
    %add3A_43 = arith.addi %mul3A_14, %add3A_42 : i32
    "tpu.region"() ({
      %run_scoped3A = tpu.sem_alloc : memref<!tpu.dma_semaphore, #tpu.memory_space<semaphore_mem>>
      %dma_start3A_103 = arith.constant 0 : i32
      %dma_start3A_104 = tpu.memref_slice %arg19[%add3A_43, %dma_start3A_103] : memref<10240x128xf32, #tpu.memory_space<vmem_shared>> -> memref<32x128xf32, #tpu.memory_space<vmem_shared>>
      %dma_start3A_105 = arith.constant 0 : i32
      %dma_start3A_106 = tpu.memref_slice %arg19[%add3A_43, %dma_start3A_105] : memref<10240x128xf32, #tpu.memory_space<vmem_shared>> -> memref<32x128xf32, #tpu.memory_space<vmem_shared>>
      tpu.enqueue_dma source(%arg13 : memref<32x128xf32, #tpu.memory_space<vmem>>) target(%dma_start3A_106 : memref<32x128xf32, #tpu.memory_space<vmem_shared>>) target_semaphore(%run_scoped3A : memref<!tpu.dma_semaphore, #tpu.memory_space<semaphore_mem>>)
      %dma_wait3A = arith.constant 0 : i32
      %dma_wait3A_107 = tpu.memref_slice %arg19[%add3A_43, %dma_wait3A] : memref<10240x128xf32, #tpu.memory_space<vmem_shared>> -> memref<32x128xf32, #tpu.memory_space<vmem_shared>>
      %dma_wait3A_108 = arith.constant 0 : i32
      %dma_wait3A_109 = tpu.memref_slice %arg19[%add3A_43, %dma_wait3A_108] : memref<10240x128xf32, #tpu.memory_space<vmem_shared>> -> memref<32x128xf32, #tpu.memory_space<vmem_shared>>
      tpu.wait_dma2 semaphore(%run_scoped3A : memref<!tpu.dma_semaphore, #tpu.memory_space<semaphore_mem>>) src(%arg13 : memref<32x128xf32, #tpu.memory_space<vmem>>) dst(%dma_wait3A_109 : memref<32x128xf32, #tpu.memory_space<vmem_shared>>)
      tpu.yield
    }) : () -> ()
    %add3A_44 = arith.constant 480 : i32
    %add3A_45 = arith.addi %mul3A_14, %add3A_44 : i32
    "tpu.region"() ({
      %run_scoped3A = tpu.sem_alloc : memref<!tpu.dma_semaphore, #tpu.memory_space<semaphore_mem>>
      %dma_start3A_103 = arith.constant 0 : i32
      %dma_start3A_104 = tpu.memref_slice %arg19[%add3A_45, %dma_start3A_103] : memref<10240x128xf32, #tpu.memory_space<vmem_shared>> -> memref<32x128xf32, #tpu.memory_space<vmem_shared>>
      %dma_start3A_105 = arith.constant 0 : i32
      %dma_start3A_106 = tpu.memref_slice %arg19[%add3A_45, %dma_start3A_105] : memref<10240x128xf32, #tpu.memory_space<vmem_shared>> -> memref<32x128xf32, #tpu.memory_space<vmem_shared>>
      tpu.enqueue_dma source(%arg13 : memref<32x128xf32, #tpu.memory_space<vmem>>) target(%dma_start3A_106 : memref<32x128xf32, #tpu.memory_space<vmem_shared>>) target_semaphore(%run_scoped3A : memref<!tpu.dma_semaphore, #tpu.memory_space<semaphore_mem>>)
      %dma_wait3A = arith.constant 0 : i32
      %dma_wait3A_107 = tpu.memref_slice %arg19[%add3A_45, %dma_wait3A] : memref<10240x128xf32, #tpu.memory_space<vmem_shared>> -> memref<32x128xf32, #tpu.memory_space<vmem_shared>>
      %dma_wait3A_108 = arith.constant 0 : i32
      %dma_wait3A_109 = tpu.memref_slice %arg19[%add3A_45, %dma_wait3A_108] : memref<10240x128xf32, #tpu.memory_space<vmem_shared>> -> memref<32x128xf32, #tpu.memory_space<vmem_shared>>
      tpu.wait_dma2 semaphore(%run_scoped3A : memref<!tpu.dma_semaphore, #tpu.memory_space<semaphore_mem>>) src(%arg13 : memref<32x128xf32, #tpu.memory_space<vmem>>) dst(%dma_wait3A_109 : memref<32x128xf32, #tpu.memory_space<vmem_shared>>)
      tpu.yield
    }) : () -> ()
    %add3A_46 = arith.constant 512 : i32
    %add3A_47 = arith.addi %mul3A_14, %add3A_46 : i32
    "tpu.region"() ({
      %run_scoped3A = tpu.sem_alloc : memref<!tpu.dma_semaphore, #tpu.memory_space<semaphore_mem>>
      %dma_start3A_103 = arith.constant 0 : i32
      %dma_start3A_104 = tpu.memref_slice %arg19[%add3A_47, %dma_start3A_103] : memref<10240x128xf32, #tpu.memory_space<vmem_shared>> -> memref<32x128xf32, #tpu.memory_space<vmem_shared>>
      %dma_start3A_105 = arith.constant 0 : i32
      %dma_start3A_106 = tpu.memref_slice %arg19[%add3A_47, %dma_start3A_105] : memref<10240x128xf32, #tpu.memory_space<vmem_shared>> -> memref<32x128xf32, #tpu.memory_space<vmem_shared>>
      tpu.enqueue_dma source(%arg13 : memref<32x128xf32, #tpu.memory_space<vmem>>) target(%dma_start3A_106 : memref<32x128xf32, #tpu.memory_space<vmem_shared>>) target_semaphore(%run_scoped3A : memref<!tpu.dma_semaphore, #tpu.memory_space<semaphore_mem>>)
      %dma_wait3A = arith.constant 0 : i32
      %dma_wait3A_107 = tpu.memref_slice %arg19[%add3A_47, %dma_wait3A] : memref<10240x128xf32, #tpu.memory_space<vmem_shared>> -> memref<32x128xf32, #tpu.memory_space<vmem_shared>>
      %dma_wait3A_108 = arith.constant 0 : i32
      %dma_wait3A_109 = tpu.memref_slice %arg19[%add3A_47, %dma_wait3A_108] : memref<10240x128xf32, #tpu.memory_space<vmem_shared>> -> memref<32x128xf32, #tpu.memory_space<vmem_shared>>
      tpu.wait_dma2 semaphore(%run_scoped3A : memref<!tpu.dma_semaphore, #tpu.memory_space<semaphore_mem>>) src(%arg13 : memref<32x128xf32, #tpu.memory_space<vmem>>) dst(%dma_wait3A_109 : memref<32x128xf32, #tpu.memory_space<vmem_shared>>)
      tpu.yield
    }) : () -> ()
    %add3A_48 = arith.constant 544 : i32
    %add3A_49 = arith.addi %mul3A_14, %add3A_48 : i32
    "tpu.region"() ({
      %run_scoped3A = tpu.sem_alloc : memref<!tpu.dma_semaphore, #tpu.memory_space<semaphore_mem>>
      %dma_start3A_103 = arith.constant 0 : i32
      %dma_start3A_104 = tpu.memref_slice %arg19[%add3A_49, %dma_start3A_103] : memref<10240x128xf32, #tpu.memory_space<vmem_shared>> -> memref<32x128xf32, #tpu.memory_space<vmem_shared>>
      %dma_start3A_105 = arith.constant 0 : i32
      %dma_start3A_106 = tpu.memref_slice %arg19[%add3A_49, %dma_start3A_105] : memref<10240x128xf32, #tpu.memory_space<vmem_shared>> -> memref<32x128xf32, #tpu.memory_space<vmem_shared>>
      tpu.enqueue_dma source(%arg13 : memref<32x128xf32, #tpu.memory_space<vmem>>) target(%dma_start3A_106 : memref<32x128xf32, #tpu.memory_space<vmem_shared>>) target_semaphore(%run_scoped3A : memref<!tpu.dma_semaphore, #tpu.memory_space<semaphore_mem>>)
      %dma_wait3A = arith.constant 0 : i32
      %dma_wait3A_107 = tpu.memref_slice %arg19[%add3A_49, %dma_wait3A] : memref<10240x128xf32, #tpu.memory_space<vmem_shared>> -> memref<32x128xf32, #tpu.memory_space<vmem_shared>>
      %dma_wait3A_108 = arith.constant 0 : i32
      %dma_wait3A_109 = tpu.memref_slice %arg19[%add3A_49, %dma_wait3A_108] : memref<10240x128xf32, #tpu.memory_space<vmem_shared>> -> memref<32x128xf32, #tpu.memory_space<vmem_shared>>
      tpu.wait_dma2 semaphore(%run_scoped3A : memref<!tpu.dma_semaphore, #tpu.memory_space<semaphore_mem>>) src(%arg13 : memref<32x128xf32, #tpu.memory_space<vmem>>) dst(%dma_wait3A_109 : memref<32x128xf32, #tpu.memory_space<vmem_shared>>)
      tpu.yield
    }) : () -> ()
    %add3A_50 = arith.constant 576 : i32
    %add3A_51 = arith.addi %mul3A_14, %add3A_50 : i32
    "tpu.region"() ({
      %run_scoped3A = tpu.sem_alloc : memref<!tpu.dma_semaphore, #tpu.memory_space<semaphore_mem>>
      %dma_start3A_103 = arith.constant 0 : i32
      %dma_start3A_104 = tpu.memref_slice %arg19[%add3A_51, %dma_start3A_103] : memref<10240x128xf32, #tpu.memory_space<vmem_shared>> -> memref<32x128xf32, #tpu.memory_space<vmem_shared>>
      %dma_start3A_105 = arith.constant 0 : i32
      %dma_start3A_106 = tpu.memref_slice %arg19[%add3A_51, %dma_start3A_105] : memref<10240x128xf32, #tpu.memory_space<vmem_shared>> -> memref<32x128xf32, #tpu.memory_space<vmem_shared>>
      tpu.enqueue_dma source(%arg13 : memref<32x128xf32, #tpu.memory_space<vmem>>) target(%dma_start3A_106 : memref<32x128xf32, #tpu.memory_space<vmem_shared>>) target_semaphore(%run_scoped3A : memref<!tpu.dma_semaphore, #tpu.memory_space<semaphore_mem>>)
      %dma_wait3A = arith.constant 0 : i32
      %dma_wait3A_107 = tpu.memref_slice %arg19[%add3A_51, %dma_wait3A] : memref<10240x128xf32, #tpu.memory_space<vmem_shared>> -> memref<32x128xf32, #tpu.memory_space<vmem_shared>>
      %dma_wait3A_108 = arith.constant 0 : i32
      %dma_wait3A_109 = tpu.memref_slice %arg19[%add3A_51, %dma_wait3A_108] : memref<10240x128xf32, #tpu.memory_space<vmem_shared>> -> memref<32x128xf32, #tpu.memory_space<vmem_shared>>
      tpu.wait_dma2 semaphore(%run_scoped3A : memref<!tpu.dma_semaphore, #tpu.memory_space<semaphore_mem>>) src(%arg13 : memref<32x128xf32, #tpu.memory_space<vmem>>) dst(%dma_wait3A_109 : memref<32x128xf32, #tpu.memory_space<vmem_shared>>)
      tpu.yield
    }) : () -> ()
    %add3A_52 = arith.constant 608 : i32
    %add3A_53 = arith.addi %mul3A_14, %add3A_52 : i32
    "tpu.region"() ({
      %run_scoped3A = tpu.sem_alloc : memref<!tpu.dma_semaphore, #tpu.memory_space<semaphore_mem>>
      %dma_start3A_103 = arith.constant 0 : i32
      %dma_start3A_104 = tpu.memref_slice %arg19[%add3A_53, %dma_start3A_103] : memref<10240x128xf32, #tpu.memory_space<vmem_shared>> -> memref<32x128xf32, #tpu.memory_space<vmem_shared>>
      %dma_start3A_105 = arith.constant 0 : i32
      %dma_start3A_106 = tpu.memref_slice %arg19[%add3A_53, %dma_start3A_105] : memref<10240x128xf32, #tpu.memory_space<vmem_shared>> -> memref<32x128xf32, #tpu.memory_space<vmem_shared>>
      tpu.enqueue_dma source(%arg13 : memref<32x128xf32, #tpu.memory_space<vmem>>) target(%dma_start3A_106 : memref<32x128xf32, #tpu.memory_space<vmem_shared>>) target_semaphore(%run_scoped3A : memref<!tpu.dma_semaphore, #tpu.memory_space<semaphore_mem>>)
      %dma_wait3A = arith.constant 0 : i32
      %dma_wait3A_107 = tpu.memref_slice %arg19[%add3A_53, %dma_wait3A] : memref<10240x128xf32, #tpu.memory_space<vmem_shared>> -> memref<32x128xf32, #tpu.memory_space<vmem_shared>>
      %dma_wait3A_108 = arith.constant 0 : i32
      %dma_wait3A_109 = tpu.memref_slice %arg19[%add3A_53, %dma_wait3A_108] : memref<10240x128xf32, #tpu.memory_space<vmem_shared>> -> memref<32x128xf32, #tpu.memory_space<vmem_shared>>
      tpu.wait_dma2 semaphore(%run_scoped3A : memref<!tpu.dma_semaphore, #tpu.memory_space<semaphore_mem>>) src(%arg13 : memref<32x128xf32, #tpu.memory_space<vmem>>) dst(%dma_wait3A_109 : memref<32x128xf32, #tpu.memory_space<vmem_shared>>)
      tpu.yield
    }) : () -> ()
    %barrier3A = arith.constant 0 : index
    tpu.barrier barrier_id(%barrier3A)
    %mul3A_54 = arith.constant 2 : i32
    %mul3A_55 = arith.muli %arg1, %mul3A_54 : i32
    %add3A_56 = arith.addi %mul3A_55, %arg0 : i32
    %mul3A_57 = arith.constant 80 : i32
    %mul3A_58 = arith.muli %add3A_56, %mul3A_57 : i32
    %mul3A_59 = arith.constant 128 : i32
    %mul3A_60 = arith.muli %mul3A_58, %mul3A_59 : i32
    %add3A_61 = arith.constant 0 : i32
    %add3A_62 = arith.addi %mul3A_60, %add3A_61 : i32
    "tpu.region"() ({
      %run_scoped3A = tpu.sem_alloc : memref<!tpu.dma_semaphore, #tpu.memory_space<semaphore_mem>>
      %dma_start3A_103 = tpu.memref_slice %arg2[%add3A_62] : memref<327680xi32, #tpu.memory_space<hbm>> -> memref<128xi32, #tpu.memory_space<hbm>>
      %dma_start3A_104 = tpu.memref_slice %arg2[%add3A_62] : memref<327680xi32, #tpu.memory_space<hbm>> -> memref<128xi32, #tpu.memory_space<hbm>>
      tpu.enqueue_dma source(%dma_start3A_104 : memref<128xi32, #tpu.memory_space<hbm>>) target(%arg7 : memref<128xi32, #tpu.memory_space<vmem>>) target_semaphore(%run_scoped3A : memref<!tpu.dma_semaphore, #tpu.memory_space<semaphore_mem>>)
      %dma_wait3A = tpu.memref_slice %arg2[%add3A_62] : memref<327680xi32, #tpu.memory_space<hbm>> -> memref<128xi32, #tpu.memory_space<hbm>>
      %dma_wait3A_105 = tpu.memref_slice %arg2[%add3A_62] : memref<327680xi32, #tpu.memory_space<hbm>> -> memref<128xi32, #tpu.memory_space<hbm>>
      tpu.wait_dma2 semaphore(%run_scoped3A : memref<!tpu.dma_semaphore, #tpu.memory_space<semaphore_mem>>) src(%dma_wait3A_105 : memref<128xi32, #tpu.memory_space<hbm>>) dst(%arg7 : memref<128xi32, #tpu.memory_space<vmem>>)
      tpu.yield
    }) : () -> ()
    %add3A_63 = arith.constant 0 : i32
    %add3A_64 = arith.addi %mul3A_60, %add3A_63 : i32
    "tpu.region"() ({
      %run_scoped3A = tpu.sem_alloc : memref<!tpu.dma_semaphore, #tpu.memory_space<semaphore_mem>>
      %dma_start3A_103 = tpu.memref_slice %arg3[%add3A_64] : memref<327680xi32, #tpu.memory_space<hbm>> -> memref<128xi32, #tpu.memory_space<hbm>>
      %dma_start3A_104 = tpu.memref_slice %arg3[%add3A_64] : memref<327680xi32, #tpu.memory_space<hbm>> -> memref<128xi32, #tpu.memory_space<hbm>>
      tpu.enqueue_dma source(%dma_start3A_104 : memref<128xi32, #tpu.memory_space<hbm>>) target(%arg9 : memref<128xi32, #tpu.memory_space<vmem>>) target_semaphore(%run_scoped3A : memref<!tpu.dma_semaphore, #tpu.memory_space<semaphore_mem>>)
      %dma_wait3A = tpu.memref_slice %arg3[%add3A_64] : memref<327680xi32, #tpu.memory_space<hbm>> -> memref<128xi32, #tpu.memory_space<hbm>>
      %dma_wait3A_105 = tpu.memref_slice %arg3[%add3A_64] : memref<327680xi32, #tpu.memory_space<hbm>> -> memref<128xi32, #tpu.memory_space<hbm>>
      tpu.wait_dma2 semaphore(%run_scoped3A : memref<!tpu.dma_semaphore, #tpu.memory_space<semaphore_mem>>) src(%dma_wait3A_105 : memref<128xi32, #tpu.memory_space<hbm>>) dst(%arg9 : memref<128xi32, #tpu.memory_space<vmem>>)
      tpu.yield
    }) : () -> ()
    %dma_start3A = arith.constant 0 : i32
    %dma_start3A_65 = arith.constant 0 : i32
    %dma_start3A_66 = tpu.memref_slice %arg4[%dma_start3A, %dma_start3A_65] : memref<10240x128xf32, #tpu.memory_space<hbm>> -> memref<10240x128xf32, #tpu.memory_space<hbm>>
    tpu.enqueue_indirect_dma source(%dma_start3A_66 : memref<10240x128xf32, #tpu.memory_space<hbm>>) target(%arg11 : memref<128x128xf32, #tpu.memory_space<vmem>>) offsets(%arg7 : memref<128xi32, #tpu.memory_space<vmem>>) semaphore(%arg15 : memref<!tpu.dma_semaphore, #tpu.memory_space<semaphore_mem>>)
    %add3A_67 = arith.constant 128 : i32
    %add3A_68 = arith.addi %mul3A_60, %add3A_67 : i32
    "tpu.region"() ({
      %run_scoped3A = tpu.sem_alloc : memref<!tpu.dma_semaphore, #tpu.memory_space<semaphore_mem>>
      %dma_start3A_103 = tpu.memref_slice %arg2[%add3A_68] : memref<327680xi32, #tpu.memory_space<hbm>> -> memref<128xi32, #tpu.memory_space<hbm>>
      %dma_start3A_104 = tpu.memref_slice %arg2[%add3A_68] : memref<327680xi32, #tpu.memory_space<hbm>> -> memref<128xi32, #tpu.memory_space<hbm>>
      tpu.enqueue_dma source(%dma_start3A_104 : memref<128xi32, #tpu.memory_space<hbm>>) target(%arg8 : memref<128xi32, #tpu.memory_space<vmem>>) target_semaphore(%run_scoped3A : memref<!tpu.dma_semaphore, #tpu.memory_space<semaphore_mem>>)
      %dma_wait3A = tpu.memref_slice %arg2[%add3A_68] : memref<327680xi32, #tpu.memory_space<hbm>> -> memref<128xi32, #tpu.memory_space<hbm>>
      %dma_wait3A_105 = tpu.memref_slice %arg2[%add3A_68] : memref<327680xi32, #tpu.memory_space<hbm>> -> memref<128xi32, #tpu.memory_space<hbm>>
      tpu.wait_dma2 semaphore(%run_scoped3A : memref<!tpu.dma_semaphore, #tpu.memory_space<semaphore_mem>>) src(%dma_wait3A_105 : memref<128xi32, #tpu.memory_space<hbm>>) dst(%arg8 : memref<128xi32, #tpu.memory_space<vmem>>)
      tpu.yield
    }) : () -> ()
    %add3A_69 = arith.constant 128 : i32
    %add3A_70 = arith.addi %mul3A_60, %add3A_69 : i32
    "tpu.region"() ({
      %run_scoped3A = tpu.sem_alloc : memref<!tpu.dma_semaphore, #tpu.memory_space<semaphore_mem>>
      %dma_start3A_103 = tpu.memref_slice %arg3[%add3A_70] : memref<327680xi32, #tpu.memory_space<hbm>> -> memref<128xi32, #tpu.memory_space<hbm>>
      %dma_start3A_104 = tpu.memref_slice %arg3[%add3A_70] : memref<327680xi32, #tpu.memory_space<hbm>> -> memref<128xi32, #tpu.memory_space<hbm>>
      tpu.enqueue_dma source(%dma_start3A_104 : memref<128xi32, #tpu.memory_space<hbm>>) target(%arg10 : memref<128xi32, #tpu.memory_space<vmem>>) target_semaphore(%run_scoped3A : memref<!tpu.dma_semaphore, #tpu.memory_space<semaphore_mem>>)
      %dma_wait3A = tpu.memref_slice %arg3[%add3A_70] : memref<327680xi32, #tpu.memory_space<hbm>> -> memref<128xi32, #tpu.memory_space<hbm>>
      %dma_wait3A_105 = tpu.memref_slice %arg3[%add3A_70] : memref<327680xi32, #tpu.memory_space<hbm>> -> memref<128xi32, #tpu.memory_space<hbm>>
      tpu.wait_dma2 semaphore(%run_scoped3A : memref<!tpu.dma_semaphore, #tpu.memory_space<semaphore_mem>>) src(%dma_wait3A_105 : memref<128xi32, #tpu.memory_space<hbm>>) dst(%arg10 : memref<128xi32, #tpu.memory_space<vmem>>)
      tpu.yield
    }) : () -> ()
    %dma_start3A_71 = arith.constant 0 : i32
    %dma_start3A_72 = arith.constant 0 : i32
    %dma_start3A_73 = tpu.memref_slice %arg4[%dma_start3A_71, %dma_start3A_72] : memref<10240x128xf32, #tpu.memory_space<hbm>> -> memref<10240x128xf32, #tpu.memory_space<hbm>>
    tpu.enqueue_indirect_dma source(%dma_start3A_73 : memref<10240x128xf32, #tpu.memory_space<hbm>>) target(%arg12 : memref<128x128xf32, #tpu.memory_space<vmem>>) offsets(%arg8 : memref<128xi32, #tpu.memory_space<vmem>>) semaphore(%arg16 : memref<!tpu.dma_semaphore, #tpu.memory_space<semaphore_mem>>)
    %scan3A_74 = arith.constant 0 : i32
    %scan3A_75 = arith.constant 0 : i32
    %scan3A_76 = arith.constant 40 : i32
    %scan3A_77 = arith.addi %scan3A_75, %scan3A_76 : i32
    %scan3A_78 = arith.constant 1 : i32
    scf.for %scan3A_103 = %scan3A_75 to %scan3A_77 step %scan3A_78  : i32 {
      %mul3A_104 = arith.constant 2 : i32
      %mul3A_105 = arith.muli %mul3A_104, %scan3A_103 : i32
      %add3A_106 = arith.constant 1 : i32
      %add3A_107 = arith.addi %mul3A_105, %add3A_106 : i32
      %dma_wait3A = arith.constant 0 : i32
      %dma_wait3A_108 = arith.constant 0 : i32
      %dma_wait3A_109 = tpu.memref_slice %arg4[%dma_wait3A, %dma_wait3A_108] : memref<10240x128xf32, #tpu.memory_space<hbm>> -> memref<10240x128xf32, #tpu.memory_space<hbm>>
      tpu.wait_indirect_dma semaphore(%arg15 : memref<!tpu.dma_semaphore, #tpu.memory_space<semaphore_mem>>) src(%dma_wait3A_109 : memref<10240x128xf32, #tpu.memory_space<hbm>>) dst(%arg11 : memref<128x128xf32, #tpu.memory_space<vmem>>)
      %dma_start3A_110 = arith.constant 0 : i32
      %dma_start3A_111 = arith.constant 0 : i32
      %dma_start3A_112 = tpu.memref_slice %arg19[%dma_start3A_110, %dma_start3A_111] : memref<10240x128xf32, #tpu.memory_space<vmem_shared>> -> memref<10240x128xf32, #tpu.memory_space<vmem_shared>>
      tpu.enqueue_indirect_dma source(%arg11 : memref<128x128xf32, #tpu.memory_space<vmem>>) target(%dma_start3A_112 : memref<10240x128xf32, #tpu.memory_space<vmem_shared>>) offsets(%arg9 : memref<128xi32, #tpu.memory_space<vmem>>) semaphore(%arg17 : memref<!tpu.dma_semaphore, #tpu.memory_space<semaphore_mem>>) {add = true}
      %get3A = arith.constant 0 : index
      %get3A_113 = tpu.vector_load %arg9[%get3A] {strides = array<i32>} : memref<128xi32, #tpu.memory_space<vmem>>, vector<16xi32>,
      tpu.vector_store_idx %arg14[%get3A_113], %broadcast_in_dim3A_2 {add = true} : memref<10240xf32, #tpu.memory_space<vmem>>[vector<16xi32>], vector<16xf32>,
      %get3A_114 = arith.constant 16 : index
      %get3A_115 = tpu.vector_load %arg9[%get3A_114] {strides = array<i32>} : memref<128xi32, #tpu.memory_space<vmem>>, vector<16xi32>,
      tpu.vector_store_idx %arg14[%get3A_115], %broadcast_in_dim3A_2 {add = true} : memref<10240xf32, #tpu.memory_space<vmem>>[vector<16xi32>], vector<16xf32>,
      %get3A_116 = arith.constant 32 : index
      %get3A_117 = tpu.vector_load %arg9[%get3A_116] {strides = array<i32>} : memref<128xi32, #tpu.memory_space<vmem>>, vector<16xi32>,
      tpu.vector_store_idx %arg14[%get3A_117], %broadcast_in_dim3A_2 {add = true} : memref<10240xf32, #tpu.memory_space<vmem>>[vector<16xi32>], vector<16xf32>,
      %get3A_118 = arith.constant 48 : index
      %get3A_119 = tpu.vector_load %arg9[%get3A_118] {strides = array<i32>} : memref<128xi32, #tpu.memory_space<vmem>>, vector<16xi32>,
      tpu.vector_store_idx %arg14[%get3A_119], %broadcast_in_dim3A_2 {add = true} : memref<10240xf32, #tpu.memory_space<vmem>>[vector<16xi32>], vector<16xf32>,
      %get3A_120 = arith.constant 64 : index
      %get3A_121 = tpu.vector_load %arg9[%get3A_120] {strides = array<i32>} : memref<128xi32, #tpu.memory_space<vmem>>, vector<16xi32>,
      tpu.vector_store_idx %arg14[%get3A_121], %broadcast_in_dim3A_2 {add = true} : memref<10240xf32, #tpu.memory_space<vmem>>[vector<16xi32>], vector<16xf32>,
      %get3A_122 = arith.constant 80 : index
      %get3A_123 = tpu.vector_load %arg9[%get3A_122] {strides = array<i32>} : memref<128xi32, #tpu.memory_space<vmem>>, vector<16xi32>,
      tpu.vector_store_idx %arg14[%get3A_123], %broadcast_in_dim3A_2 {add = true} : memref<10240xf32, #tpu.memory_space<vmem>>[vector<16xi32>], vector<16xf32>,
      %get3A_124 = arith.constant 96 : index
      %get3A_125 = tpu.vector_load %arg9[%get3A_124] {strides = array<i32>} : memref<128xi32, #tpu.memory_space<vmem>>, vector<16xi32>,
      tpu.vector_store_idx %arg14[%get3A_125], %broadcast_in_dim3A_2 {add = true} : memref<10240xf32, #tpu.memory_space<vmem>>[vector<16xi32>], vector<16xf32>,
      %get3A_126 = arith.constant 112 : index
      %get3A_127 = tpu.vector_load %arg9[%get3A_126] {strides = array<i32>} : memref<128xi32, #tpu.memory_space<vmem>>, vector<16xi32>,
      tpu.vector_store_idx %arg14[%get3A_127], %broadcast_in_dim3A_2 {add = true} : memref<10240xf32, #tpu.memory_space<vmem>>[vector<16xi32>], vector<16xf32>,
      %dma_wait3A_128 = arith.constant 0 : i32
      %dma_wait3A_129 = arith.constant 0 : i32
      %dma_wait3A_130 = tpu.memref_slice %arg4[%dma_wait3A_128, %dma_wait3A_129] : memref<10240x128xf32, #tpu.memory_space<hbm>> -> memref<10240x128xf32, #tpu.memory_space<hbm>>
      tpu.wait_indirect_dma semaphore(%arg16 : memref<!tpu.dma_semaphore, #tpu.memory_space<semaphore_mem>>) src(%dma_wait3A_130 : memref<10240x128xf32, #tpu.memory_space<hbm>>) dst(%arg12 : memref<128x128xf32, #tpu.memory_space<vmem>>)
      %dma_start3A_131 = arith.constant 0 : i32
      %dma_start3A_132 = arith.constant 0 : i32
      %dma_start3A_133 = tpu.memref_slice %arg19[%dma_start3A_131, %dma_start3A_132] : memref<10240x128xf32, #tpu.memory_space<vmem_shared>> -> memref<10240x128xf32, #tpu.memory_space<vmem_shared>>
      tpu.enqueue_indirect_dma source(%arg12 : memref<128x128xf32, #tpu.memory_space<vmem>>) target(%dma_start3A_133 : memref<10240x128xf32, #tpu.memory_space<vmem_shared>>) offsets(%arg10 : memref<128xi32, #tpu.memory_space<vmem>>) semaphore(%arg18 : memref<!tpu.dma_semaphore, #tpu.memory_space<semaphore_mem>>) {add = true}
      %get3A_134 = arith.constant 0 : index
      %get3A_135 = tpu.vector_load %arg10[%get3A_134] {strides = array<i32>} : memref<128xi32, #tpu.memory_space<vmem>>, vector<16xi32>,
      tpu.vector_store_idx %arg14[%get3A_135], %broadcast_in_dim3A_2 {add = true} : memref<10240xf32, #tpu.memory_space<vmem>>[vector<16xi32>], vector<16xf32>,
      %get3A_136 = arith.constant 16 : index
      %get3A_137 = tpu.vector_load %arg10[%get3A_136] {strides = array<i32>} : memref<128xi32, #tpu.memory_space<vmem>>, vector<16xi32>,
      tpu.vector_store_idx %arg14[%get3A_137], %broadcast_in_dim3A_2 {add = true} : memref<10240xf32, #tpu.memory_space<vmem>>[vector<16xi32>], vector<16xf32>,
      %get3A_138 = arith.constant 32 : index
      %get3A_139 = tpu.vector_load %arg10[%get3A_138] {strides = array<i32>} : memref<128xi32, #tpu.memory_space<vmem>>, vector<16xi32>,
      tpu.vector_store_idx %arg14[%get3A_139], %broadcast_in_dim3A_2 {add = true} : memref<10240xf32, #tpu.memory_space<vmem>>[vector<16xi32>], vector<16xf32>,
      %get3A_140 = arith.constant 48 : index
      %get3A_141 = tpu.vector_load %arg10[%get3A_140] {strides = array<i32>} : memref<128xi32, #tpu.memory_space<vmem>>, vector<16xi32>,
      tpu.vector_store_idx %arg14[%get3A_141], %broadcast_in_dim3A_2 {add = true} : memref<10240xf32, #tpu.memory_space<vmem>>[vector<16xi32>], vector<16xf32>,
      %get3A_142 = arith.constant 64 : index
      %get3A_143 = tpu.vector_load %arg10[%get3A_142] {strides = array<i32>} : memref<128xi32, #tpu.memory_space<vmem>>, vector<16xi32>,
      tpu.vector_store_idx %arg14[%get3A_143], %broadcast_in_dim3A_2 {add = true} : memref<10240xf32, #tpu.memory_space<vmem>>[vector<16xi32>], vector<16xf32>,
      %get3A_144 = arith.constant 80 : index
      %get3A_145 = tpu.vector_load %arg10[%get3A_144] {strides = array<i32>} : memref<128xi32, #tpu.memory_space<vmem>>, vector<16xi32>,
      tpu.vector_store_idx %arg14[%get3A_145], %broadcast_in_dim3A_2 {add = true} : memref<10240xf32, #tpu.memory_space<vmem>>[vector<16xi32>], vector<16xf32>,
      %get3A_146 = arith.constant 96 : index
      %get3A_147 = tpu.vector_load %arg10[%get3A_146] {strides = array<i32>} : memref<128xi32, #tpu.memory_space<vmem>>, vector<16xi32>,
      tpu.vector_store_idx %arg14[%get3A_147], %broadcast_in_dim3A_2 {add = true} : memref<10240xf32, #tpu.memory_space<vmem>>[vector<16xi32>], vector<16xf32>,
      %get3A_148 = arith.constant 112 : index
      %get3A_149 = tpu.vector_load %arg10[%get3A_148] {strides = array<i32>} : memref<128xi32, #tpu.memory_space<vmem>>, vector<16xi32>,
      tpu.vector_store_idx %arg14[%get3A_149], %broadcast_in_dim3A_2 {add = true} : memref<10240xf32, #tpu.memory_space<vmem>>[vector<16xi32>], vector<16xf32>,
      %dma_wait3A_150 = arith.constant 0 : i32
      %dma_wait3A_151 = arith.constant 0 : i32
      %dma_wait3A_152 = tpu.memref_slice %arg19[%dma_wait3A_150, %dma_wait3A_151] : memref<10240x128xf32, #tpu.memory_space<vmem_shared>> -> memref<10240x128xf32, #tpu.memory_space<vmem_shared>>
      tpu.wait_indirect_dma semaphore(%arg17 : memref<!tpu.dma_semaphore, #tpu.memory_space<semaphore_mem>>) src(%arg11 : memref<128x128xf32, #tpu.memory_space<vmem>>) dst(%dma_wait3A_152 : memref<10240x128xf32, #tpu.memory_space<vmem_shared>>)
      %add3A_153 = arith.constant 2 : i32
      %add3A_154 = arith.addi %mul3A_105, %add3A_153 : i32
      %lt3A = arith.constant 80 : i32
      %lt3A_155 = arith.cmpi slt, %add3A_154, %lt3A : i32
      %convert_element_type3A = arith.extui %lt3A_155 : i1 to i32
      %cond3A = arith.constant 0 : i32
      %cond3A_156 = arith.cmpi ne, %convert_element_type3A, %cond3A : i32
      scf.if %cond3A_156 {
        %add3A_167 = arith.constant 2 : i32
        %add3A_168 = arith.addi %mul3A_105, %add3A_167 : i32
        %mul3A_169 = arith.constant 128 : i32
        %mul3A_170 = arith.muli %add3A_168, %mul3A_169 : i32
        %add3A_171 = arith.addi %mul3A_60, %mul3A_170 : i32
        "tpu.region"() ({
          %run_scoped3A = tpu.sem_alloc : memref<!tpu.dma_semaphore, #tpu.memory_space<semaphore_mem>>
          %dma_start3A_178 = tpu.memref_slice %arg2[%add3A_171] : memref<327680xi32, #tpu.memory_space<hbm>> -> memref<128xi32, #tpu.memory_space<hbm>>
          %dma_start3A_179 = tpu.memref_slice %arg2[%add3A_171] : memref<327680xi32, #tpu.memory_space<hbm>> -> memref<128xi32, #tpu.memory_space<hbm>>
          tpu.enqueue_dma source(%dma_start3A_179 : memref<128xi32, #tpu.memory_space<hbm>>) target(%arg7 : memref<128xi32, #tpu.memory_space<vmem>>) target_semaphore(%run_scoped3A : memref<!tpu.dma_semaphore, #tpu.memory_space<semaphore_mem>>)
          %dma_wait3A_180 = tpu.memref_slice %arg2[%add3A_171] : memref<327680xi32, #tpu.memory_space<hbm>> -> memref<128xi32, #tpu.memory_space<hbm>>
          %dma_wait3A_181 = tpu.memref_slice %arg2[%add3A_171] : memref<327680xi32, #tpu.memory_space<hbm>> -> memref<128xi32, #tpu.memory_space<hbm>>
          tpu.wait_dma2 semaphore(%run_scoped3A : memref<!tpu.dma_semaphore, #tpu.memory_space<semaphore_mem>>) src(%dma_wait3A_181 : memref<128xi32, #tpu.memory_space<hbm>>) dst(%arg7 : memref<128xi32, #tpu.memory_space<vmem>>)
          tpu.yield
        }) : () -> ()
        %mul3A_172 = arith.constant 128 : i32
        %mul3A_173 = arith.muli %add3A_168, %mul3A_172 : i32
        %add3A_174 = arith.addi %mul3A_60, %mul3A_173 : i32
        "tpu.region"() ({
          %run_scoped3A = tpu.sem_alloc : memref<!tpu.dma_semaphore, #tpu.memory_space<semaphore_mem>>
          %dma_start3A_178 = tpu.memref_slice %arg3[%add3A_174] : memref<327680xi32, #tpu.memory_space<hbm>> -> memref<128xi32, #tpu.memory_space<hbm>>
          %dma_start3A_179 = tpu.memref_slice %arg3[%add3A_174] : memref<327680xi32, #tpu.memory_space<hbm>> -> memref<128xi32, #tpu.memory_space<hbm>>
          tpu.enqueue_dma source(%dma_start3A_179 : memref<128xi32, #tpu.memory_space<hbm>>) target(%arg9 : memref<128xi32, #tpu.memory_space<vmem>>) target_semaphore(%run_scoped3A : memref<!tpu.dma_semaphore, #tpu.memory_space<semaphore_mem>>)
          %dma_wait3A_180 = tpu.memref_slice %arg3[%add3A_174] : memref<327680xi32, #tpu.memory_space<hbm>> -> memref<128xi32, #tpu.memory_space<hbm>>
          %dma_wait3A_181 = tpu.memref_slice %arg3[%add3A_174] : memref<327680xi32, #tpu.memory_space<hbm>> -> memref<128xi32, #tpu.memory_space<hbm>>
          tpu.wait_dma2 semaphore(%run_scoped3A : memref<!tpu.dma_semaphore, #tpu.memory_space<semaphore_mem>>) src(%dma_wait3A_181 : memref<128xi32, #tpu.memory_space<hbm>>) dst(%arg9 : memref<128xi32, #tpu.memory_space<vmem>>)
          tpu.yield
        }) : () -> ()
        %dma_start3A_175 = arith.constant 0 : i32
        %dma_start3A_176 = arith.constant 0 : i32
        %dma_start3A_177 = tpu.memref_slice %arg4[%dma_start3A_175, %dma_start3A_176] : memref<10240x128xf32, #tpu.memory_space<hbm>> -> memref<10240x128xf32, #tpu.memory_space<hbm>>
        tpu.enqueue_indirect_dma source(%dma_start3A_177 : memref<10240x128xf32, #tpu.memory_space<hbm>>) target(%arg11 : memref<128x128xf32, #tpu.memory_space<vmem>>) offsets(%arg7 : memref<128xi32, #tpu.memory_space<vmem>>) semaphore(%arg15 : memref<!tpu.dma_semaphore, #tpu.memory_space<semaphore_mem>>)
      } else {
      }
      %dma_wait3A_157 = arith.constant 0 : i32
      %dma_wait3A_158 = arith.constant 0 : i32
      %dma_wait3A_159 = tpu.memref_slice %arg19[%dma_wait3A_157, %dma_wait3A_158] : memref<10240x128xf32, #tpu.memory_space<vmem_shared>> -> memref<10240x128xf32, #tpu.memory_space<vmem_shared>>
      tpu.wait_indirect_dma semaphore(%arg18 : memref<!tpu.dma_semaphore, #tpu.memory_space<semaphore_mem>>) src(%arg12 : memref<128x128xf32, #tpu.memory_space<vmem>>) dst(%dma_wait3A_159 : memref<10240x128xf32, #tpu.memory_space<vmem_shared>>)
      %add3A_160 = arith.constant 2 : i32
      %add3A_161 = arith.addi %add3A_107, %add3A_160 : i32
      %lt3A_162 = arith.constant 80 : i32
      %lt3A_163 = arith.cmpi slt, %add3A_161, %lt3A_162 : i32
      %convert_element_type3A_164 = arith.extui %lt3A_163 : i1 to i32
      %cond3A_165 = arith.constant 0 : i32
      %cond3A_166 = arith.cmpi ne, %convert_element_type3A_164, %cond3A_165 : i32
      scf.if %cond3A_166 {
        %add3A_167 = arith.constant 2 : i32
        %add3A_168 = arith.addi %add3A_107, %add3A_167 : i32
        %mul3A_169 = arith.constant 128 : i32
        %mul3A_170 = arith.muli %add3A_168, %mul3A_169 : i32
        %add3A_171 = arith.addi %mul3A_60, %mul3A_170 : i32
        "tpu.region"() ({
          %run_scoped3A = tpu.sem_alloc : memref<!tpu.dma_semaphore, #tpu.memory_space<semaphore_mem>>
          %dma_start3A_178 = tpu.memref_slice %arg2[%add3A_171] : memref<327680xi32, #tpu.memory_space<hbm>> -> memref<128xi32, #tpu.memory_space<hbm>>
          %dma_start3A_179 = tpu.memref_slice %arg2[%add3A_171] : memref<327680xi32, #tpu.memory_space<hbm>> -> memref<128xi32, #tpu.memory_space<hbm>>
          tpu.enqueue_dma source(%dma_start3A_179 : memref<128xi32, #tpu.memory_space<hbm>>) target(%arg8 : memref<128xi32, #tpu.memory_space<vmem>>) target_semaphore(%run_scoped3A : memref<!tpu.dma_semaphore, #tpu.memory_space<semaphore_mem>>)
          %dma_wait3A_180 = tpu.memref_slice %arg2[%add3A_171] : memref<327680xi32, #tpu.memory_space<hbm>> -> memref<128xi32, #tpu.memory_space<hbm>>
          %dma_wait3A_181 = tpu.memref_slice %arg2[%add3A_171] : memref<327680xi32, #tpu.memory_space<hbm>> -> memref<128xi32, #tpu.memory_space<hbm>>
          tpu.wait_dma2 semaphore(%run_scoped3A : memref<!tpu.dma_semaphore, #tpu.memory_space<semaphore_mem>>) src(%dma_wait3A_181 : memref<128xi32, #tpu.memory_space<hbm>>) dst(%arg8 : memref<128xi32, #tpu.memory_space<vmem>>)
          tpu.yield
        }) : () -> ()
        %mul3A_172 = arith.constant 128 : i32
        %mul3A_173 = arith.muli %add3A_168, %mul3A_172 : i32
        %add3A_174 = arith.addi %mul3A_60, %mul3A_173 : i32
        "tpu.region"() ({
          %run_scoped3A = tpu.sem_alloc : memref<!tpu.dma_semaphore, #tpu.memory_space<semaphore_mem>>
          %dma_start3A_178 = tpu.memref_slice %arg3[%add3A_174] : memref<327680xi32, #tpu.memory_space<hbm>> -> memref<128xi32, #tpu.memory_space<hbm>>
          %dma_start3A_179 = tpu.memref_slice %arg3[%add3A_174] : memref<327680xi32, #tpu.memory_space<hbm>> -> memref<128xi32, #tpu.memory_space<hbm>>
          tpu.enqueue_dma source(%dma_start3A_179 : memref<128xi32, #tpu.memory_space<hbm>>) target(%arg10 : memref<128xi32, #tpu.memory_space<vmem>>) target_semaphore(%run_scoped3A : memref<!tpu.dma_semaphore, #tpu.memory_space<semaphore_mem>>)
          %dma_wait3A_180 = tpu.memref_slice %arg3[%add3A_174] : memref<327680xi32, #tpu.memory_space<hbm>> -> memref<128xi32, #tpu.memory_space<hbm>>
          %dma_wait3A_181 = tpu.memref_slice %arg3[%add3A_174] : memref<327680xi32, #tpu.memory_space<hbm>> -> memref<128xi32, #tpu.memory_space<hbm>>
          tpu.wait_dma2 semaphore(%run_scoped3A : memref<!tpu.dma_semaphore, #tpu.memory_space<semaphore_mem>>) src(%dma_wait3A_181 : memref<128xi32, #tpu.memory_space<hbm>>) dst(%arg10 : memref<128xi32, #tpu.memory_space<vmem>>)
          tpu.yield
        }) : () -> ()
        %dma_start3A_175 = arith.constant 0 : i32
        %dma_start3A_176 = arith.constant 0 : i32
        %dma_start3A_177 = tpu.memref_slice %arg4[%dma_start3A_175, %dma_start3A_176] : memref<10240x128xf32, #tpu.memory_space<hbm>> -> memref<10240x128xf32, #tpu.memory_space<hbm>>
        tpu.enqueue_indirect_dma source(%dma_start3A_177 : memref<10240x128xf32, #tpu.memory_space<hbm>>) target(%arg12 : memref<128x128xf32, #tpu.memory_space<vmem>>) offsets(%arg8 : memref<128xi32, #tpu.memory_space<vmem>>) semaphore(%arg16 : memref<!tpu.dma_semaphore, #tpu.memory_space<semaphore_mem>>)
      } else {
      }
    }
    %scan3A_79 = arith.constant 40 : i32
    %barrier3A_80 = arith.constant 0 : index
    tpu.barrier barrier_id(%barrier3A_80)
    %add3A_81 = arith.constant 0 : i32
    %add3A_82 = arith.addi %mul3A_14, %add3A_81 : i32
    %add3A_83 = arith.constant 0 : i32
    %add3A_84 = arith.addi %mul3A_14, %add3A_83 : i32
    "tpu.region"() ({
      %run_scoped3A = tpu.sem_alloc : memref<!tpu.dma_semaphore, #tpu.memory_space<semaphore_mem>>
      %dma_start3A_103 = arith.constant 0 : i32
      %dma_start3A_104 = tpu.memref_slice %arg5[%arg0, %add3A_84, %dma_start3A_103] : memref<2x10240x128xf32, #tpu.memory_space<hbm>> -> memref<1x128x128xf32, #tpu.memory_space<hbm>>
      %dma_start3A_105 = tpu.memref_squeeze %dma_start3A_104 : memref<1x128x128xf32, #tpu.memory_space<hbm>> -> memref<128x128xf32, #tpu.memory_space<hbm>>
      %dma_start3A_106 = arith.constant 0 : i32
      %dma_start3A_107 = tpu.memref_slice %arg19[%add3A_82, %dma_start3A_106] : memref<10240x128xf32, #tpu.memory_space<vmem_shared>> -> memref<128x128xf32, #tpu.memory_space<vmem_shared>>
      tpu.enqueue_dma source(%dma_start3A_107 : memref<128x128xf32, #tpu.memory_space<vmem_shared>>) target(%dma_start3A_105 : memref<128x128xf32, #tpu.memory_space<hbm>>) target_semaphore(%run_scoped3A : memref<!tpu.dma_semaphore, #tpu.memory_space<semaphore_mem>>)
      %dma_wait3A = arith.constant 0 : i32
      %dma_wait3A_108 = tpu.memref_slice %arg5[%arg0, %add3A_84, %dma_wait3A] : memref<2x10240x128xf32, #tpu.memory_space<hbm>> -> memref<1x128x128xf32, #tpu.memory_space<hbm>>
      %dma_wait3A_109 = tpu.memref_squeeze %dma_wait3A_108 : memref<1x128x128xf32, #tpu.memory_space<hbm>> -> memref<128x128xf32, #tpu.memory_space<hbm>>
      %dma_wait3A_110 = arith.constant 0 : i32
      %dma_wait3A_111 = tpu.memref_slice %arg19[%add3A_82, %dma_wait3A_110] : memref<10240x128xf32, #tpu.memory_space<vmem_shared>> -> memref<128x128xf32, #tpu.memory_space<vmem_shared>>
      tpu.wait_dma2 semaphore(%run_scoped3A : memref<!tpu.dma_semaphore, #tpu.memory_space<semaphore_mem>>) src(%dma_wait3A_111 : memref<128x128xf32, #tpu.memory_space<vmem_shared>>) dst(%dma_wait3A_109 : memref<128x128xf32, #tpu.memory_space<hbm>>)
      tpu.yield
    }) : () -> ()
    %add3A_85 = arith.constant 128 : i32
    %add3A_86 = arith.addi %mul3A_14, %add3A_85 : i32
    %add3A_87 = arith.constant 128 : i32
    %add3A_88 = arith.addi %mul3A_14, %add3A_87 : i32
    "tpu.region"() ({
      %run_scoped3A = tpu.sem_alloc : memref<!tpu.dma_semaphore, #tpu.memory_space<semaphore_mem>>
      %dma_start3A_103 = arith.constant 0 : i32
      %dma_start3A_104 = tpu.memref_slice %arg5[%arg0, %add3A_88, %dma_start3A_103] : memref<2x10240x128xf32, #tpu.memory_space<hbm>> -> memref<1x128x128xf32, #tpu.memory_space<hbm>>
      %dma_start3A_105 = tpu.memref_squeeze %dma_start3A_104 : memref<1x128x128xf32, #tpu.memory_space<hbm>> -> memref<128x128xf32, #tpu.memory_space<hbm>>
      %dma_start3A_106 = arith.constant 0 : i32
      %dma_start3A_107 = tpu.memref_slice %arg19[%add3A_86, %dma_start3A_106] : memref<10240x128xf32, #tpu.memory_space<vmem_shared>> -> memref<128x128xf32, #tpu.memory_space<vmem_shared>>
      tpu.enqueue_dma source(%dma_start3A_107 : memref<128x128xf32, #tpu.memory_space<vmem_shared>>) target(%dma_start3A_105 : memref<128x128xf32, #tpu.memory_space<hbm>>) target_semaphore(%run_scoped3A : memref<!tpu.dma_semaphore, #tpu.memory_space<semaphore_mem>>)
      %dma_wait3A = arith.constant 0 : i32
      %dma_wait3A_108 = tpu.memref_slice %arg5[%arg0, %add3A_88, %dma_wait3A] : memref<2x10240x128xf32, #tpu.memory_space<hbm>> -> memref<1x128x128xf32, #tpu.memory_space<hbm>>
      %dma_wait3A_109 = tpu.memref_squeeze %dma_wait3A_108 : memref<1x128x128xf32, #tpu.memory_space<hbm>> -> memref<128x128xf32, #tpu.memory_space<hbm>>
      %dma_wait3A_110 = arith.constant 0 : i32
      %dma_wait3A_111 = tpu.memref_slice %arg19[%add3A_86, %dma_wait3A_110] : memref<10240x128xf32, #tpu.memory_space<vmem_shared>> -> memref<128x128xf32, #tpu.memory_space<vmem_shared>>
      tpu.wait_dma2 semaphore(%run_scoped3A : memref<!tpu.dma_semaphore, #tpu.memory_space<semaphore_mem>>) src(%dma_wait3A_111 : memref<128x128xf32, #tpu.memory_space<vmem_shared>>) dst(%dma_wait3A_109 : memref<128x128xf32, #tpu.memory_space<hbm>>)
      tpu.yield
    }) : () -> ()
    %add3A_89 = arith.constant 256 : i32
    %add3A_90 = arith.addi %mul3A_14, %add3A_89 : i32
    %add3A_91 = arith.constant 256 : i32
    %add3A_92 = arith.addi %mul3A_14, %add3A_91 : i32
    "tpu.region"() ({
      %run_scoped3A = tpu.sem_alloc : memref<!tpu.dma_semaphore, #tpu.memory_space<semaphore_mem>>
      %dma_start3A_103 = arith.constant 0 : i32
      %dma_start3A_104 = tpu.memref_slice %arg5[%arg0, %add3A_92, %dma_start3A_103] : memref<2x10240x128xf32, #tpu.memory_space<hbm>> -> memref<1x128x128xf32, #tpu.memory_space<hbm>>
      %dma_start3A_105 = tpu.memref_squeeze %dma_start3A_104 : memref<1x128x128xf32, #tpu.memory_space<hbm>> -> memref<128x128xf32, #tpu.memory_space<hbm>>
      %dma_start3A_106 = arith.constant 0 : i32
      %dma_start3A_107 = tpu.memref_slice %arg19[%add3A_90, %dma_start3A_106] : memref<10240x128xf32, #tpu.memory_space<vmem_shared>> -> memref<128x128xf32, #tpu.memory_space<vmem_shared>>
      tpu.enqueue_dma source(%dma_start3A_107 : memref<128x128xf32, #tpu.memory_space<vmem_shared>>) target(%dma_start3A_105 : memref<128x128xf32, #tpu.memory_space<hbm>>) target_semaphore(%run_scoped3A : memref<!tpu.dma_semaphore, #tpu.memory_space<semaphore_mem>>)
      %dma_wait3A = arith.constant 0 : i32
      %dma_wait3A_108 = tpu.memref_slice %arg5[%arg0, %add3A_92, %dma_wait3A] : memref<2x10240x128xf32, #tpu.memory_space<hbm>> -> memref<1x128x128xf32, #tpu.memory_space<hbm>>
      %dma_wait3A_109 = tpu.memref_squeeze %dma_wait3A_108 : memref<1x128x128xf32, #tpu.memory_space<hbm>> -> memref<128x128xf32, #tpu.memory_space<hbm>>
      %dma_wait3A_110 = arith.constant 0 : i32
      %dma_wait3A_111 = tpu.memref_slice %arg19[%add3A_90, %dma_wait3A_110] : memref<10240x128xf32, #tpu.memory_space<vmem_shared>> -> memref<128x128xf32, #tpu.memory_space<vmem_shared>>
      tpu.wait_dma2 semaphore(%run_scoped3A : memref<!tpu.dma_semaphore, #tpu.memory_space<semaphore_mem>>) src(%dma_wait3A_111 : memref<128x128xf32, #tpu.memory_space<vmem_shared>>) dst(%dma_wait3A_109 : memref<128x128xf32, #tpu.memory_space<hbm>>)
      tpu.yield
    }) : () -> ()
    %add3A_93 = arith.constant 384 : i32
    %add3A_94 = arith.addi %mul3A_14, %add3A_93 : i32
    %add3A_95 = arith.constant 384 : i32
    %add3A_96 = arith.addi %mul3A_14, %add3A_95 : i32
    "tpu.region"() ({
      %run_scoped3A = tpu.sem_alloc : memref<!tpu.dma_semaphore, #tpu.memory_space<semaphore_mem>>
      %dma_start3A_103 = arith.constant 0 : i32
      %dma_start3A_104 = tpu.memref_slice %arg5[%arg0, %add3A_96, %dma_start3A_103] : memref<2x10240x128xf32, #tpu.memory_space<hbm>> -> memref<1x128x128xf32, #tpu.memory_space<hbm>>
      %dma_start3A_105 = tpu.memref_squeeze %dma_start3A_104 : memref<1x128x128xf32, #tpu.memory_space<hbm>> -> memref<128x128xf32, #tpu.memory_space<hbm>>
      %dma_start3A_106 = arith.constant 0 : i32
      %dma_start3A_107 = tpu.memref_slice %arg19[%add3A_94, %dma_start3A_106] : memref<10240x128xf32, #tpu.memory_space<vmem_shared>> -> memref<128x128xf32, #tpu.memory_space<vmem_shared>>
      tpu.enqueue_dma source(%dma_start3A_107 : memref<128x128xf32, #tpu.memory_space<vmem_shared>>) target(%dma_start3A_105 : memref<128x128xf32, #tpu.memory_space<hbm>>) target_semaphore(%run_scoped3A : memref<!tpu.dma_semaphore, #tpu.memory_space<semaphore_mem>>)
      %dma_wait3A = arith.constant 0 : i32
      %dma_wait3A_108 = tpu.memref_slice %arg5[%arg0, %add3A_96, %dma_wait3A] : memref<2x10240x128xf32, #tpu.memory_space<hbm>> -> memref<1x128x128xf32, #tpu.memory_space<hbm>>
      %dma_wait3A_109 = tpu.memref_squeeze %dma_wait3A_108 : memref<1x128x128xf32, #tpu.memory_space<hbm>> -> memref<128x128xf32, #tpu.memory_space<hbm>>
      %dma_wait3A_110 = arith.constant 0 : i32
      %dma_wait3A_111 = tpu.memref_slice %arg19[%add3A_94, %dma_wait3A_110] : memref<10240x128xf32, #tpu.memory_space<vmem_shared>> -> memref<128x128xf32, #tpu.memory_space<vmem_shared>>
      tpu.wait_dma2 semaphore(%run_scoped3A : memref<!tpu.dma_semaphore, #tpu.memory_space<semaphore_mem>>) src(%dma_wait3A_111 : memref<128x128xf32, #tpu.memory_space<vmem_shared>>) dst(%dma_wait3A_109 : memref<128x128xf32, #tpu.memory_space<hbm>>)
      tpu.yield
    }) : () -> ()
    %add3A_97 = arith.constant 512 : i32
    %add3A_98 = arith.addi %mul3A_14, %add3A_97 : i32
    %add3A_99 = arith.constant 512 : i32
    %add3A_100 = arith.addi %mul3A_14, %add3A_99 : i32
    "tpu.region"() ({
      %run_scoped3A = tpu.sem_alloc : memref<!tpu.dma_semaphore, #tpu.memory_space<semaphore_mem>>
      %dma_start3A_103 = arith.constant 0 : i32
      %dma_start3A_104 = tpu.memref_slice %arg5[%arg0, %add3A_100, %dma_start3A_103] : memref<2x10240x128xf32, #tpu.memory_space<hbm>> -> memref<1x128x128xf32, #tpu.memory_space<hbm>>
      %dma_start3A_105 = tpu.memref_squeeze %dma_start3A_104 : memref<1x128x128xf32, #tpu.memory_space<hbm>> -> memref<128x128xf32, #tpu.memory_space<hbm>>
      %dma_start3A_106 = arith.constant 0 : i32
      %dma_start3A_107 = tpu.memref_slice %arg19[%add3A_98, %dma_start3A_106] : memref<10240x128xf32, #tpu.memory_space<vmem_shared>> -> memref<128x128xf32, #tpu.memory_space<vmem_shared>>
      tpu.enqueue_dma source(%dma_start3A_107 : memref<128x128xf32, #tpu.memory_space<vmem_shared>>) target(%dma_start3A_105 : memref<128x128xf32, #tpu.memory_space<hbm>>) target_semaphore(%run_scoped3A : memref<!tpu.dma_semaphore, #tpu.memory_space<semaphore_mem>>)
      %dma_wait3A = arith.constant 0 : i32
      %dma_wait3A_108 = tpu.memref_slice %arg5[%arg0, %add3A_100, %dma_wait3A] : memref<2x10240x128xf32, #tpu.memory_space<hbm>> -> memref<1x128x128xf32, #tpu.memory_space<hbm>>
      %dma_wait3A_109 = tpu.memref_squeeze %dma_wait3A_108 : memref<1x128x128xf32, #tpu.memory_space<hbm>> -> memref<128x128xf32, #tpu.memory_space<hbm>>
      %dma_wait3A_110 = arith.constant 0 : i32
      %dma_wait3A_111 = tpu.memref_slice %arg19[%add3A_98, %dma_wait3A_110] : memref<10240x128xf32, #tpu.memory_space<vmem_shared>> -> memref<128x128xf32, #tpu.memory_space<vmem_shared>>
      tpu.wait_dma2 semaphore(%run_scoped3A : memref<!tpu.dma_semaphore, #tpu.memory_space<semaphore_mem>>) src(%dma_wait3A_111 : memref<128x128xf32, #tpu.memory_space<vmem_shared>>) dst(%dma_wait3A_109 : memref<128x128xf32, #tpu.memory_space<hbm>>)
      tpu.yield
    }) : () -> ()
    %mul3A_101 = arith.constant 10240 : i32
    %mul3A_102 = arith.muli %arg1, %mul3A_101 : i32
    "tpu.region"() ({
      %run_scoped3A = tpu.sem_alloc : memref<!tpu.dma_semaphore, #tpu.memory_space<semaphore_mem>>
      %dma_start3A_103 = tpu.memref_slice %arg6[%arg0, %mul3A_102] : memref<2x163840xf32, #tpu.memory_space<hbm>> -> memref<1x10240xf32, #tpu.memory_space<hbm>>
      %dma_start3A_104 = tpu.memref_squeeze %dma_start3A_103 : memref<1x10240xf32, #tpu.memory_space<hbm>> -> memref<10240xf32, #tpu.memory_space<hbm>>
      %dma_start3A_105 = tpu.memref_slice %arg6[%arg0, %mul3A_102] : memref<2x163840xf32, #tpu.memory_space<hbm>> -> memref<1x10240xf32, #tpu.memory_space<hbm>>
      %dma_start3A_106 = tpu.memref_squeeze %dma_start3A_105 : memref<1x10240xf32, #tpu.memory_space<hbm>> -> memref<10240xf32, #tpu.memory_space<hbm>>
      tpu.enqueue_dma source(%arg14 : memref<10240xf32, #tpu.memory_space<vmem>>) target(%dma_start3A_106 : memref<10240xf32, #tpu.memory_space<hbm>>) target_semaphore(%run_scoped3A : memref<!tpu.dma_semaphore, #tpu.memory_space<semaphore_mem>>)
      %dma_wait3A = tpu.memref_slice %arg6[%arg0, %mul3A_102] : memref<2x163840xf32, #tpu.memory_space<hbm>> -> memref<1x10240xf32, #tpu.memory_space<hbm>>
      %dma_wait3A_107 = tpu.memref_squeeze %dma_wait3A : memref<1x10240xf32, #tpu.memory_space<hbm>> -> memref<10240xf32, #tpu.memory_space<hbm>>
      %dma_wait3A_108 = tpu.memref_slice %arg6[%arg0, %mul3A_102] : memref<2x163840xf32, #tpu.memory_space<hbm>> -> memref<1x10240xf32, #tpu.memory_space<hbm>>
      %dma_wait3A_109 = tpu.memref_squeeze %dma_wait3A_108 : memref<1x10240xf32, #tpu.memory_space<hbm>> -> memref<10240xf32, #tpu.memory_space<hbm>>
      tpu.wait_dma2 semaphore(%run_scoped3A : memref<!tpu.dma_semaphore, #tpu.memory_space<semaphore_mem>>) src(%arg14 : memref<10240xf32, #tpu.memory_space<vmem>>) dst(%dma_wait3A_109 : memref<10240xf32, #tpu.memory_space<hbm>>)
      tpu.yield
    }) : () -> ()
    return
  }
}

module attributes {stable_mosaic.version = 14 : i64} {
  func.func @_tc_layer_body(%arg0: i32, %arg1: memref<1024x128xf32, #tpu.memory_space<vmem>>, %arg2: memref<1024x128xf32, #tpu.memory_space<vmem>>, %arg3: memref<1024x128xf32, #tpu.memory_space<vmem>>, %arg4: memref<32x1024xf32, #tpu.memory_space<vmem>>, %arg5: memref<128x128xf32, #tpu.memory_space<vmem>>, %arg6: memref<128x128xf32, #tpu.memory_space<vmem>>, %arg7: memref<1x128xf32, #tpu.memory_space<vmem>>, %arg8: memref<128x64xf32, #tpu.memory_space<vmem>>, %arg9: memref<1x64xf32, #tpu.memory_space<vmem>>, %arg10: memref<1024x128xf32, #tpu.memory_space<vmem>>, %arg11: memref<1024x64xf32, #tpu.memory_space<vmem>>) attributes {dimension_semantics = [#tpu.dimension_semantics<arbitrary>], iteration_bounds = array<i64: 10>, scalar_prefetch = 0 : i64, scratch_operands = 0 : i64, tpu.core_type = #tpu.core_type<tc>, window_params = [{transform_indices = @transform_0, window_bounds = array<i64: 1024, 128>}, {transform_indices = @transform_1, window_bounds = array<i64: 1024, 128>}, {transform_indices = @transform_2, window_bounds = array<i64: 1024, 128>}, {transform_indices = @transform_3, window_bounds = array<i64: 32, 1024>}, {pipeline_mode = #tpu.pipeline_mode<synchronous>, transform_indices = @transform_4, window_bounds = array<i64: 128, 128>}, {pipeline_mode = #tpu.pipeline_mode<synchronous>, transform_indices = @transform_5, window_bounds = array<i64: 128, 128>}, {pipeline_mode = #tpu.pipeline_mode<synchronous>, transform_indices = @transform_6, window_bounds = array<i64: 1, 128>}, {pipeline_mode = #tpu.pipeline_mode<synchronous>, transform_indices = @transform_7, window_bounds = array<i64: 128, 64>}, {pipeline_mode = #tpu.pipeline_mode<synchronous>, transform_indices = @transform_8, window_bounds = array<i64: 1, 64>}, {transform_indices = @transform_9, window_bounds = array<i64: 1024, 128>}, {transform_indices = @transform_10, window_bounds = array<i64: 1024, 64>}]} {
    %get3A = arith.constant 0 : index
    %get3A_0 = arith.constant 0 : index
    %get3A_1 = vector.load %arg4[%get3A, %get3A_0] : memref<32x1024xf32, #tpu.memory_space<vmem>>, vector<32x1024xf32>
    %reduce_sum3A = arith.constant dense<0.000000e+00> : vector<1024xf32>
    %reduce_sum3A_2 = vector.multi_reduction <add>, %get3A_1, %reduce_sum3A [0] : vector<32x1024xf32> to vector<1024xf32>
    %max3A = arith.constant 1.000000e+00 : f32
    %max3A_3 = vector.broadcast %max3A : f32 to vector<1024xf32>
    %max3A_4 = arith.maximumf %reduce_sum3A_2, %max3A_3 : vector<1024xf32>
    %broadcast_in_dim3A = vector.shape_cast %max3A_4 : vector<1024xf32> to vector<1024x1xf32>
    %get3A_5 = arith.constant 0 : index
    %get3A_6 = arith.constant 0 : index
    %get3A_7 = vector.load %arg2[%get3A_5, %get3A_6] : memref<1024x128xf32, #tpu.memory_space<vmem>>, vector<1024x128xf32>
    %get3A_8 = arith.constant 0 : index
    %get3A_9 = arith.constant 0 : index
    %get3A_10 = vector.load %arg3[%get3A_8, %get3A_9] : memref<1024x128xf32, #tpu.memory_space<vmem>>, vector<1024x128xf32>
    %add3A = arith.addf %get3A_7, %get3A_10 : vector<1024x128xf32>
    %div3A = vector.broadcast %broadcast_in_dim3A : vector<1024x1xf32> to vector<1024x128xf32>
    %div3A_11 = arith.divf %add3A, %div3A : vector<1024x128xf32>
    %get3A_12 = arith.constant 0 : index
    %get3A_13 = arith.constant 0 : index
    %get3A_14 = vector.load %arg1[%get3A_12, %get3A_13] : memref<1024x128xf32, #tpu.memory_space<vmem>>, vector<1024x128xf32>
    %get3A_15 = arith.constant 0 : index
    %get3A_16 = arith.constant 0 : index
    %get3A_17 = vector.load %arg5[%get3A_15, %get3A_16] : memref<128x128xf32, #tpu.memory_space<vmem>>, vector<128x128xf32>
    %dot_general3A = arith.constant dense<0.000000e+00> : vector<1024x128xf32>
    %dot_general3A_18 = tpu.matmul %get3A_14, %get3A_17, %dot_general3A {dimension_numbers = #tpu.dot_dimension_numbers<[1], [0], [0], [1], [0, 0, 1, 1], [], []>, transpose_lhs_hint = false} : vector<1024x128xf32>, vector<128x128xf32>, vector<1024x128xf32> -> vector<1024x128xf32>
    %get3A_19 = arith.constant 0 : index
    %get3A_20 = arith.constant 0 : index
    %get3A_21 = vector.load %arg6[%get3A_19, %get3A_20] : memref<128x128xf32, #tpu.memory_space<vmem>>, vector<128x128xf32>
    %dot_general3A_22 = arith.constant dense<0.000000e+00> : vector<1024x128xf32>
    %dot_general3A_23 = tpu.matmul %div3A_11, %get3A_21, %dot_general3A_22 {dimension_numbers = #tpu.dot_dimension_numbers<[1], [0], [0], [1], [0, 0, 1, 1], [], []>, transpose_lhs_hint = false} : vector<1024x128xf32>, vector<128x128xf32>, vector<1024x128xf32> -> vector<1024x128xf32>
    %add3A_24 = arith.addf %dot_general3A_18, %dot_general3A_23 : vector<1024x128xf32>
    %get3A_25 = arith.constant 0 : index
    %get3A_26 = arith.constant 0 : index
    %get3A_27 = vector.load %arg7[%get3A_25, %get3A_26] : memref<1x128xf32, #tpu.memory_space<vmem>>, vector<1x128xf32>
    %add3A_28 = vector.broadcast %get3A_27 : vector<1x128xf32> to vector<1024x128xf32>
    %add3A_29 = arith.addf %add3A_24, %add3A_28 : vector<1024x128xf32>
    %max3A_30 = arith.constant 0.000000e+00 : f32
    %max3A_31 = vector.broadcast %max3A_30 : f32 to vector<1024x128xf32>
    %max3A_32 = arith.maximumf %add3A_29, %max3A_31 : vector<1024x128xf32>
    %swap3A = arith.constant 0 : index
    %swap3A_33 = arith.constant 0 : index
    %swap3A_34 = vector.load %arg10[%swap3A, %swap3A_33] : memref<1024x128xf32, #tpu.memory_space<vmem>>, vector<1024x128xf32>
    tpu.vector_store %arg10[%swap3A, %swap3A_33], %max3A_32 {strides = array<i32>} : memref<1024x128xf32, #tpu.memory_space<vmem>>, vector<1024x128xf32>,
    %get3A_35 = arith.constant 0 : index
    %get3A_36 = arith.constant 0 : index
    %get3A_37 = vector.load %arg8[%get3A_35, %get3A_36] : memref<128x64xf32, #tpu.memory_space<vmem>>, vector<128x64xf32>
    %dot_general3A_38 = arith.constant dense<0.000000e+00> : vector<1024x64xf32>
    %dot_general3A_39 = tpu.matmul %max3A_32, %get3A_37, %dot_general3A_38 {dimension_numbers = #tpu.dot_dimension_numbers<[1], [0], [0], [1], [0, 0, 1, 1], [], []>, transpose_lhs_hint = false} : vector<1024x128xf32>, vector<128x64xf32>, vector<1024x64xf32> -> vector<1024x64xf32>
    %get3A_40 = arith.constant 0 : index
    %get3A_41 = arith.constant 0 : index
    %get3A_42 = vector.load %arg9[%get3A_40, %get3A_41] : memref<1x64xf32, #tpu.memory_space<vmem>>, vector<1x64xf32>
    %add3A_43 = vector.broadcast %get3A_42 : vector<1x64xf32> to vector<1024x64xf32>
    %add3A_44 = arith.addf %dot_general3A_39, %add3A_43 : vector<1024x64xf32>
    %swap3A_45 = arith.constant 0 : index
    %swap3A_46 = arith.constant 0 : index
    %swap3A_47 = vector.load %arg11[%swap3A_45, %swap3A_46] : memref<1024x64xf32, #tpu.memory_space<vmem>>, vector<1024x64xf32>
    tpu.vector_store %arg11[%swap3A_45, %swap3A_46], %add3A_44 {strides = array<i32>} : memref<1024x64xf32, #tpu.memory_space<vmem>>, vector<1024x64xf32>,
    return
  }
  func.func @transform_0(%arg0: i32) -> (i32, i32) {
    %c0_i32 = arith.constant 0 : i32
    %c0_i32_0 = arith.constant 0 : i32
    return %arg0, %c0_i32 : i32, i32
  }
  func.func @transform_1(%arg0: i32) -> (i32, i32) {
    %c0_i32 = arith.constant 0 : i32
    %c0_i32_0 = arith.constant 0 : i32
    return %arg0, %c0_i32 : i32, i32
  }
  func.func @transform_2(%arg0: i32) -> (i32, i32) {
    %c0_i32 = arith.constant 0 : i32
    %c0_i32_0 = arith.constant 0 : i32
    return %arg0, %c0_i32 : i32, i32
  }
  func.func @transform_3(%arg0: i32) -> (i32, i32) {
    %c0_i32 = arith.constant 0 : i32
    %c0_i32_0 = arith.constant 0 : i32
    return %c0_i32, %arg0 : i32, i32
  }
  func.func @transform_4(%arg0: i32) -> (i32, i32) {
    %c0_i32 = arith.constant 0 : i32
    %c0_i32_0 = arith.constant 0 : i32
    %c0_i32_1 = arith.constant 0 : i32
    return %c0_i32, %c0_i32_0 : i32, i32
  }
  func.func @transform_5(%arg0: i32) -> (i32, i32) {
    %c0_i32 = arith.constant 0 : i32
    %c0_i32_0 = arith.constant 0 : i32
    %c0_i32_1 = arith.constant 0 : i32
    return %c0_i32, %c0_i32_0 : i32, i32
  }
  func.func @transform_6(%arg0: i32) -> (i32, i32) {
    %c0_i32 = arith.constant 0 : i32
    %c0_i32_0 = arith.constant 0 : i32
    %c0_i32_1 = arith.constant 0 : i32
    return %c0_i32, %c0_i32_0 : i32, i32
  }
  func.func @transform_7(%arg0: i32) -> (i32, i32) {
    %c0_i32 = arith.constant 0 : i32
    %c0_i32_0 = arith.constant 0 : i32
    %c0_i32_1 = arith.constant 0 : i32
    return %c0_i32, %c0_i32_0 : i32, i32
  }
  func.func @transform_8(%arg0: i32) -> (i32, i32) {
    %c0_i32 = arith.constant 0 : i32
    %c0_i32_0 = arith.constant 0 : i32
    %c0_i32_1 = arith.constant 0 : i32
    return %c0_i32, %c0_i32_0 : i32, i32
  }
  func.func @transform_9(%arg0: i32) -> (i32, i32) {
    %c0_i32 = arith.constant 0 : i32
    %c0_i32_0 = arith.constant 0 : i32
    return %arg0, %c0_i32 : i32, i32
  }
  func.func @transform_10(%arg0: i32) -> (i32, i32) {
    %c0_i32 = arith.constant 0 : i32
    %c0_i32_0 = arith.constant 0 : i32
    return %arg0, %c0_i32 : i32, i32
  }
}

module attributes {stable_mosaic.version = 14 : i64} {
  func.func @_tc_combine_body(%arg0: i32, %arg1: memref<1024x64xf32, #tpu.memory_space<vmem>>, %arg2: memref<1024x128xf32, #tpu.memory_space<vmem>>, %arg3: memref<1024x128xf32, #tpu.memory_space<vmem>>, %arg4: memref<32x1024xf32, #tpu.memory_space<vmem>>, %arg5: memref<128x64xf32, #tpu.memory_space<vmem>>, %arg6: memref<1024x64xf32, #tpu.memory_space<vmem>>) attributes {dimension_semantics = [#tpu.dimension_semantics<arbitrary>], iteration_bounds = array<i64: 10>, scalar_prefetch = 0 : i64, scratch_operands = 0 : i64, tpu.core_type = #tpu.core_type<tc>, window_params = [{transform_indices = @transform_0, window_bounds = array<i64: 1024, 64>}, {transform_indices = @transform_1, window_bounds = array<i64: 1024, 128>}, {transform_indices = @transform_2, window_bounds = array<i64: 1024, 128>}, {transform_indices = @transform_3, window_bounds = array<i64: 32, 1024>}, {pipeline_mode = #tpu.pipeline_mode<synchronous>, transform_indices = @transform_4, window_bounds = array<i64: 128, 64>}, {transform_indices = @transform_5, window_bounds = array<i64: 1024, 64>}]} {
    %get3A = arith.constant 0 : index
    %get3A_0 = arith.constant 0 : index
    %get3A_1 = vector.load %arg4[%get3A, %get3A_0] : memref<32x1024xf32, #tpu.memory_space<vmem>>, vector<32x1024xf32>
    %reduce_sum3A = arith.constant dense<0.000000e+00> : vector<1024xf32>
    %reduce_sum3A_2 = vector.multi_reduction <add>, %get3A_1, %reduce_sum3A [0] : vector<32x1024xf32> to vector<1024xf32>
    %max3A = arith.constant 1.000000e+00 : f32
    %max3A_3 = vector.broadcast %max3A : f32 to vector<1024xf32>
    %max3A_4 = arith.maximumf %reduce_sum3A_2, %max3A_3 : vector<1024xf32>
    %broadcast_in_dim3A = vector.shape_cast %max3A_4 : vector<1024xf32> to vector<1024x1xf32>
    %get3A_5 = arith.constant 0 : index
    %get3A_6 = arith.constant 0 : index
    %get3A_7 = vector.load %arg2[%get3A_5, %get3A_6] : memref<1024x128xf32, #tpu.memory_space<vmem>>, vector<1024x128xf32>
    %get3A_8 = arith.constant 0 : index
    %get3A_9 = arith.constant 0 : index
    %get3A_10 = vector.load %arg3[%get3A_8, %get3A_9] : memref<1024x128xf32, #tpu.memory_space<vmem>>, vector<1024x128xf32>
    %add3A = arith.addf %get3A_7, %get3A_10 : vector<1024x128xf32>
    %div3A = vector.broadcast %broadcast_in_dim3A : vector<1024x1xf32> to vector<1024x128xf32>
    %div3A_11 = arith.divf %add3A, %div3A : vector<1024x128xf32>
    %get3A_12 = arith.constant 0 : index
    %get3A_13 = arith.constant 0 : index
    %get3A_14 = vector.load %arg1[%get3A_12, %get3A_13] : memref<1024x64xf32, #tpu.memory_space<vmem>>, vector<1024x64xf32>
    %get3A_15 = arith.constant 0 : index
    %get3A_16 = arith.constant 0 : index
    %get3A_17 = vector.load %arg5[%get3A_15, %get3A_16] : memref<128x64xf32, #tpu.memory_space<vmem>>, vector<128x64xf32>
    %dot_general3A = arith.constant dense<0.000000e+00> : vector<1024x64xf32>
    %dot_general3A_18 = tpu.matmul %div3A_11, %get3A_17, %dot_general3A {dimension_numbers = #tpu.dot_dimension_numbers<[1], [0], [0], [1], [0, 0, 1, 1], [], []>, transpose_lhs_hint = false} : vector<1024x128xf32>, vector<128x64xf32>, vector<1024x64xf32> -> vector<1024x64xf32>
    %add3A_19 = arith.addf %get3A_14, %dot_general3A_18 : vector<1024x64xf32>
    %swap3A = arith.constant 0 : index
    %swap3A_20 = arith.constant 0 : index
    %swap3A_21 = vector.load %arg6[%swap3A, %swap3A_20] : memref<1024x64xf32, #tpu.memory_space<vmem>>, vector<1024x64xf32>
    tpu.vector_store %arg6[%swap3A, %swap3A_20], %add3A_19 {strides = array<i32>} : memref<1024x64xf32, #tpu.memory_space<vmem>>, vector<1024x64xf32>,
    return
  }
  func.func @transform_0(%arg0: i32) -> (i32, i32) {
    %c0_i32 = arith.constant 0 : i32
    %c0_i32_0 = arith.constant 0 : i32
    return %arg0, %c0_i32 : i32, i32
  }
  func.func @transform_1(%arg0: i32) -> (i32, i32) {
    %c0_i32 = arith.constant 0 : i32
    %c0_i32_0 = arith.constant 0 : i32
    return %arg0, %c0_i32 : i32, i32
  }
  func.func @transform_2(%arg0: i32) -> (i32, i32) {
    %c0_i32 = arith.constant 0 : i32
    %c0_i32_0 = arith.constant 0 : i32
    return %arg0, %c0_i32 : i32, i32
  }
  func.func @transform_3(%arg0: i32) -> (i32, i32) {
    %c0_i32 = arith.constant 0 : i32
    %c0_i32_0 = arith.constant 0 : i32
    return %c0_i32, %arg0 : i32, i32
  }
  func.func @transform_4(%arg0: i32) -> (i32, i32) {
    %c0_i32 = arith.constant 0 : i32
    %c0_i32_0 = arith.constant 0 : i32
    %c0_i32_1 = arith.constant 0 : i32
    return %c0_i32, %c0_i32_0 : i32, i32
  }
  func.func @transform_5(%arg0: i32) -> (i32, i32) {
    %c0_i32 = arith.constant 0 : i32
    %c0_i32_0 = arith.constant 0 : i32
    return %arg0, %c0_i32 : i32, i32
  }
}

</mosaic_0001>

<sc_bundles>
// kernel: kernel.6.cloned.1.call-start
scs
__scs_entry_jumppad:
0x0: {  	(pc) =	sbr.rel $0x88, $3  }
0x1: {  	(tag) =	ssettag $0x0;
	lr =	simm.s32 $0x1  }
0x2: {  	[smem:$0x3F98] =	sst lr;
	_ =	strace $0xD0000000  }
0x3: {  	_ = 	snop  }
0x4: {  	_ = 	snop  }
0x5: {  	_ = 	snop  }
0x6: {  	_ = 	snop  }
0x7: {  	_ = 	snop  }
__scs_overlays_trampoline_lowered:
0x8: {  	[smem:$0x3FA7] =	sst s0  }
0x9: {  	[smem:$0x3FA8] =	sst s1  }
0xa: {  	[smem:$0x3FA9] =	sst s2  }
0xb: {  	[smem:$0x3FAA] =	sst s3  }
0xc: {  	[smem:$0x3FAB] =	sst s4  }
0xd: {  	[smem:$0x3FAC] =	sst s5  }
0xe: {  	[smem:$0x3FAD] =	sst s6  }
0xf: {  	[smem:$0x3FAE] =	sst s7  }
0x10: {  	[smem:$0x3FAF] =	sst s8  }
0x11: {  	[smem:$0x3FB0] =	sst s9;
	s0 =	simm.s32 @!p0 $0x0  }
0x12: {  	s1 =	sld [smem:$0x3F96];
	s0 =	simm.s32 @p0 $0x1  }
0x13: {  	[smem:$0x3FB1] =	sst s0;
	s0 =	simm.s32 @!p1 $0x0  }
0x14: {  	s2 =	sld [smem:$0x3F95];
	s0 =	simm.s32 @p1 $0x1  }
0x15: {  	[smem:$0x3FB2] =	sst s0;
	s0 =	simm.s32 @!p2 $0x0  }
0x16: {  	s3 =	sld [smem:$0x3FDB];
	s0 =	simm.s32 @p2 $0x1  }
0x17: {  	s4 =	simm.s32 $0x1BF5;
	[smem:$0x3FB4] =	sst s0  }
0x18: {  	s0 =	sld [smem:$0x3F97];
	_ =	swait.ge [sflag:s4], $0x0  }
0x19: {  	s7 =	sld [smem:$0x3F98]  }
0x1a: {  	s8 =	sadd.s32 $0xFFFFE003, lr  }
0x1b: {  	s9 =	sadd.s32 $0xFFFFFEF7, lr;
	s5 =	simm.s32 $0xFFFFFFFF;
	p2 =	slt.u32 s8, $0xFFFFF086  }
0x1c: {  	p1 =	slt.u32 s9, $0xF7A;
	s5 =	simm.s32 @!p2 $0x0  }
0x1d: {  	s5 =	simm.s32 @p1 $0x1;
	p0 =	seq.s32 s7, s2  }
0x1e: {  	s7 =	smul.u32 @!p0 $0xF7A, s2;
	p2 =	seq.s32 @!p0 s5, $0x0  }
0x1f: {  	s9 =	smul.u32 $0xF7A, s1;
	s8 =	simm.s32 @!p0 $0x1BF5;
	p2 =	por !p2, p0  }
0x20: {  	[sflag:s8] =	ssyncset.s32 @!p0 $0xFFFFF086;
	s6 =	sadd.s32 @!p0 s3, s7;
	s7 =	simm.s32 @!p0 $0x108  }
0x21: {  	s3 =	sadd.s32 s3, s9;
	s6 =	sadd.s32 @!p0 $0x88, s6;
	s7 =	simm.s32 @p2 $0x1082  }
0x22: {  	[simem:s7], [sflag:s8] =	dma.local @!p0 [hbm:s6], $0xF7A  }
0x23: {  	s9 =	sor.u32 $0xD0000000, s2;
	s6 =	simm.s32 $0x108;
	_ =	swait.ge @!p0 [sflag:s8], $0x0  }
0x24: {  	s3 =	sadd.s32 $0x88, s3;
	s6 =	simm.s32 @!p1 $0x1082;
	[sflag:s4] =	ssyncset.s32 $0xFFFFF086  }
0x25: {  	[simem:s6], [sflag:s4] =	dma.local [hbm:s3], $0xF7A  }
0x26: {  	[smem:$0x3F98] =	sst s1;
	(tag) =	ssettag s2;
	_ =	strace s9  }
0x27: {  	s1 =	sld [smem:$0x3FA8]  }
0x28: {  	s2 =	sld [smem:$0x3FA9]  }
0x29: {  	s4 =	sld [smem:$0x3FAB]  }
0x2a: {  	p0 =	seq.s32 s5, $0x0;
	s5 =	sld [smem:$0x3FAC]  }
0x2b: {  	s6 =	sld [smem:$0x3FAD]  }
0x2c: {  	s7 =	sld [smem:$0x3FAE]  }
0x2d: {  	s3 =	simm.s32 $0x108;
	s8 =	sld [smem:$0x3FAF]  }
0x2e: {  	s3 =	simm.s32 @!p0 $0x1082;
	s9 =	sld [smem:$0x3FB0]  }
0x2f: {  	lr =	sadd.s32 s0, s3;
	s0 =	sld [smem:$0x3FA7]  }
0x30: {  	s3 =	sld [smem:$0x3FAA]  }
0x31: {  	[smem:$0x3FB3] =	sst s10  }
0x32: {  	s10 =	sld [smem:$0x3FB1];
	_ =	sdelay $0x3  }
0x33: {  	p0 =	seq.s32 s10, $0x1;
	s10 =	sld [smem:$0x3FB3];
	_ =	sdelay $0x3  }
0x34: {  	[smem:$0x3FB3] =	sst s10  }
0x35: {  	s10 =	sld [smem:$0x3FB2];
	_ =	sdelay $0x3  }
0x36: {  	p1 =	seq.s32 s10, $0x1;
	s10 =	sld [smem:$0x3FB3];
	_ =	sdelay $0x3  }
0x37: {  	[smem:$0x3FB3] =	sst s10  }
0x38: {  	s10 =	sld [smem:$0x3FB4]  }
0x39: {  	_ = 	snop;
	(pc) =	sbr.ind lr, $3  }
0x3a: {  	_ = 	snop  }
0x3b: {  	_ = 	snop  }
0x3c: {  	p2 =	seq.s32 s10, $0x1;
	s10 =	sld [smem:$0x3FB3]  }
0x3d: {  	_ =	shalt  }
0x3e: {  	_ =	shalt  }
0x3f: {  	_ =	shalt  }
0x40: {  	_ =	shalt  }
0x41: {  	_ =	shalt  }
0x42: {  	_ =	shalt  }
0x43: {  	_ =	shalt  }
0x44: {  	_ =	shalt  }
0x45: {  	_ =	shalt  }
0x46: {  	_ =	shalt  }
0x47: {  	_ =	shalt  }
0x48: {  	_ =	shalt  }
0x49: {  	_ =	shalt  }
0x4a: {  	_ =	shalt  }
0x4b: {  	_ =	shalt  }
0x4c: {  	_ =	shalt  }
0x4d: {  	_ =	shalt  }
0x4e: {  	_ =	shalt  }
0x4f: {  	_ =	shalt  }
0x50: {  	_ =	shalt  }
0x51: {  	_ =	shalt  }
0x52: {  	_ =	shalt  }
0x53: {  	_ =	shalt  }
0x54: {  	_ =	shalt  }
0x55: {  	_ =	shalt  }
0x56: {  	_ =	shalt  }
0x57: {  	_ =	shalt  }
0x58: {  	_ =	shalt  }
0x59: {  	_ =	shalt  }
0x5a: {  	_ =	shalt  }
0x5b: {  	_ =	shalt  }
0x5c: {  	_ =	shalt  }
0x5d: {  	_ =	shalt  }
0x5e: {  	_ =	shalt  }
0x5f: {  	_ =	shalt  }
0x60: {  	_ =	shalt  }
0x61: {  	_ =	shalt  }
0x62: {  	_ =	shalt  }
0x63: {  	_ =	shalt  }
0x64: {  	_ =	shalt  }
0x65: {  	_ =	shalt  }
0x66: {  	_ =	shalt  }
0x67: {  	_ =	shalt  }
0x68: {  	_ =	shalt  }
0x69: {  	_ =	shalt  }
0x6a: {  	_ =	shalt  }
0x6b: {  	_ =	shalt  }
0x6c: {  	_ =	shalt  }
0x6d: {  	_ =	shalt  }
0x6e: {  	_ =	shalt  }
0x6f: {  	_ =	shalt  }
0x70: {  	_ =	shalt  }
0x71: {  	_ =	shalt  }
0x72: {  	_ =	shalt  }
0x73: {  	_ =	shalt  }
0x74: {  	_ =	shalt  }
0x75: {  	_ =	shalt  }
0x76: {  	_ =	shalt  }
0x77: {  	_ =	shalt  }
0x78: {  	_ =	shalt  }
0x79: {  	_ =	shalt  }
0x7a: {  	_ =	shalt  }
0x7b: {  	_ =	shalt  }
0x7c: {  	_ =	shalt  }
0x7d: {  	_ =	shalt  }
0x7e: {  	_ =	shalt  }
0x7f: {  	_ =	shalt  }
0x80: {  	_ =	shalt  }
0x81: {  	_ =	shalt  }
0x82: {  	_ =	shalt  }
0x83: {  	_ =	shalt  }
0x84: {  	_ =	shalt  }
0x85: {  	_ =	shalt  }
0x86: {  	_ =	shalt  }
0x87: {  	_ =	shalt  }
.Lfunc_end0:
.L_simem_size_0:
called_computation_lowered:
.L_overlay_start_0:
0x88: {  	s2 =	sld [smem:$0x3FD9]  }
0x89: {  	s3 =	sld [smem:$0x3FFE];
	_ =	sdelay $0x1  }
0x8a: {  	s1 =	srdreg.scid  }
0x8b: {  	s0 =	sand.u32 $0x1, s1  }
0x8c: {  	s16 =	sshll.u32 s0, $0xA;
	s2 =	sadd.s32 s3, s2  }
0x8d: {  	s2 =	sadd.s32 s2, s16  }
0x8e: {  	[smem:$0x3FBF] =	sst s2  }
0x8f: {  	_ = 	snop  }
0x90: {  	(tm) =	ssettm $0x1  }
0x91: {  	s17 =	sld [smem:$0x3FFB];
	_ =	sdelay $0x3  }
0x92: {  	_ =	strace s17  }
0x93: {  	s2 =	sld [smem:$0x3FFC];
	_ =	sdelay $0x3  }
0x94: {  	_ =	strace s2  }
0x95: {  	s2 =	sld [smem:$0x3FFD];
	_ =	sdelay $0x3  }
0x96: {  	_ =	strace s2  }
0x97: {  	_ =	strace $0x8FFFFFFF  }
0x98: {  	s18 =	sld [smem:$0x3FDB];
	_ =	sdelay $0x1  }
0x99: {  	s19 =	simm.s32 $_scs_section_size  }
0x9a: {  	s4 =	simm.s32 $_size__tile_overlayer_lowered;
	s5 =	simm.s32 $_tile_overlayer_lowered  }
0x9b: {  	s22 =	simm.s32 $0x1BFF;
	s21 =	sshll.u32 s5, $0x1;
	s2 =	sadd.s32 s19, s18  }
0x9c: {  	s6 =	simm.s32 $0x0;
	s20 =	sshll.u32 s4, $0x1;
	s4 =	sadd.s32 s21, s2  }
0x9d: {  	[timem:s6], [sflag:s22] =	dma.local [hbm:s4], s20  }
0x9e: {  	_ =	swait.ge [sflag:s22], s20  }
0x9f: {  	s3 =	ssub.s32 $0x0, s20;
	[sflag:s22] =	ssyncset.done $0x0  }
0xa0: {  	[sflag:s22] =	ssyncadd.s32 s3;
	_ =	sdelay $0x1  }
0xa1: {  	s23 =	simm.s32 $0x1B8B  }
0xa2: {  	_ =	swait.ge [sflag:s23], $0x1  }
0xa3: {  	[sflag:s23] =	ssyncset.done $0x0  }
0xa4: {  	s25 =	simm.s32 $0x1B8E;
	s24 =	sld [smem:$0x3FFE];
	[sflag:s23] =	ssyncadd.s32 $0xFFFFFFFF  }
0xa5: {  	s26 =	simm.s32 $execute0_lowered;
	[smem:$0x3FD2] =	sst s25  }
0xa6: {  	s4 =	sshll.u32 s26, $0x1;
	_ =	strace $0x80000046;
	[dreg:$0x1] =	wrdreg $0xFFFFFFFF  }
0xa7: {  	s28 =	simm.s32 $_size_execute0_lowered;
	s2 =	sadd.s32 s2, s4;
	[dreg:$0x0] =	wrdreg $0x0  }
0xa8: {  	s4 =	sshll.u32 s28, $0x1;
	[dreg:$0x2] =	wrdreg s2  }
0xa9: {  	[dreg:$0x3] =	wrdreg s4  }
0xaa: {  	[dreg:$0x4] =	wrdreg $0xC0  }
0xab: {  	_ =	task [dreg:s6], $0x5FFFF  }
0xac: {  	[dreg:$0x1] =	wrdreg $0xFFFFFFFF  }
0xad: {  	[dreg:$0x0] =	wrdreg $0x60  }
0xae: {  	[dreg:$0x2] =	wrdreg s24  }
0xaf: {  	[dreg:$0x3] =	wrdreg $0xBA000  }
0xb0: {  	[dreg:$0x4] =	wrdreg $0x9  }
0xb1: {  	_ =	task.clear_ibuf [dreg:s6], $0x5FFFF;
	_ =	strace $0x90000046  }
0xb2: {  	s29 =	simm.s32 $0x9;
	_ =	strace $0x80000048  }
0xb3: {  	_ =	swait.ge [sflag:s29], $0x1  }
0xb4: {  	[sflag:s29] =	ssyncadd.s32 $0xFFFFFFFF  }
0xb5: {  	_ =	strace $0x90000048  }
0xb6: {  	_ =	sfence  }
0xb7: {  	s30 =	sld [smem:$0x0];
	_ =	sdelay $0x2  }
0xb8: {  	s31 =	sshll.u32 s1, $0xD;
	s1 =	sshrl.u32 s1, $0x2  }
0xb9: {  	s3 =	sand.u32 $0x4000, s31;
	s1 =	sadd.s32 s1, s30  }
0xba: {  	s0 =	sor.u32 s3, s0;
	s1 =	sshll.u32 s1, $0x11  }
0xbb: {  	s0 =	sor.u32 s1, s0  }
0xbc: {  	s0 =	sadd.s32 $0x8F2B, s0  }
0xbd: {  	[sflag:s0] =	ssyncadd.remote.s32 $0x1  }
0xbe: {  	_ =	sfence.sel $0xFFFF  }
0xbf: {  	[dreg:$0x0] =	wrdreg $0xFFFFFFFF;
	(pc) =	sbr.abs _section_cstart, $3  }
0xc0: {  	[dreg:$0x1] =	wrdreg $0xFFFFFFFF  }
0xc1: {  	_ =	task.clear_ibuf [dreg:s6], $0x2FFFF;
	_ =	strace $0x9FFFFFFF  }
0xc2: {  	(tm) =	ssettm $0x7FFFFFFF  }
0xc3: {  	_ =	shalt  }
tec
execute0_lowered:
.L_overlay_start_1:
0x0: {  	(tag) =	ssettag $0x1  }
0x1: {  	s0 =	rddreg [dreg:$0x0]  }
0x2: {  	s2 =	rddreg [dreg:$0x1];
	s3 =	simm.s32 $0x0;
	s1 =	srdreg.scid  }
0x3: {  	s12 =	stileid.u32;
	s28 =	simm.s32 $0x4200;
	s29 =	simm.s32 $0x1  }
0x4: {  	s30 =	simm.s32 $0x9200;
	s31 =	simm.s32 $0x2;
	[smem:$0x7FF] =	sst s3  }
0x5: {  	s1 =	sand.u32 $0x1, s1;
	s6 =	smul.u32 $0x5000, s12;
	s7 =	sadd.s32 $0x2A400, s0  }
0x6: {  	s8 =	sadd.s32 $0x34400, s0;
	s9 =	sadd.s32 $0x48400, s0;
	s24 =	smul.u32 $0x50000, s12  }
0x7: {  	s10 =	sshll.u32 s12, $0x1;
	s12 =	smul.u32 $0x14000, s12;
	_ =	strace $0x80000047  }
0x8: {  	s4 =	sshll.u32 s1, $0x7;
	s11 =	ssub.s32 $0x2, s1;
	s15 =	smul.u32 $0x140000, s1  }
0x9: {  	s10 =	sor.u32 s1, s10;
	s1 =	smul.u32 $0x2800, s1;
	s5 =	sor.u32 s4, s6  }
0xa: {  	s4 =	sadd.s32 $0x2400, s0;
	s13 =	sshrl.u32 s11, $0x1;
	s10 =	smul.u32 $0x2800, s10  }
0xb: {  	s14 =	sadd.s32 $0x8000, s12;
	s19 =	sadd.s32 $0xC000, s12;
	s23 =	sadd.s32 $0x10000, s12  }
0xc: {  	s5 =	sshrl.u32 s5, $0x3;
	s11 =	ssub.s32 s11, s13;
	s13 =	sadd.s32 $0x4000, s12  }
0xd: {  	s12 =	sadd.s32 s12, s15;
	s17 =	sadd.s32 s15, s14;
	s20 =	sadd.s32 s15, s19  }
0xe: {  	s21 =	sadd.s32 s15, s23;
	s1 =	sadd.s32 s1, s6;
	s23 =	sadd.s32 s23, s2  }
0xf: {  	s0 =	sadd.s32 s5, s0;
	s5 =	sshrl.u32 s24, $0x2;
	s10 =	sshrl.u32 s10, $0x3  }
0x10: {  	s12 =	sshrl.u32 s12, $0x3;
	s24 =	sshrl.u32 s21, $0x3;
	s21 =	sadd.s32 s14, s2  }
0x11: {  	s5 =	sadd.s32 s5, s2;
	s16 =	sadd.s32 s7, s10;
	s25 =	sadd.s32 s8, s10  }
0x12: {  	s10 =	sor.u32 $0x10, s10;
	s6 =	sadd.s32 s9, s24;
	[dreg:$0x3] =	wrdreg s16  }
0x13: {  	s0 =	sadd.s32 $0x98400, s0;
	[dreg:$0x4] =	wrdreg s25;
	s26 =	sadd.s32 s7, s10  }
0x14: {  	s10 =	sadd.s32 s8, s10;
	s16 =	sadd.s32 s15, s13;
	[dreg:$0xb] =	wrdreg s6  }
0x15: {  	s25 =	sor.u32 $0x180, s1;
	s1 =	sor.u32 $0x100, s1;
	[dreg:$0xd] =	wrdreg s0  }
0x16: {  	s6 =	sadd.s32 $0x1000, s5;
	s14 =	sadd.s32 $0xA000, s5;
	[dreg:$0x5] =	wrdreg s26  }
0x17: {  	s24 =	sadd.s32 $0xD000, s5;
	s0 =	simm.s32 $0x3;
	[dreg:$0x6] =	wrdreg s10  }
0x18: {  	s10 =	sadd.s32 s9, s12;
	s12 =	sshrl.u32 s17, $0x3;
	[dreg:$0xc] =	wrdreg s6  }
0x19: {  	s26 =	sshrl.u32 s25, $0x3;
	s1 =	sshrl.u32 s1, $0x3;
	[dreg:$0x15] =	wrdreg s14  }
0x1a: {  	[dreg:$0x17] =	wrdreg s24;
	s25 =	sadd.s32 $0xE000, s5;
	s14 =	simm.s32 $0x5  }
0x1b: {  	s24 =	simm.s32 $0x80;
	s6 =	simm.s32 $0x0;
	[dreg:$0x7] =	wrdreg s10  }
0x1c: {  	s10 =	sshrl.u32 s16, $0x3;
	s18 =	sadd.s32 s9, s12;
	s15 =	sadd.s32 s26, s8  }
0x1d: {  	s16 =	sadd.s32 s26, s7;
	s17 =	sadd.s32 s1, s8;
	[dreg:$0x18] =	wrdreg s25  }
0x1e: {  	s8 =	sadd.s32 $0x2000, s5;
	s12 =	sadd.s32 $0x7000, s5;
	[dreg:$0x9] =	wrdreg s18  }
0x1f: {  	s26 =	sadd.s32 $0xF000, s5;
	s25 =	simm.s32 $0x200;
	[dreg:$0xf] =	wrdreg s8  }
0x20: {  	s10 =	sadd.s32 s9, s10;
	s18 =	sadd.s32 s1, s7;
	[dreg:$0x13] =	wrdreg s12  }
0x21: {  	s7 =	smax.u32 s11, $0x1;
	s11 =	sadd.s32 $0x6000, s5;
	[dreg:$0x19] =	wrdreg s26  }
0x22: {  	s12 =	sadd.s32 $0x13000, s5;
	s26 =	simm.s32 $0x180;
	[dreg:$0x8] =	wrdreg s10  }
0x23: {  	s1 =	simm.s32 $0x4;
	s10 =	sshrl.u32 s20, $0x3;
	[dreg:$0xe] =	wrdreg s7  }
0x24: {  	s20 =	sadd.s32 s13, s2;
	[dreg:$0x12] =	wrdreg s11;
	s13 =	sadd.s32 $0x9000, s5  }
.Ltmp0:
0x25: {  	s22 =	sadd.s32 s9, s10;
	[dreg:$0x14] =	wrdreg s13;
	(pc) =	sbr.rel .LBB2_1-.Ltmp0, $4  }
0x26: {  	s11 =	sadd.s32 $0x12000, s5;
	s9 =	sadd.s32 $0x3000, s5;
	[dreg:$0xa] =	wrdreg s22  }
0x27: {  	s10 =	sadd.s32 $0x5000, s5;
	s13 =	simm.s32 $0x8200;
	[dreg:$0x10] =	wrdreg s9  }
0x28: {  	s22 =	sadd.s32 s19, s2;
	[dreg:$0x11] =	wrdreg s10;
	s19 =	sadd.s32 $0xB000, s5  }
0x29: {  	v0 =	vimm.f32 $0.0e+00;
	v1 =	vimm.f32 $1.000000000e+00;
	s10 =	sadd.s32 $0x11000, s5;
	[dreg:$0x16] =	wrdreg s19;
	s19 =	simm.s32 $0x100  }
.LBB2_8:
0x2a: {  	_ =	swait.ge [sflag:s1], $0x4000  }
0x2b: {  	[sflag:s1] =	ssyncset.done $0x0  }
0x2c: {  	s7 =	stileid.u32;
	[sflag:s1] =	ssyncadd.s32 $0xFFFFC000  }
0x2d: {  	s7 =	sshll.u32 s7, $0x6;
	[bflag:$0x0] =	sbarrier.arrive $0xFFFF  }
0x2e: {  	s8 =	sshrl.u32 s5, $0x3;
	s7 =	sor.u32 $0x1C05, s7;
	s9 =	rddreg [dreg:$0x7]  }
0x2f: {  	[hbm:s9], [sflag:s7] =	dma.local [spmem:s8], $0x800  }
0x30: {  	_ =	swait.ge [sflag:s14], $0x800  }
0x31: {  	[sflag:s14] =	ssyncset.done $0x0  }
0x32: {  	s8 =	sshrl.u32 s20, $0x3;
	s9 =	rddreg [dreg:$0x8];
	[sflag:s14] =	ssyncadd.s32 $0xFFFFF800  }
0x33: {  	[hbm:s9], [sflag:s7] =	dma.local [spmem:s8], $0x800  }
0x34: {  	_ =	swait.ge [sflag:s14], $0x800  }
0x35: {  	[sflag:s14] =	ssyncset.done $0x0  }
0x36: {  	s8 =	sshrl.u32 s21, $0x3;
	s9 =	rddreg [dreg:$0x9];
	[sflag:s14] =	ssyncadd.s32 $0xFFFFF800  }
0x37: {  	[hbm:s9], [sflag:s7] =	dma.local [spmem:s8], $0x800  }
0x38: {  	_ =	swait.ge [sflag:s14], $0x800  }
0x39: {  	[sflag:s14] =	ssyncset.done $0x0  }
0x3a: {  	s8 =	sshrl.u32 s22, $0x3;
	s9 =	rddreg [dreg:$0xa];
	[sflag:s14] =	ssyncadd.s32 $0xFFFFF800  }
0x3b: {  	[hbm:s9], [sflag:s7] =	dma.local [spmem:s8], $0x800  }
0x3c: {  	_ =	swait.ge [sflag:s14], $0x800  }
0x3d: {  	[sflag:s14] =	ssyncset.done $0x0  }
0x3e: {  	s8 =	sshrl.u32 s23, $0x3;
	s9 =	rddreg [dreg:$0xb];
	[sflag:s14] =	ssyncadd.s32 $0xFFFFF800  }
0x3f: {  	[hbm:s9], [sflag:s7] =	dma.local [spmem:s8], $0x800  }
0x40: {  	_ =	swait.ge [sflag:s14], $0x800  }
0x41: {  	[sflag:s14] =	ssyncset.done $0x0  }
0x42: {  	s8 =	rddreg [dreg:$0xd];
	[sflag:s14] =	ssyncadd.s32 $0xFFFFF800  }
0x43: {  	[hbm4b:s8+s24] =	stream.strided.scatter [tilespmem:s30], [sflag:$0x5], $0x2800, s19, s24, $0x38;
	[tilespmem:$0x1FA00] =	vst v63  }
0x44: {  	_ =	swait.ge [sflag:s14], $0x2800  }
0x45: {  	s6 =	sadd.s32 $0x1, s6;
	s9 =	rddreg [dreg:$0xe]  }
0x46: {  	p0 =	sne.s32 s6, s9  }
.Ltmp1:
0x47: {  	_ = 	snop;
	(pc) =	sbr.rel @!p0 .LBB2_9-.Ltmp1, $3  }
0x48: {  	_ =	sdelay $0x1  }
0x49: {  	[sflag:s14] =	ssyncset.done $0x0  }
0x4a: {  	[sflag:s14] =	ssyncadd.s32 $0xFFFFD800  }
.LBB2_1:
0x4b: {  	s7 =	simm.s32 $0x0;
	s8 =	simm.s32 $0x200  }
.LBB2_2:
0x4c: {  	p0 =	sne.s32 s8, $0x3E00;
	[tilespmem:s7+$0x8270] =	vst v0  }
0x4d: {  	[tilespmem:s7+$0x8200] =	vst v0  }
0x4e: {  	[tilespmem:s7+$0x8210] =	vst v0  }
.Ltmp2:
0x4f: {  	[tilespmem:s7+$0x8220] =	vst v0;
	(pc) =	sbr.rel @p0 .LBB2_2-.Ltmp2, $4  }
0x50: {  	[tilespmem:s7+$0x8230] =	vst v0  }
0x51: {  	[tilespmem:s7+$0x8240] =	vst v0  }
0x52: {  	[tilespmem:s7+$0x8250] =	vst v0  }
0x53: {  	[tilespmem:s7+$0x8260] =	vst v0;
	s7 =	sshra.s32 s8, $0x2;
	s8 =	sadd.s32 $0x200, s8  }
0x54: {  	[tilespmem:s7+$0x8270] =	vst v0  }
0x55: {  	[tilespmem:s7+$0x8200] =	vst v0  }
0x56: {  	[tilespmem:s7+$0x8210] =	vst v0  }
0x57: {  	[tilespmem:s7+$0x8220] =	vst v0  }
0x58: {  	[tilespmem:s7+$0x8230] =	vst v0  }
0x59: {  	[tilespmem:s7+$0x8240] =	vst v0  }
0x5a: {  	[tilespmem:s7+$0x8250] =	vst v0  }
0x5b: {  	[tilespmem:s7+$0x8260] =	vst v0;
	s7 =	simm.s32 $0x40;
	s8 =	simm.s32 $0x0  }
.LBB2_4:
0x5c: {  	p0 =	sne.s32 s7, $0x9FC0;
	[tilespmem:s8+$0x9200] =	vst v0;
	s8 =	smov.u32 s7;
	s7 =	sadd.s32 $0x40, s7  }
.Ltmp3:
0x5d: {  	(pc) =	sbr.rel @p0 .LBB2_4-.Ltmp3, $2  }
0x5e: {  	_ =	sdelay $0x2  }
0x5f: {  	s8 =	sshra.s32 s8, $0x2  }
0x60: {  	[tilespmem:s8+$0x9200] =	vst v0  }
0x61: {  	[spmem:s5] =	stream.linear.scatter [tilespmem:s13], [sflag:$0x5], $0x1000, $0x38;
	[tilespmem:$0x1FA00] =	vst v63  }
0x62: {  	_ =	swait.ge [sflag:s14], $0x1000  }
0x63: {  	[sflag:s14] =	ssyncset.done $0x0  }
0x64: {  	s7 =	rddreg [dreg:$0xc];
	[sflag:s14] =	ssyncadd.s32 $0xFFFFF000  }
0x65: {  	[spmem:s7] =	stream.linear.scatter [tilespmem:s13], [sflag:$0x5], $0x1000, $0x38;
	[tilespmem:$0x1FA00] =	vst v63  }
0x66: {  	_ =	swait.ge [sflag:s14], $0x1000  }
0x67: {  	[sflag:s14] =	ssyncset.done $0x0  }
0x68: {  	s8 =	rddreg [dreg:$0xf];
	[sflag:s14] =	ssyncadd.s32 $0xFFFFF000  }
0x69: {  	[spmem:s8] =	stream.linear.scatter [tilespmem:s13], [sflag:$0x5], $0x1000, $0x38;
	[tilespmem:$0x1FA00] =	vst v63  }
0x6a: {  	_ =	swait.ge [sflag:s14], $0x1000  }
0x6b: {  	[sflag:s14] =	ssyncset.done $0x0  }
0x6c: {  	s9 =	rddreg [dreg:$0x10];
	[sflag:s14] =	ssyncadd.s32 $0xFFFFF000  }
0x6d: {  	[spmem:s9] =	stream.linear.scatter [tilespmem:s13], [sflag:$0x5], $0x1000, $0x38;
	[tilespmem:$0x1FA00] =	vst v63  }
0x6e: {  	_ =	swait.ge [sflag:s14], $0x1000  }
0x6f: {  	[sflag:s14] =	ssyncset.done $0x0  }
0x70: {  	[sflag:s14] =	ssyncadd.s32 $0xFFFFF000  }
0x71: {  	[spmem:s20] =	stream.linear.scatter [tilespmem:s13], [sflag:$0x5], $0x1000, $0x38;
	[tilespmem:$0x1FA00] =	vst v63  }
0x72: {  	_ =	swait.ge [sflag:s14], $0x1000  }
0x73: {  	[sflag:s14] =	ssyncset.done $0x0  }
0x74: {  	s8 =	rddreg [dreg:$0x11];
	[sflag:s14] =	ssyncadd.s32 $0xFFFFF000  }
0x75: {  	[spmem:s8] =	stream.linear.scatter [tilespmem:s13], [sflag:$0x5], $0x1000, $0x38;
	[tilespmem:$0x1FA00] =	vst v63  }
0x76: {  	_ =	swait.ge [sflag:s14], $0x1000  }
0x77: {  	[sflag:s14] =	ssyncset.done $0x0  }
0x78: {  	s9 =	rddreg [dreg:$0x12];
	[sflag:s14] =	ssyncadd.s32 $0xFFFFF000  }
0x79: {  	[spmem:s9] =	stream.linear.scatter [tilespmem:s13], [sflag:$0x5], $0x1000, $0x38;
	[tilespmem:$0x1FA00] =	vst v63  }
0x7a: {  	_ =	swait.ge [sflag:s14], $0x1000  }
0x7b: {  	[sflag:s14] =	ssyncset.done $0x0  }
0x7c: {  	s8 =	rddreg [dreg:$0x13];
	[sflag:s14] =	ssyncadd.s32 $0xFFFFF000  }
0x7d: {  	[spmem:s8] =	stream.linear.scatter [tilespmem:s13], [sflag:$0x5], $0x1000, $0x38;
	[tilespmem:$0x1FA00] =	vst v63  }
0x7e: {  	_ =	swait.ge [sflag:s14], $0x1000  }
0x7f: {  	[sflag:s14] =	ssyncset.done $0x0  }
0x80: {  	[sflag:s14] =	ssyncadd.s32 $0xFFFFF000  }
0x81: {  	[spmem:s21] =	stream.linear.scatter [tilespmem:s13], [sflag:$0x5], $0x1000, $0x38;
	[tilespmem:$0x1FA00] =	vst v63  }
0x82: {  	_ =	swait.ge [sflag:s14], $0x1000  }
0x83: {  	[sflag:s14] =	ssyncset.done $0x0  }
0x84: {  	s9 =	rddreg [dreg:$0x14];
	[sflag:s14] =	ssyncadd.s32 $0xFFFFF000  }
0x85: {  	[spmem:s9] =	stream.linear.scatter [tilespmem:s13], [sflag:$0x5], $0x1000, $0x38;
	[tilespmem:$0x1FA00] =	vst v63  }
0x86: {  	_ =	swait.ge [sflag:s14], $0x1000  }
0x87: {  	[sflag:s14] =	ssyncset.done $0x0  }
0x88: {  	s8 =	rddreg [dreg:$0x15];
	[sflag:s14] =	ssyncadd.s32 $0xFFFFF000  }
0x89: {  	[spmem:s8] =	stream.linear.scatter [tilespmem:s13], [sflag:$0x5], $0x1000, $0x38;
	[tilespmem:$0x1FA00] =	vst v63  }
0x8a: {  	_ =	swait.ge [sflag:s14], $0x1000  }
0x8b: {  	[sflag:s14] =	ssyncset.done $0x0  }
0x8c: {  	s9 =	rddreg [dreg:$0x16];
	[sflag:s14] =	ssyncadd.s32 $0xFFFFF000  }
0x8d: {  	[spmem:s9] =	stream.linear.scatter [tilespmem:s13], [sflag:$0x5], $0x1000, $0x38;
	[tilespmem:$0x1FA00] =	vst v63  }
0x8e: {  	_ =	swait.ge [sflag:s14], $0x1000  }
0x8f: {  	[sflag:s14] =	ssyncset.done $0x0  }
0x90: {  	[sflag:s14] =	ssyncadd.s32 $0xFFFFF000  }
0x91: {  	[spmem:s22] =	stream.linear.scatter [tilespmem:s13], [sflag:$0x5], $0x1000, $0x38;
	[tilespmem:$0x1FA00] =	vst v63  }
0x92: {  	_ =	swait.ge [sflag:s14], $0x1000  }
0x93: {  	[sflag:s14] =	ssyncset.done $0x0  }
0x94: {  	s8 =	rddreg [dreg:$0x17];
	[sflag:s14] =	ssyncadd.s32 $0xFFFFF000  }
0x95: {  	[spmem:s8] =	stream.linear.scatter [tilespmem:s13], [sflag:$0x5], $0x1000, $0x38;
	[tilespmem:$0x1FA00] =	vst v63  }
0x96: {  	_ =	swait.ge [sflag:s14], $0x1000  }
0x97: {  	[sflag:s14] =	ssyncset.done $0x0  }
0x98: {  	s9 =	rddreg [dreg:$0x18];
	[sflag:s14] =	ssyncadd.s32 $0xFFFFF000  }
0x99: {  	[spmem:s9] =	stream.linear.scatter [tilespmem:s13], [sflag:$0x5], $0x1000, $0x38;
	[tilespmem:$0x1FA00] =	vst v63  }
0x9a: {  	_ =	swait.ge [sflag:s14], $0x1000  }
0x9b: {  	[sflag:s14] =	ssyncset.done $0x0  }
0x9c: {  	s8 =	rddreg [dreg:$0x19];
	[sflag:s14] =	ssyncadd.s32 $0xFFFFF000  }
0x9d: {  	[spmem:s8] =	stream.linear.scatter [tilespmem:s13], [sflag:$0x5], $0x1000, $0x38;
	[tilespmem:$0x1FA00] =	vst v63  }
0x9e: {  	_ =	swait.ge [sflag:s14], $0x1000  }
0x9f: {  	[sflag:s14] =	ssyncset.done $0x0  }
0xa0: {  	[sflag:s14] =	ssyncadd.s32 $0xFFFFF000  }
0xa1: {  	[spmem:s23] =	stream.linear.scatter [tilespmem:s13], [sflag:$0x5], $0x1000, $0x38;
	[tilespmem:$0x1FA00] =	vst v63  }
0xa2: {  	_ =	swait.ge [sflag:s14], $0x1000  }
0xa3: {  	[sflag:s14] =	ssyncset.done $0x0  }
0xa4: {  	[sflag:s14] =	ssyncadd.s32 $0xFFFFF000  }
0xa5: {  	[spmem:s10] =	stream.linear.scatter [tilespmem:s13], [sflag:$0x5], $0x1000, $0x38;
	[tilespmem:$0x1FA00] =	vst v63  }
0xa6: {  	_ =	swait.ge [sflag:s14], $0x1000  }
0xa7: {  	[sflag:s14] =	ssyncset.done $0x0  }
0xa8: {  	[sflag:s14] =	ssyncadd.s32 $0xFFFFF000  }
0xa9: {  	[spmem:s11] =	stream.linear.scatter [tilespmem:s13], [sflag:$0x5], $0x1000, $0x38;
	[tilespmem:$0x1FA00] =	vst v63  }
0xaa: {  	_ =	swait.ge [sflag:s14], $0x1000  }
0xab: {  	[sflag:s14] =	ssyncset.done $0x0  }
0xac: {  	[sflag:s14] =	ssyncadd.s32 $0xFFFFF000  }
0xad: {  	[spmem:s12] =	stream.linear.scatter [tilespmem:s13], [sflag:$0x5], $0x1000, $0x38;
	[tilespmem:$0x1FA00] =	vst v63  }
0xae: {  	_ =	swait.ge [sflag:s14], $0x1000  }
0xaf: {  	[sflag:s14] =	ssyncset.done $0x0  }
0xb0: {  	[sflag:s14] =	ssyncadd.s32 $0xFFFFF000  }
0xb1: {  	[bflag:$0x0] =	sbarrier.arrive $0xFFFF  }
0xb2: {  	s7 =	simm.s32 $0x0;
	s9 =	rddreg [dreg:$0x3]  }
0xb3: {  	[tilespmem:s7], [sflag:$0x5] =	stream.linear.gather [hbm4b:s9+s7], $0x80, $0x38;
	[tilespmem:$0x1FA00] =	vst v63  }
0xb4: {  	_ =	swait.ge [sflag:s14], $0x80  }
0xb5: {  	[sflag:s14] =	ssyncset.done $0x0  }
0xb6: {  	s9 =	rddreg [dreg:$0x4];
	[sflag:s14] =	ssyncadd.s32 $0xFFFFFF80  }
0xb7: {  	[tilespmem:s19], [sflag:$0x5] =	stream.linear.gather [hbm4b:s9+s7], $0x80, $0x38;
	[tilespmem:$0x1FA00] =	vst v63  }
0xb8: {  	_ =	swait.ge [sflag:s14], $0x80  }
0xb9: {  	[sflag:s14] =	ssyncset.done $0x0  }
0xba: {  	[sflag:s14] =	ssyncadd.s32 $0xFFFFFF80  }
0xbb: {  	[tilespmem:s25], [sflag:$0x1] =	stream.indirect.gather [hbm4b:s4+s24], $0x80, s7, s24, $0xb8;
	[tilespmem:$0x1FA00] =	vst v63  }
0xbc: {  	s9 =	rddreg [dreg:$0x5]  }
0xbd: {  	[tilespmem:s24], [sflag:$0x5] =	stream.linear.gather [hbm4b:s9+s7], $0x80, $0x38;
	[tilespmem:$0x1FA00] =	vst v63  }
0xbe: {  	_ =	swait.ge [sflag:s14], $0x80  }
0xbf: {  	[sflag:s14] =	ssyncset.done $0x0  }
0xc0: {  	s9 =	rddreg [dreg:$0x6];
	[sflag:s14] =	ssyncadd.s32 $0xFFFFFF80  }
0xc1: {  	[tilespmem:s26], [sflag:$0x5] =	stream.linear.gather [hbm4b:s9+s7], $0x80, $0x38;
	[tilespmem:$0x1FA00] =	vst v63  }
0xc2: {  	_ =	swait.ge [sflag:s14], $0x80  }
0xc3: {  	[sflag:s14] =	ssyncset.done $0x0  }
0xc4: {  	[sflag:s14] =	ssyncadd.s32 $0xFFFFFF80  }
0xc5: {  	[tilespmem:s28], [sflag:$0x2] =	stream.indirect.gather [hbm4b:s4+s24], $0x80, s24, s24, $0xb8;
	[tilespmem:$0x1FA00] =	vst v63  }
.LBB2_6:
0xc6: {  	_ =	swait.ge [sflag:s29], $0x4000  }
0xc7: {  	[sflag:s29] =	ssyncset.done $0x0  }
0xc8: {  	[sflag:s29] =	ssyncadd.s32 $0xFFFFC000  }
0xc9: {  	[spmem:s2] =	stream.indirect.scatter.add.f32 [tilespmem:s25], [sflag:$0x3], $0x80, s19, s24, $0xb8;
	[tilespmem:$0x1FA00] =	vst v63  }
0xca: {  	v2 =	vld [tilespmem:$0x100];
	_ =	sdelay $0x7  }
0xcb: {  	[tilespmem:v2+s30+$0x0] =	vst.idx.add.f32.msk $0xffff, v1  }
0xcc: {  	v2 =	vld [tilespmem:$0x110];
	_ =	sdelay $0x7  }
0xcd: {  	[tilespmem:v2+s30+$0x0] =	vst.idx.add.f32.msk $0xffff, v1  }
0xce: {  	v2 =	vld [tilespmem:$0x120];
	_ =	sdelay $0x7  }
0xcf: {  	[tilespmem:v2+s30+$0x0] =	vst.idx.add.f32.msk $0xffff, v1  }
0xd0: {  	v2 =	vld [tilespmem:$0x130];
	_ =	sdelay $0x7  }
0xd1: {  	[tilespmem:v2+s30+$0x0] =	vst.idx.add.f32.msk $0xffff, v1  }
0xd2: {  	v2 =	vld [tilespmem:$0x140];
	_ =	sdelay $0x7  }
0xd3: {  	[tilespmem:v2+s30+$0x0] =	vst.idx.add.f32.msk $0xffff, v1  }
0xd4: {  	v2 =	vld [tilespmem:$0x150];
	_ =	sdelay $0x7  }
0xd5: {  	[tilespmem:v2+s30+$0x0] =	vst.idx.add.f32.msk $0xffff, v1  }
0xd6: {  	v2 =	vld [tilespmem:$0x160];
	_ =	sdelay $0x7  }
0xd7: {  	[tilespmem:v2+s30+$0x0] =	vst.idx.add.f32.msk $0xffff, v1  }
0xd8: {  	v2 =	vld [tilespmem:$0x170];
	_ =	sdelay $0x7  }
0xd9: {  	[tilespmem:v2+s30+$0x0] =	vst.idx.add.f32.msk $0xffff, v1  }
0xda: {  	_ =	swait.ge [sflag:s31], $0x4000  }
0xdb: {  	[sflag:s31] =	ssyncset.done $0x0  }
0xdc: {  	[sflag:s31] =	ssyncadd.s32 $0xFFFFC000  }
0xdd: {  	[spmem:s2] =	stream.indirect.scatter.add.f32 [tilespmem:s28], [sflag:$0x4], $0x80, s26, s24, $0xb8;
	[tilespmem:$0x1FA00] =	vst v63  }
0xde: {  	v2 =	vld [tilespmem:$0x180];
	_ =	sdelay $0x7  }
0xdf: {  	[tilespmem:v2+s30+$0x0] =	vst.idx.add.f32.msk $0xffff, v1  }
0xe0: {  	v2 =	vld [tilespmem:$0x190];
	_ =	sdelay $0x7  }
0xe1: {  	[tilespmem:v2+s30+$0x0] =	vst.idx.add.f32.msk $0xffff, v1  }
0xe2: {  	v2 =	vld [tilespmem:$0x1A0];
	_ =	sdelay $0x7  }
0xe3: {  	[tilespmem:v2+s30+$0x0] =	vst.idx.add.f32.msk $0xffff, v1  }
0xe4: {  	v2 =	vld [tilespmem:$0x1B0];
	_ =	sdelay $0x7  }
0xe5: {  	[tilespmem:v2+s30+$0x0] =	vst.idx.add.f32.msk $0xffff, v1  }
0xe6: {  	v2 =	vld [tilespmem:$0x1C0];
	_ =	sdelay $0x7  }
0xe7: {  	[tilespmem:v2+s30+$0x0] =	vst.idx.add.f32.msk $0xffff, v1  }
0xe8: {  	v2 =	vld [tilespmem:$0x1D0];
	_ =	sdelay $0x7  }
0xe9: {  	[tilespmem:v2+s30+$0x0] =	vst.idx.add.f32.msk $0xffff, v1  }
0xea: {  	v2 =	vld [tilespmem:$0x1E0];
	_ =	sdelay $0x7  }
0xeb: {  	[tilespmem:v2+s30+$0x0] =	vst.idx.add.f32.msk $0xffff, v1  }
0xec: {  	v2 =	vld [tilespmem:$0x1F0];
	_ =	sdelay $0x5  }
0xed: {  	p0 =	seq.s32 s7, $0x4E0  }
.Ltmp4:
0xee: {  	_ = 	snop;
	(pc) =	sbr.rel @p0 .LBB2_8-.Ltmp4, $4  }
0xef: {  	[tilespmem:v2+s30+$0x0] =	vst.idx.add.f32.msk $0xffff, v1  }
0xf0: {  	_ =	swait.ge [sflag:s0], $0x4000  }
0xf1: {  	[sflag:s0] =	ssyncset.done $0x0  }
0xf2: {  	[sflag:s0] =	ssyncadd.s32 $0xFFFFC000  }
0xf3: {  	s8 =	sadd.s32 s7, s18  }
0xf4: {  	[tilespmem:s3], [sflag:$0x5] =	stream.linear.gather [hbm4b:s8+s3], $0x80, $0x38;
	[tilespmem:$0x1FA00] =	vst v63  }
0xf5: {  	_ =	swait.ge [sflag:s14], $0x80  }
0xf6: {  	[sflag:s14] =	ssyncset.done $0x0  }
0xf7: {  	s9 =	sadd.s32 s7, s17;
	[sflag:s14] =	ssyncadd.s32 $0xFFFFFF80  }
0xf8: {  	[tilespmem:s19], [sflag:$0x5] =	stream.linear.gather [hbm4b:s9+s3], $0x80, $0x38;
	[tilespmem:$0x1FA00] =	vst v63  }
0xf9: {  	_ =	swait.ge [sflag:s14], $0x80  }
0xfa: {  	[sflag:s14] =	ssyncset.done $0x0  }
0xfb: {  	[sflag:s14] =	ssyncadd.s32 $0xFFFFFF80  }
0xfc: {  	[tilespmem:s25], [sflag:$0x1] =	stream.indirect.gather [hbm4b:s4+s24], $0x80, s3, s24, $0xb8;
	[tilespmem:$0x1FA00] =	vst v63  }
0xfd: {  	_ =	swait.ge [sflag:s1], $0x4000  }
0xfe: {  	[sflag:s1] =	ssyncset.done $0x0  }
0xff: {  	s9 =	sadd.s32 s7, s16;
	[sflag:s1] =	ssyncadd.s32 $0xFFFFC000  }
0x100: {  	[tilespmem:s24], [sflag:$0x5] =	stream.linear.gather [hbm4b:s9+s3], $0x80, $0x38;
	[tilespmem:$0x1FA00] =	vst v63  }
0x101: {  	_ =	swait.ge [sflag:s14], $0x80  }
0x102: {  	[sflag:s14] =	ssyncset.done $0x0  }
0x103: {  	s9 =	sadd.s32 s7, s15;
	[sflag:s14] =	ssyncadd.s32 $0xFFFFFF80  }
0x104: {  	[tilespmem:s26], [sflag:$0x5] =	stream.linear.gather [hbm4b:s9+s3], $0x80, $0x38;
	[tilespmem:$0x1FA00] =	vst v63  }
.Ltmp5:
0x105: {  	_ = 	snop;
	(pc) =	sbr.rel .LBB2_6-.Ltmp5, $4  }
0x106: {  	_ =	swait.ge [sflag:s14], $0x80  }
0x107: {  	[sflag:s14] =	ssyncset.done $0x0  }
0x108: {  	s7 =	sadd.s32 $0x20, s7;
	[sflag:s14] =	ssyncadd.s32 $0xFFFFFF80  }
0x109: {  	[tilespmem:s28], [sflag:$0x2] =	stream.indirect.gather [hbm4b:s4+s24], $0x80, s24, s24, $0xb8;
	[tilespmem:$0x1FA00] =	vst v63  }
.LBB2_9:
0x10a: {  	_ =	sfence.sel $0x180000  }
0x10b: {  	[bflag:$0x0] =	sbarrier.arrive $0xFFFF  }
0x10c: {  	_ =	strace $0x90000047  }
0x10d: {  	s0 =	stileid.u32;
	[bflag:$0x2] =	sbarrier.arrive $0xFFFF  }
0x10e: {  	p0 =	sne.s32 s0, $0x0;
	s0 =	rddreg [dreg:$0x2]  }
0x10f: {  	s0 =	sadd.s32 @!p0 $0x100000, s0  }
0x110: {  	[sflag:s0] =	ssyncadd.tile.s32 @!p0 $0x1;
	_ =	shalt  }
.Lfunc_end2:
_tile_overlayer_lowered:
.L_overlay_start_2:
0x111: {  	(tag) =	ssettag $0x2  }
0x112: {  	s0 =	rddreg [dreg:$0x0];
	s2 =	stileid.u32  }
0x113: {  	s1 =	rddreg [dreg:$0x1];
	p0 =	sne.s32 s2, $0x0  }
0x114: {  	s3 =	rddreg [dreg:$0x2];
	[bflag:$0x3] =	sbarrier.arrive $0xFFFF;
	s2 =	simm.s32 @!p0 $0x1C05  }
0x115: {  	[timem:s3], [sflag:s2] =	dma.local @!p0 [hbm:s0], s1  }
0x116: {  	s0 =	simm.s32 @!p0 $0x5  }
0x117: {  	_ =	swait.ge @!p0 [sflag:s0], s1  }
0x118: {  	s1 =	ssub.s32 @!p0 $0x0, s1;
	[sflag:s0] =	ssyncset.done @!p0 $0x0  }
0x119: {  	[sflag:s0] =	ssyncadd.s32 @!p0 s1  }
0x11a: {  	[bflag:$0x3] =	sbarrier.arrive $0xFFFF  }
0x11b: {  	_ =	shalt  }

// kernel: kernel.9.cloned.1.call-start
scs
__scs_entry_jumppad:
0x0: {  	(pc) =	sbr.rel $0x88, $3  }
0x1: {  	(tag) =	ssettag $0x0;
	lr =	simm.s32 $0x1  }
0x2: {  	[smem:$0x3F98] =	sst lr;
	_ =	strace $0xD0000000  }
0x3: {  	_ = 	snop  }
0x4: {  	_ = 	snop  }
0x5: {  	_ = 	snop  }
0x6: {  	_ = 	snop  }
0x7: {  	_ = 	snop  }
__scs_overlays_trampoline_lowered:
0x8: {  	[smem:$0x3FA7] =	sst s0  }
0x9: {  	[smem:$0x3FA8] =	sst s1  }
0xa: {  	[smem:$0x3FA9] =	sst s2  }
0xb: {  	[smem:$0x3FAA] =	sst s3  }
0xc: {  	[smem:$0x3FAB] =	sst s4  }
0xd: {  	[smem:$0x3FAC] =	sst s5  }
0xe: {  	[smem:$0x3FAD] =	sst s6  }
0xf: {  	[smem:$0x3FAE] =	sst s7  }
0x10: {  	[smem:$0x3FAF] =	sst s8  }
0x11: {  	[smem:$0x3FB0] =	sst s9;
	s0 =	simm.s32 @!p0 $0x0  }
0x12: {  	s1 =	sld [smem:$0x3F96];
	s0 =	simm.s32 @p0 $0x1  }
0x13: {  	[smem:$0x3FB1] =	sst s0;
	s0 =	simm.s32 @!p1 $0x0  }
0x14: {  	s2 =	sld [smem:$0x3F95];
	s0 =	simm.s32 @p1 $0x1  }
0x15: {  	[smem:$0x3FB2] =	sst s0;
	s0 =	simm.s32 @!p2 $0x0  }
0x16: {  	s3 =	sld [smem:$0x3FDB];
	s0 =	simm.s32 @p2 $0x1  }
0x17: {  	s4 =	simm.s32 $0x1BF5;
	[smem:$0x3FB4] =	sst s0  }
0x18: {  	s0 =	sld [smem:$0x3F97];
	_ =	swait.ge [sflag:s4], $0x0  }
0x19: {  	s7 =	sld [smem:$0x3F98]  }
0x1a: {  	s8 =	sadd.s32 $0xFFFFE003, lr  }
0x1b: {  	s9 =	sadd.s32 $0xFFFFFEF7, lr;
	s5 =	simm.s32 $0xFFFFFFFF;
	p2 =	slt.u32 s8, $0xFFFFF086  }
0x1c: {  	p1 =	slt.u32 s9, $0xF7A;
	s5 =	simm.s32 @!p2 $0x0  }
0x1d: {  	s5 =	simm.s32 @p1 $0x1;
	p0 =	seq.s32 s7, s2  }
0x1e: {  	s7 =	smul.u32 @!p0 $0xF7A, s2;
	p2 =	seq.s32 @!p0 s5, $0x0  }
0x1f: {  	s9 =	smul.u32 $0xF7A, s1;
	s8 =	simm.s32 @!p0 $0x1BF5;
	p2 =	por !p2, p0  }
0x20: {  	[sflag:s8] =	ssyncset.s32 @!p0 $0xFFFFF086;
	s6 =	sadd.s32 @!p0 s3, s7;
	s7 =	simm.s32 @!p0 $0x108  }
0x21: {  	s3 =	sadd.s32 s3, s9;
	s6 =	sadd.s32 @!p0 $0x88, s6;
	s7 =	simm.s32 @p2 $0x1082  }
0x22: {  	[simem:s7], [sflag:s8] =	dma.local @!p0 [hbm:s6], $0xF7A  }
0x23: {  	s9 =	sor.u32 $0xD0000000, s2;
	s6 =	simm.s32 $0x108;
	_ =	swait.ge @!p0 [sflag:s8], $0x0  }
0x24: {  	s3 =	sadd.s32 $0x88, s3;
	s6 =	simm.s32 @!p1 $0x1082;
	[sflag:s4] =	ssyncset.s32 $0xFFFFF086  }
0x25: {  	[simem:s6], [sflag:s4] =	dma.local [hbm:s3], $0xF7A  }
0x26: {  	[smem:$0x3F98] =	sst s1;
	(tag) =	ssettag s2;
	_ =	strace s9  }
0x27: {  	s1 =	sld [smem:$0x3FA8]  }
0x28: {  	s2 =	sld [smem:$0x3FA9]  }
0x29: {  	s4 =	sld [smem:$0x3FAB]  }
0x2a: {  	p0 =	seq.s32 s5, $0x0;
	s5 =	sld [smem:$0x3FAC]  }
0x2b: {  	s6 =	sld [smem:$0x3FAD]  }
0x2c: {  	s7 =	sld [smem:$0x3FAE]  }
0x2d: {  	s3 =	simm.s32 $0x108;
	s8 =	sld [smem:$0x3FAF]  }
0x2e: {  	s3 =	simm.s32 @!p0 $0x1082;
	s9 =	sld [smem:$0x3FB0]  }
0x2f: {  	lr =	sadd.s32 s0, s3;
	s0 =	sld [smem:$0x3FA7]  }
0x30: {  	s3 =	sld [smem:$0x3FAA]  }
0x31: {  	[smem:$0x3FB3] =	sst s10  }
0x32: {  	s10 =	sld [smem:$0x3FB1];
	_ =	sdelay $0x3  }
0x33: {  	p0 =	seq.s32 s10, $0x1;
	s10 =	sld [smem:$0x3FB3];
	_ =	sdelay $0x3  }
0x34: {  	[smem:$0x3FB3] =	sst s10  }
0x35: {  	s10 =	sld [smem:$0x3FB2];
	_ =	sdelay $0x3  }
0x36: {  	p1 =	seq.s32 s10, $0x1;
	s10 =	sld [smem:$0x3FB3];
	_ =	sdelay $0x3  }
0x37: {  	[smem:$0x3FB3] =	sst s10  }
0x38: {  	s10 =	sld [smem:$0x3FB4]  }
0x39: {  	_ = 	snop;
	(pc) =	sbr.ind lr, $3  }
0x3a: {  	_ = 	snop  }
0x3b: {  	_ = 	snop  }
0x3c: {  	p2 =	seq.s32 s10, $0x1;
	s10 =	sld [smem:$0x3FB3]  }
0x3d: {  	_ =	shalt  }
0x3e: {  	_ =	shalt  }
0x3f: {  	_ =	shalt  }
0x40: {  	_ =	shalt  }
0x41: {  	_ =	shalt  }
0x42: {  	_ =	shalt  }
0x43: {  	_ =	shalt  }
0x44: {  	_ =	shalt  }
0x45: {  	_ =	shalt  }
0x46: {  	_ =	shalt  }
0x47: {  	_ =	shalt  }
0x48: {  	_ =	shalt  }
0x49: {  	_ =	shalt  }
0x4a: {  	_ =	shalt  }
0x4b: {  	_ =	shalt  }
0x4c: {  	_ =	shalt  }
0x4d: {  	_ =	shalt  }
0x4e: {  	_ =	shalt  }
0x4f: {  	_ =	shalt  }
0x50: {  	_ =	shalt  }
0x51: {  	_ =	shalt  }
0x52: {  	_ =	shalt  }
0x53: {  	_ =	shalt  }
0x54: {  	_ =	shalt  }
0x55: {  	_ =	shalt  }
0x56: {  	_ =	shalt  }
0x57: {  	_ =	shalt  }
0x58: {  	_ =	shalt  }
0x59: {  	_ =	shalt  }
0x5a: {  	_ =	shalt  }
0x5b: {  	_ =	shalt  }
0x5c: {  	_ =	shalt  }
0x5d: {  	_ =	shalt  }
0x5e: {  	_ =	shalt  }
0x5f: {  	_ =	shalt  }
0x60: {  	_ =	shalt  }
0x61: {  	_ =	shalt  }
0x62: {  	_ =	shalt  }
0x63: {  	_ =	shalt  }
0x64: {  	_ =	shalt  }
0x65: {  	_ =	shalt  }
0x66: {  	_ =	shalt  }
0x67: {  	_ =	shalt  }
0x68: {  	_ =	shalt  }
0x69: {  	_ =	shalt  }
0x6a: {  	_ =	shalt  }
0x6b: {  	_ =	shalt  }
0x6c: {  	_ =	shalt  }
0x6d: {  	_ =	shalt  }
0x6e: {  	_ =	shalt  }
0x6f: {  	_ =	shalt  }
0x70: {  	_ =	shalt  }
0x71: {  	_ =	shalt  }
0x72: {  	_ =	shalt  }
0x73: {  	_ =	shalt  }
0x74: {  	_ =	shalt  }
0x75: {  	_ =	shalt  }
0x76: {  	_ =	shalt  }
0x77: {  	_ =	shalt  }
0x78: {  	_ =	shalt  }
0x79: {  	_ =	shalt  }
0x7a: {  	_ =	shalt  }
0x7b: {  	_ =	shalt  }
0x7c: {  	_ =	shalt  }
0x7d: {  	_ =	shalt  }
0x7e: {  	_ =	shalt  }
0x7f: {  	_ =	shalt  }
0x80: {  	_ =	shalt  }
0x81: {  	_ =	shalt  }
0x82: {  	_ =	shalt  }
0x83: {  	_ =	shalt  }
0x84: {  	_ =	shalt  }
0x85: {  	_ =	shalt  }
0x86: {  	_ =	shalt  }
0x87: {  	_ =	shalt  }
.Lfunc_end0:
.L_simem_size_0:
called_computation.1_lowered:
.L_overlay_start_0:
0x88: {  	s2 =	sld [smem:$0x3FD9]  }
0x89: {  	s3 =	sld [smem:$0x3FFE];
	_ =	sdelay $0x1  }
0x8a: {  	s1 =	srdreg.scid  }
0x8b: {  	s0 =	sand.u32 $0x1, s1  }
0x8c: {  	s17 =	sshll.u32 s0, $0xA;
	s2 =	sadd.s32 s3, s2  }
0x8d: {  	s2 =	sadd.s32 s2, s17  }
0x8e: {  	[smem:$0x3FBF] =	sst s2  }
0x8f: {  	_ = 	snop  }
0x90: {  	s2 =	sld [smem:$0x3FD0];
	(tm) =	ssettm $0x1  }
0x91: {  	s18 =	sld [smem:$0x3FFB];
	_ =	sdelay $0x3  }
0x92: {  	_ =	strace s18  }
0x93: {  	s3 =	sld [smem:$0x3FFC];
	_ =	sdelay $0x3  }
0x94: {  	_ =	strace s3  }
0x95: {  	s3 =	sld [smem:$0x3FFD];
	_ =	sdelay $0x3  }
0x96: {  	_ =	strace s3  }
0x97: {  	_ =	strace $0x8FFFFFFF  }
0x98: {  	s19 =	sld [smem:$0x3FDB];
	_ =	sdelay $0x1  }
0x99: {  	s4 =	simm.s32 $_scs_section_size  }
0x9a: {  	s5 =	simm.s32 $_size__tile_overlayer_lowered;
	s6 =	simm.s32 $_tile_overlayer_lowered  }
0x9b: {  	s22 =	simm.s32 $0x1BFF;
	s21 =	sshll.u32 s6, $0x1;
	s3 =	sadd.s32 s4, s19  }
0x9c: {  	s7 =	simm.s32 $0x0;
	s20 =	sshll.u32 s5, $0x1;
	s5 =	sadd.s32 s21, s3  }
0x9d: {  	[timem:s7], [sflag:s22] =	dma.local [hbm:s5], s20  }
0x9e: {  	_ =	swait.ge [sflag:s22], s20  }
0x9f: {  	s4 =	ssub.s32 $0x0, s20;
	[sflag:s22] =	ssyncset.done $0x0  }
0xa0: {  	[sflag:s22] =	ssyncadd.s32 s4;
	_ =	sdelay $0x1  }
0xa1: {  	s23 =	simm.s32 $0x1B8B  }
0xa2: {  	_ =	swait.ge [sflag:s23], $0x1  }
0xa3: {  	[sflag:s23] =	ssyncset.done $0x0  }
0xa4: {  	s25 =	simm.s32 $0x1B8E;
	s24 =	sld [smem:$0x3FFE];
	[sflag:s23] =	ssyncadd.s32 $0xFFFFFFFF  }
0xa5: {  	s26 =	simm.s32 $execute0_lowered;
	[smem:$0x3FD2] =	sst s25  }
0xa6: {  	s5 =	sshll.u32 s26, $0x1;
	_ =	strace $0x80000049;
	[dreg:$0x1] =	wrdreg $0xFFFFFFFF  }
0xa7: {  	s28 =	simm.s32 $_size_execute0_lowered;
	s3 =	sadd.s32 s3, s5;
	[dreg:$0x0] =	wrdreg $0x0  }
0xa8: {  	s5 =	sshll.u32 s28, $0x1;
	[dreg:$0x2] =	wrdreg s3  }
0xa9: {  	[dreg:$0x3] =	wrdreg s5  }
0xaa: {  	[dreg:$0x4] =	wrdreg $0xC0  }
0xab: {  	_ =	task [dreg:s7], $0x5FFFF  }
0xac: {  	[dreg:$0x1] =	wrdreg $0xFFFFFFFF  }
0xad: {  	[dreg:$0x0] =	wrdreg $0x60  }
0xae: {  	[dreg:$0x2] =	wrdreg s2  }
0xaf: {  	[dreg:$0x3] =	wrdreg s24  }
0xb0: {  	[dreg:$0x4] =	wrdreg $0xBA000  }
0xb1: {  	[dreg:$0x5] =	wrdreg $0x9  }
0xb2: {  	_ =	task.clear_ibuf [dreg:s7], $0x6FFFF;
	_ =	strace $0x90000049  }
0xb3: {  	s29 =	simm.s32 $0x9;
	_ =	strace $0x8000004B  }
0xb4: {  	_ =	swait.ge [sflag:s29], $0x1  }
0xb5: {  	[sflag:s29] =	ssyncadd.s32 $0xFFFFFFFF  }
0xb6: {  	_ =	strace $0x9000004B  }
0xb7: {  	_ =	sfence  }
0xb8: {  	s30 =	sld [smem:$0x0];
	_ =	sdelay $0x2  }
0xb9: {  	s31 =	sshll.u32 s1, $0xD;
	s1 =	sshrl.u32 s1, $0x2  }
0xba: {  	s3 =	sand.u32 $0x4000, s31;
	s1 =	sadd.s32 s1, s30  }
0xbb: {  	s0 =	sor.u32 s3, s0;
	s1 =	sshll.u32 s1, $0x11  }
0xbc: {  	s0 =	sor.u32 s1, s0  }
0xbd: {  	s0 =	sadd.s32 $0x8F2B, s0  }
0xbe: {  	[sflag:s0] =	ssyncadd.remote.s32 $0x1  }
0xbf: {  	_ =	sfence.sel $0xFFFF  }
0xc0: {  	[dreg:$0x0] =	wrdreg $0xFFFFFFFF;
	(pc) =	sbr.abs _section_cstart, $3  }
0xc1: {  	[dreg:$0x1] =	wrdreg $0xFFFFFFFF  }
0xc2: {  	_ =	task.clear_ibuf [dreg:s7], $0x2FFFF;
	_ =	strace $0x9FFFFFFF  }
0xc3: {  	(tm) =	ssettm $0x7FFFFFFF  }
tec
execute0_lowered:
.L_overlay_start_1:
0x0: {  	(tag) =	ssettag $0x1  }
0x1: {  	s0 =	rddreg [dreg:$0x0]  }
0x2: {  	s1 =	rddreg [dreg:$0x1]  }
0x3: {  	s2 =	rddreg [dreg:$0x2];
	s4 =	srdreg.scid  }
0x4: {  	s12 =	stileid.u32;
	s3 =	simm.s32 $0x0;
	s28 =	simm.s32 $0x4200  }
0x5: {  	s29 =	simm.s32 $0x1;
	s30 =	simm.s32 $0x9200;
	s31 =	simm.s32 $0x2  }
0x6: {  	s6 =	sand.u32 $0x1, s4;
	s7 =	smul.u32 $0x5000, s12;
	[smem:$0x7FF] =	sst s3  }
0x7: {  	s8 =	sadd.s32 $0x3E400, s1;
	s9 =	sadd.s32 $0x48400, s1;
	s23 =	smul.u32 $0x50000, s12  }
0x8: {  	s10 =	sshll.u32 s12, $0x1;
	s12 =	smul.u32 $0x14000, s12;
	s4 =	sshll.u32 s6, $0x7  }
0x9: {  	_ =	strace $0x8000004A;
	s11 =	ssub.s32 $0x2, s6;
	s15 =	smul.u32 $0x140000, s6  }
0xa: {  	s10 =	sor.u32 s6, s10;
	s6 =	smul.u32 $0x2800, s6;
	s5 =	sor.u32 s4, s7  }
0xb: {  	s4 =	sadd.s32 $0x2400, s1;
	s13 =	sshrl.u32 s11, $0x1;
	s10 =	smul.u32 $0x2800, s10  }
0xc: {  	s14 =	sadd.s32 $0x8000, s12;
	s19 =	sadd.s32 $0xC000, s12;
	s5 =	sshrl.u32 s5, $0x3  }
0xd: {  	s11 =	ssub.s32 s11, s13;
	s13 =	sadd.s32 $0x4000, s12;
	s18 =	sadd.s32 s15, s19  }
0xe: {  	s6 =	sadd.s32 s6, s7;
	s1 =	sadd.s32 s5, s1;
	s5 =	sshrl.u32 s23, $0x2  }
0xf: {  	s10 =	sshrl.u32 s10, $0x3;
	s23 =	sadd.s32 $0x10000, s12;
	s12 =	sadd.s32 s12, s15  }
0x10: {  	s5 =	sadd.s32 s5, s2;
	s16 =	sadd.s32 s0, s10;
	s24 =	sadd.s32 s8, s10  }
0x11: {  	s10 =	sor.u32 $0x10, s10;
	s26 =	sshrl.u32 s12, $0x3;
	s12 =	sadd.s32 s15, s13  }
0x12: {  	s20 =	sadd.s32 s15, s23;
	s23 =	sadd.s32 s23, s2;
	[dreg:$0x4] =	wrdreg s16  }
0x13: {  	[dreg:$0x5] =	wrdreg s24;
	s25 =	sadd.s32 s0, s10;
	s10 =	sadd.s32 s8, s10  }
0x14: {  	s16 =	sadd.s32 s15, s14;
	s22 =	sshrl.u32 s20, $0x3;
	s24 =	sor.u32 $0x180, s6  }
0x15: {  	s6 =	sor.u32 $0x100, s6;
	s20 =	sadd.s32 s13, s2;
	[dreg:$0x6] =	wrdreg s25  }
0x16: {  	s13 =	sadd.s32 $0x9000, s5;
	[dreg:$0x7] =	wrdreg s10;
	s10 =	sadd.s32 s9, s26  }
0x17: {  	s7 =	sadd.s32 s9, s22;
	s25 =	sshrl.u32 s24, $0x3;
	[dreg:$0x15] =	wrdreg s13  }
0x18: {  	s6 =	sshrl.u32 s6, $0x3;
	s26 =	sadd.s32 $0x1000, s5;
	[dreg:$0x8] =	wrdreg s10  }
0x19: {  	s22 =	sadd.s32 s19, s2;
	s19 =	sadd.s32 $0xB000, s5;
	[dreg:$0xc] =	wrdreg s7  }
0x1a: {  	s24 =	sadd.s32 $0xD000, s5;
	s13 =	simm.s32 $0x8200;
	[dreg:$0xd] =	wrdreg s26  }
0x1b: {  	s10 =	sshrl.u32 s12, $0x3;
	s12 =	sshrl.u32 s16, $0x3;
	[dreg:$0x17] =	wrdreg s19  }
0x1c: {  	s15 =	sadd.s32 s25, s8;
	s7 =	smax.u32 s11, $0x1;
	[dreg:$0x18] =	wrdreg s24  }
0x1d: {  	s16 =	sadd.s32 s25, s0;
	s11 =	sadd.s32 $0x6000, s5;
	[dreg:$0xf] =	wrdreg s7  }
0x1e: {  	s25 =	sadd.s32 $0xE000, s5;
	s26 =	sadd.s32 $0xF000, s5;
	[dreg:$0x13] =	wrdreg s11  }
0x1f: {  	s19 =	simm.s32 $0x100;
	s24 =	simm.s32 $0x80;
	[dreg:$0x19] =	wrdreg s25  }
0x20: {  	s10 =	sadd.s32 s9, s10;
	s17 =	sadd.s32 s9, s12;
	[dreg:$0x1a] =	wrdreg s26  }
0x21: {  	s12 =	sadd.s32 $0x7000, s5;
	s11 =	sadd.s32 $0x12000, s5;
	[dreg:$0x9] =	wrdreg s10  }
0x22: {  	s25 =	simm.s32 $0x200;
	s26 =	simm.s32 $0x180;
	[dreg:$0xa] =	wrdreg s17  }
0x23: {  	s10 =	sshrl.u32 s18, $0x3;
	s17 =	sadd.s32 s6, s8;
	s18 =	sadd.s32 s6, s0  }
0x24: {  	s6 =	sadd.s32 $0x2A400, s1;
	s8 =	sadd.s32 $0x2000, s5;
	[dreg:$0x14] =	wrdreg s12  }
0x25: {  	s12 =	sadd.s32 $0x13000, s5;
	s0 =	simm.s32 $0x3;
	[dreg:$0xe] =	wrdreg s6  }
.Ltmp0:
0x26: {  	s21 =	sadd.s32 s9, s10;
	[dreg:$0x10] =	wrdreg s8;
	(pc) =	sbr.rel .LBB2_1-.Ltmp0, $4  }
0x27: {  	s1 =	simm.s32 $0x4;
	s9 =	sadd.s32 $0x3000, s5;
	[dreg:$0xb] =	wrdreg s21  }
0x28: {  	s10 =	sadd.s32 $0x5000, s5;
	s6 =	simm.s32 $0x0;
	[dreg:$0x11] =	wrdreg s9  }
0x29: {  	s21 =	sadd.s32 s14, s2;
	[dreg:$0x12] =	wrdreg s10;
	s14 =	sadd.s32 $0xA000, s5  }
0x2a: {  	v0 =	vimm.f32 $0.0e+00;
	v1 =	vimm.f32 $1.000000000e+00;
	s10 =	sadd.s32 $0x11000, s5;
	[dreg:$0x16] =	wrdreg s14;
	s14 =	simm.s32 $0x5  }
.LBB2_8:
0x2b: {  	_ =	swait.ge [sflag:s1], $0x4000  }
0x2c: {  	[sflag:s1] =	ssyncset.done $0x0  }
0x2d: {  	s7 =	stileid.u32;
	[sflag:s1] =	ssyncadd.s32 $0xFFFFC000  }
0x2e: {  	s7 =	sshll.u32 s7, $0x6;
	[bflag:$0x0] =	sbarrier.arrive $0xFFFF  }
0x2f: {  	s8 =	sshrl.u32 s5, $0x3;
	s7 =	sor.u32 $0x1C05, s7;
	s9 =	rddreg [dreg:$0x8]  }
0x30: {  	[hbm:s9], [sflag:s7] =	dma.local [spmem:s8], $0x800  }
0x31: {  	_ =	swait.ge [sflag:s14], $0x800  }
0x32: {  	[sflag:s14] =	ssyncset.done $0x0  }
0x33: {  	s8 =	sshrl.u32 s20, $0x3;
	s9 =	rddreg [dreg:$0x9];
	[sflag:s14] =	ssyncadd.s32 $0xFFFFF800  }
0x34: {  	[hbm:s9], [sflag:s7] =	dma.local [spmem:s8], $0x800  }
0x35: {  	_ =	swait.ge [sflag:s14], $0x800  }
0x36: {  	[sflag:s14] =	ssyncset.done $0x0  }
0x37: {  	s8 =	sshrl.u32 s21, $0x3;
	s9 =	rddreg [dreg:$0xa];
	[sflag:s14] =	ssyncadd.s32 $0xFFFFF800  }
0x38: {  	[hbm:s9], [sflag:s7] =	dma.local [spmem:s8], $0x800  }
0x39: {  	_ =	swait.ge [sflag:s14], $0x800  }
0x3a: {  	[sflag:s14] =	ssyncset.done $0x0  }
0x3b: {  	s8 =	sshrl.u32 s22, $0x3;
	s9 =	rddreg [dreg:$0xb];
	[sflag:s14] =	ssyncadd.s32 $0xFFFFF800  }
0x3c: {  	[hbm:s9], [sflag:s7] =	dma.local [spmem:s8], $0x800  }
0x3d: {  	_ =	swait.ge [sflag:s14], $0x800  }
0x3e: {  	[sflag:s14] =	ssyncset.done $0x0  }
0x3f: {  	s8 =	sshrl.u32 s23, $0x3;
	s9 =	rddreg [dreg:$0xc];
	[sflag:s14] =	ssyncadd.s32 $0xFFFFF800  }
0x40: {  	[hbm:s9], [sflag:s7] =	dma.local [spmem:s8], $0x800  }
0x41: {  	_ =	swait.ge [sflag:s14], $0x800  }
0x42: {  	[sflag:s14] =	ssyncset.done $0x0  }
0x43: {  	s8 =	rddreg [dreg:$0xe];
	[sflag:s14] =	ssyncadd.s32 $0xFFFFF800  }
0x44: {  	[hbm4b:s8+s24] =	stream.strided.scatter [tilespmem:s30], [sflag:$0x5], $0x2800, s19, s24, $0x38;
	[tilespmem:$0x1FA00] =	vst v63  }
0x45: {  	_ =	swait.ge [sflag:s14], $0x2800  }
0x46: {  	s6 =	sadd.s32 $0x1, s6;
	s9 =	rddreg [dreg:$0xf]  }
0x47: {  	p0 =	sne.s32 s6, s9  }
.Ltmp1:
0x48: {  	_ = 	snop;
	(pc) =	sbr.rel @!p0 .LBB2_9-.Ltmp1, $3  }
0x49: {  	_ =	sdelay $0x1  }
0x4a: {  	[sflag:s14] =	ssyncset.done $0x0  }
0x4b: {  	[sflag:s14] =	ssyncadd.s32 $0xFFFFD800  }
.LBB2_1:
0x4c: {  	s7 =	simm.s32 $0x0;
	s8 =	simm.s32 $0x200  }
.LBB2_2:
0x4d: {  	p0 =	sne.s32 s8, $0x3E00;
	[tilespmem:s7+$0x8270] =	vst v0  }
0x4e: {  	[tilespmem:s7+$0x8200] =	vst v0  }
0x4f: {  	[tilespmem:s7+$0x8210] =	vst v0  }
.Ltmp2:
0x50: {  	[tilespmem:s7+$0x8220] =	vst v0;
	(pc) =	sbr.rel @p0 .LBB2_2-.Ltmp2, $4  }
0x51: {  	[tilespmem:s7+$0x8230] =	vst v0  }
0x52: {  	[tilespmem:s7+$0x8240] =	vst v0  }
0x53: {  	[tilespmem:s7+$0x8250] =	vst v0  }
0x54: {  	[tilespmem:s7+$0x8260] =	vst v0;
	s7 =	sshra.s32 s8, $0x2;
	s8 =	sadd.s32 $0x200, s8  }
0x55: {  	[tilespmem:s7+$0x8270] =	vst v0  }
0x56: {  	[tilespmem:s7+$0x8200] =	vst v0  }
0x57: {  	[tilespmem:s7+$0x8210] =	vst v0  }
0x58: {  	[tilespmem:s7+$0x8220] =	vst v0  }
0x59: {  	[tilespmem:s7+$0x8230] =	vst v0  }
0x5a: {  	[tilespmem:s7+$0x8240] =	vst v0  }
0x5b: {  	[tilespmem:s7+$0x8250] =	vst v0  }
0x5c: {  	[tilespmem:s7+$0x8260] =	vst v0;
	s7 =	simm.s32 $0x40;
	s8 =	simm.s32 $0x0  }
.LBB2_4:
0x5d: {  	p0 =	sne.s32 s7, $0x9FC0;
	[tilespmem:s8+$0x9200] =	vst v0;
	s8 =	smov.u32 s7;
	s7 =	sadd.s32 $0x40, s7  }
.Ltmp3:
0x5e: {  	(pc) =	sbr.rel @p0 .LBB2_4-.Ltmp3, $2  }
0x5f: {  	_ =	sdelay $0x2  }
0x60: {  	s8 =	sshra.s32 s8, $0x2  }
0x61: {  	[tilespmem:s8+$0x9200] =	vst v0  }
0x62: {  	[spmem:s5] =	stream.linear.scatter [tilespmem:s13], [sflag:$0x5], $0x1000, $0x38;
	[tilespmem:$0x1FA00] =	vst v63  }
0x63: {  	_ =	swait.ge [sflag:s14], $0x1000  }
0x64: {  	[sflag:s14] =	ssyncset.done $0x0  }
0x65: {  	s7 =	rddreg [dreg:$0xd];
	[sflag:s14] =	ssyncadd.s32 $0xFFFFF000  }
0x66: {  	[spmem:s7] =	stream.linear.scatter [tilespmem:s13], [sflag:$0x5], $0x1000, $0x38;
	[tilespmem:$0x1FA00] =	vst v63  }
0x67: {  	_ =	swait.ge [sflag:s14], $0x1000  }
0x68: {  	[sflag:s14] =	ssyncset.done $0x0  }
0x69: {  	s8 =	rddreg [dreg:$0x10];
	[sflag:s14] =	ssyncadd.s32 $0xFFFFF000  }
0x6a: {  	[spmem:s8] =	stream.linear.scatter [tilespmem:s13], [sflag:$0x5], $0x1000, $0x38;
	[tilespmem:$0x1FA00] =	vst v63  }
0x6b: {  	_ =	swait.ge [sflag:s14], $0x1000  }
0x6c: {  	[sflag:s14] =	ssyncset.done $0x0  }
0x6d: {  	s9 =	rddreg [dreg:$0x11];
	[sflag:s14] =	ssyncadd.s32 $0xFFFFF000  }
0x6e: {  	[spmem:s9] =	stream.linear.scatter [tilespmem:s13], [sflag:$0x5], $0x1000, $0x38;
	[tilespmem:$0x1FA00] =	vst v63  }
0x6f: {  	_ =	swait.ge [sflag:s14], $0x1000  }
0x70: {  	[sflag:s14] =	ssyncset.done $0x0  }
0x71: {  	[sflag:s14] =	ssyncadd.s32 $0xFFFFF000  }
0x72: {  	[spmem:s20] =	stream.linear.scatter [tilespmem:s13], [sflag:$0x5], $0x1000, $0x38;
	[tilespmem:$0x1FA00] =	vst v63  }
0x73: {  	_ =	swait.ge [sflag:s14], $0x1000  }
0x74: {  	[sflag:s14] =	ssyncset.done $0x0  }
0x75: {  	s8 =	rddreg [dreg:$0x12];
	[sflag:s14] =	ssyncadd.s32 $0xFFFFF000  }
0x76: {  	[spmem:s8] =	stream.linear.scatter [tilespmem:s13], [sflag:$0x5], $0x1000, $0x38;
	[tilespmem:$0x1FA00] =	vst v63  }
0x77: {  	_ =	swait.ge [sflag:s14], $0x1000  }
0x78: {  	[sflag:s14] =	ssyncset.done $0x0  }
0x79: {  	s9 =	rddreg [dreg:$0x13];
	[sflag:s14] =	ssyncadd.s32 $0xFFFFF000  }
0x7a: {  	[spmem:s9] =	stream.linear.scatter [tilespmem:s13], [sflag:$0x5], $0x1000, $0x38;
	[tilespmem:$0x1FA00] =	vst v63  }
0x7b: {  	_ =	swait.ge [sflag:s14], $0x1000  }
0x7c: {  	[sflag:s14] =	ssyncset.done $0x0  }
0x7d: {  	s8 =	rddreg [dreg:$0x14];
	[sflag:s14] =	ssyncadd.s32 $0xFFFFF000  }
0x7e: {  	[spmem:s8] =	stream.linear.scatter [tilespmem:s13], [sflag:$0x5], $0x1000, $0x38;
	[tilespmem:$0x1FA00] =	vst v63  }
0x7f: {  	_ =	swait.ge [sflag:s14], $0x1000  }
0x80: {  	[sflag:s14] =	ssyncset.done $0x0  }
0x81: {  	[sflag:s14] =	ssyncadd.s32 $0xFFFFF000  }
0x82: {  	[spmem:s21] =	stream.linear.scatter [tilespmem:s13], [sflag:$0x5], $0x1000, $0x38;
	[tilespmem:$0x1FA00] =	vst v63  }
0x83: {  	_ =	swait.ge [sflag:s14], $0x1000  }
0x84: {  	[sflag:s14] =	ssyncset.done $0x0  }
0x85: {  	s9 =	rddreg [dreg:$0x15];
	[sflag:s14] =	ssyncadd.s32 $0xFFFFF000  }
0x86: {  	[spmem:s9] =	stream.linear.scatter [tilespmem:s13], [sflag:$0x5], $0x1000, $0x38;
	[tilespmem:$0x1FA00] =	vst v63  }
0x87: {  	_ =	swait.ge [sflag:s14], $0x1000  }
0x88: {  	[sflag:s14] =	ssyncset.done $0x0  }
0x89: {  	s8 =	rddreg [dreg:$0x16];
	[sflag:s14] =	ssyncadd.s32 $0xFFFFF000  }
0x8a: {  	[spmem:s8] =	stream.linear.scatter [tilespmem:s13], [sflag:$0x5], $0x1000, $0x38;
	[tilespmem:$0x1FA00] =	vst v63  }
0x8b: {  	_ =	swait.ge [sflag:s14], $0x1000  }
0x8c: {  	[sflag:s14] =	ssyncset.done $0x0  }
0x8d: {  	s9 =	rddreg [dreg:$0x17];
	[sflag:s14] =	ssyncadd.s32 $0xFFFFF000  }
0x8e: {  	[spmem:s9] =	stream.linear.scatter [tilespmem:s13], [sflag:$0x5], $0x1000, $0x38;
	[tilespmem:$0x1FA00] =	vst v63  }
0x8f: {  	_ =	swait.ge [sflag:s14], $0x1000  }
0x90: {  	[sflag:s14] =	ssyncset.done $0x0  }
0x91: {  	[sflag:s14] =	ssyncadd.s32 $0xFFFFF000  }
0x92: {  	[spmem:s22] =	stream.linear.scatter [tilespmem:s13], [sflag:$0x5], $0x1000, $0x38;
	[tilespmem:$0x1FA00] =	vst v63  }
0x93: {  	_ =	swait.ge [sflag:s14], $0x1000  }
0x94: {  	[sflag:s14] =	ssyncset.done $0x0  }
0x95: {  	s8 =	rddreg [dreg:$0x18];
	[sflag:s14] =	ssyncadd.s32 $0xFFFFF000  }
0x96: {  	[spmem:s8] =	stream.linear.scatter [tilespmem:s13], [sflag:$0x5], $0x1000, $0x38;
	[tilespmem:$0x1FA00] =	vst v63  }
0x97: {  	_ =	swait.ge [sflag:s14], $0x1000  }
0x98: {  	[sflag:s14] =	ssyncset.done $0x0  }
0x99: {  	s9 =	rddreg [dreg:$0x19];
	[sflag:s14] =	ssyncadd.s32 $0xFFFFF000  }
0x9a: {  	[spmem:s9] =	stream.linear.scatter [tilespmem:s13], [sflag:$0x5], $0x1000, $0x38;
	[tilespmem:$0x1FA00] =	vst v63  }
0x9b: {  	_ =	swait.ge [sflag:s14], $0x1000  }
0x9c: {  	[sflag:s14] =	ssyncset.done $0x0  }
0x9d: {  	s8 =	rddreg [dreg:$0x1a];
	[sflag:s14] =	ssyncadd.s32 $0xFFFFF000  }
0x9e: {  	[spmem:s8] =	stream.linear.scatter [tilespmem:s13], [sflag:$0x5], $0x1000, $0x38;
	[tilespmem:$0x1FA00] =	vst v63  }
0x9f: {  	_ =	swait.ge [sflag:s14], $0x1000  }
0xa0: {  	[sflag:s14] =	ssyncset.done $0x0  }
0xa1: {  	[sflag:s14] =	ssyncadd.s32 $0xFFFFF000  }
0xa2: {  	[spmem:s23] =	stream.linear.scatter [tilespmem:s13], [sflag:$0x5], $0x1000, $0x38;
	[tilespmem:$0x1FA00] =	vst v63  }
0xa3: {  	_ =	swait.ge [sflag:s14], $0x1000  }
0xa4: {  	[sflag:s14] =	ssyncset.done $0x0  }
0xa5: {  	[sflag:s14] =	ssyncadd.s32 $0xFFFFF000  }
0xa6: {  	[spmem:s10] =	stream.linear.scatter [tilespmem:s13], [sflag:$0x5], $0x1000, $0x38;
	[tilespmem:$0x1FA00] =	vst v63  }
0xa7: {  	_ =	swait.ge [sflag:s14], $0x1000  }
0xa8: {  	[sflag:s14] =	ssyncset.done $0x0  }
0xa9: {  	[sflag:s14] =	ssyncadd.s32 $0xFFFFF000  }
0xaa: {  	[spmem:s11] =	stream.linear.scatter [tilespmem:s13], [sflag:$0x5], $0x1000, $0x38;
	[tilespmem:$0x1FA00] =	vst v63  }
0xab: {  	_ =	swait.ge [sflag:s14], $0x1000  }
0xac: {  	[sflag:s14] =	ssyncset.done $0x0  }
0xad: {  	[sflag:s14] =	ssyncadd.s32 $0xFFFFF000  }
0xae: {  	[spmem:s12] =	stream.linear.scatter [tilespmem:s13], [sflag:$0x5], $0x1000, $0x38;
	[tilespmem:$0x1FA00] =	vst v63  }
0xaf: {  	_ =	swait.ge [sflag:s14], $0x1000  }
0xb0: {  	[sflag:s14] =	ssyncset.done $0x0  }
0xb1: {  	[sflag:s14] =	ssyncadd.s32 $0xFFFFF000  }
0xb2: {  	[bflag:$0x0] =	sbarrier.arrive $0xFFFF  }
0xb3: {  	s7 =	simm.s32 $0x0;
	s9 =	rddreg [dreg:$0x4]  }
0xb4: {  	[tilespmem:s7], [sflag:$0x5] =	stream.linear.gather [hbm4b:s9+s7], $0x80, $0x38;
	[tilespmem:$0x1FA00] =	vst v63  }
0xb5: {  	_ =	swait.ge [sflag:s14], $0x80  }
0xb6: {  	[sflag:s14] =	ssyncset.done $0x0  }
0xb7: {  	s9 =	rddreg [dreg:$0x5];
	[sflag:s14] =	ssyncadd.s32 $0xFFFFFF80  }
0xb8: {  	[tilespmem:s19], [sflag:$0x5] =	stream.linear.gather [hbm4b:s9+s7], $0x80, $0x38;
	[tilespmem:$0x1FA00] =	vst v63  }
0xb9: {  	_ =	swait.ge [sflag:s14], $0x80  }
0xba: {  	[sflag:s14] =	ssyncset.done $0x0  }
0xbb: {  	[sflag:s14] =	ssyncadd.s32 $0xFFFFFF80  }
0xbc: {  	[tilespmem:s25], [sflag:$0x1] =	stream.indirect.gather [hbm4b:s4+s24], $0x80, s7, s24, $0xb8;
	[tilespmem:$0x1FA00] =	vst v63  }
0xbd: {  	s9 =	rddreg [dreg:$0x6]  }
0xbe: {  	[tilespmem:s24], [sflag:$0x5] =	stream.linear.gather [hbm4b:s9+s7], $0x80, $0x38;
	[tilespmem:$0x1FA00] =	vst v63  }
0xbf: {  	_ =	swait.ge [sflag:s14], $0x80  }
0xc0: {  	[sflag:s14] =	ssyncset.done $0x0  }
0xc1: {  	s9 =	rddreg [dreg:$0x7];
	[sflag:s14] =	ssyncadd.s32 $0xFFFFFF80  }
0xc2: {  	[tilespmem:s26], [sflag:$0x5] =	stream.linear.gather [hbm4b:s9+s7], $0x80, $0x38;
	[tilespmem:$0x1FA00] =	vst v63  }
0xc3: {  	_ =	swait.ge [sflag:s14], $0x80  }
0xc4: {  	[sflag:s14] =	ssyncset.done $0x0  }
0xc5: {  	[sflag:s14] =	ssyncadd.s32 $0xFFFFFF80  }
0xc6: {  	[tilespmem:s28], [sflag:$0x2] =	stream.indirect.gather [hbm4b:s4+s24], $0x80, s24, s24, $0xb8;
	[tilespmem:$0x1FA00] =	vst v63  }
.LBB2_6:
0xc7: {  	_ =	swait.ge [sflag:s29], $0x4000  }
0xc8: {  	[sflag:s29] =	ssyncset.done $0x0  }
0xc9: {  	[sflag:s29] =	ssyncadd.s32 $0xFFFFC000  }
0xca: {  	[spmem:s2] =	stream.indirect.scatter.add.f32 [tilespmem:s25], [sflag:$0x3], $0x80, s19, s24, $0xb8;
	[tilespmem:$0x1FA00] =	vst v63  }
0xcb: {  	v2 =	vld [tilespmem:$0x100];
	_ =	sdelay $0x7  }
0xcc: {  	[tilespmem:v2+s30+$0x0] =	vst.idx.add.f32.msk $0xffff, v1  }
0xcd: {  	v2 =	vld [tilespmem:$0x110];
	_ =	sdelay $0x7  }
0xce: {  	[tilespmem:v2+s30+$0x0] =	vst.idx.add.f32.msk $0xffff, v1  }
0xcf: {  	v2 =	vld [tilespmem:$0x120];
	_ =	sdelay $0x7  }
0xd0: {  	[tilespmem:v2+s30+$0x0] =	vst.idx.add.f32.msk $0xffff, v1  }
0xd1: {  	v2 =	vld [tilespmem:$0x130];
	_ =	sdelay $0x7  }
0xd2: {  	[tilespmem:v2+s30+$0x0] =	vst.idx.add.f32.msk $0xffff, v1  }
0xd3: {  	v2 =	vld [tilespmem:$0x140];
	_ =	sdelay $0x7  }
0xd4: {  	[tilespmem:v2+s30+$0x0] =	vst.idx.add.f32.msk $0xffff, v1  }
0xd5: {  	v2 =	vld [tilespmem:$0x150];
	_ =	sdelay $0x7  }
0xd6: {  	[tilespmem:v2+s30+$0x0] =	vst.idx.add.f32.msk $0xffff, v1  }
0xd7: {  	v2 =	vld [tilespmem:$0x160];
	_ =	sdelay $0x7  }
0xd8: {  	[tilespmem:v2+s30+$0x0] =	vst.idx.add.f32.msk $0xffff, v1  }
0xd9: {  	v2 =	vld [tilespmem:$0x170];
	_ =	sdelay $0x7  }
0xda: {  	[tilespmem:v2+s30+$0x0] =	vst.idx.add.f32.msk $0xffff, v1  }
0xdb: {  	_ =	swait.ge [sflag:s31], $0x4000  }
0xdc: {  	[sflag:s31] =	ssyncset.done $0x0  }
0xdd: {  	[sflag:s31] =	ssyncadd.s32 $0xFFFFC000  }
0xde: {  	[spmem:s2] =	stream.indirect.scatter.add.f32 [tilespmem:s28], [sflag:$0x4], $0x80, s26, s24, $0xb8;
	[tilespmem:$0x1FA00] =	vst v63  }
0xdf: {  	v2 =	vld [tilespmem:$0x180];
	_ =	sdelay $0x7  }
0xe0: {  	[tilespmem:v2+s30+$0x0] =	vst.idx.add.f32.msk $0xffff, v1  }
0xe1: {  	v2 =	vld [tilespmem:$0x190];
	_ =	sdelay $0x7  }
0xe2: {  	[tilespmem:v2+s30+$0x0] =	vst.idx.add.f32.msk $0xffff, v1  }
0xe3: {  	v2 =	vld [tilespmem:$0x1A0];
	_ =	sdelay $0x7  }
0xe4: {  	[tilespmem:v2+s30+$0x0] =	vst.idx.add.f32.msk $0xffff, v1  }
0xe5: {  	v2 =	vld [tilespmem:$0x1B0];
	_ =	sdelay $0x7  }
0xe6: {  	[tilespmem:v2+s30+$0x0] =	vst.idx.add.f32.msk $0xffff, v1  }
0xe7: {  	v2 =	vld [tilespmem:$0x1C0];
	_ =	sdelay $0x7  }
0xe8: {  	[tilespmem:v2+s30+$0x0] =	vst.idx.add.f32.msk $0xffff, v1  }
0xe9: {  	v2 =	vld [tilespmem:$0x1D0];
	_ =	sdelay $0x7  }
0xea: {  	[tilespmem:v2+s30+$0x0] =	vst.idx.add.f32.msk $0xffff, v1  }
0xeb: {  	v2 =	vld [tilespmem:$0x1E0];
	_ =	sdelay $0x7  }
0xec: {  	[tilespmem:v2+s30+$0x0] =	vst.idx.add.f32.msk $0xffff, v1  }
0xed: {  	v2 =	vld [tilespmem:$0x1F0];
	_ =	sdelay $0x5  }
0xee: {  	p0 =	seq.s32 s7, $0x4E0  }
.Ltmp4:
0xef: {  	_ = 	snop;
	(pc) =	sbr.rel @p0 .LBB2_8-.Ltmp4, $4  }
0xf0: {  	[tilespmem:v2+s30+$0x0] =	vst.idx.add.f32.msk $0xffff, v1  }
0xf1: {  	_ =	swait.ge [sflag:s0], $0x4000  }
0xf2: {  	[sflag:s0] =	ssyncset.done $0x0  }
0xf3: {  	[sflag:s0] =	ssyncadd.s32 $0xFFFFC000  }
0xf4: {  	s8 =	sadd.s32 s7, s18  }
0xf5: {  	[tilespmem:s3], [sflag:$0x5] =	stream.linear.gather [hbm4b:s8+s3], $0x80, $0x38;
	[tilespmem:$0x1FA00] =	vst v63  }
0xf6: {  	_ =	swait.ge [sflag:s14], $0x80  }
0xf7: {  	[sflag:s14] =	ssyncset.done $0x0  }
0xf8: {  	s9 =	sadd.s32 s7, s17;
	[sflag:s14] =	ssyncadd.s32 $0xFFFFFF80  }
0xf9: {  	[tilespmem:s19], [sflag:$0x5] =	stream.linear.gather [hbm4b:s9+s3], $0x80, $0x38;
	[tilespmem:$0x1FA00] =	vst v63  }
0xfa: {  	_ =	swait.ge [sflag:s14], $0x80  }
0xfb: {  	[sflag:s14] =	ssyncset.done $0x0  }
0xfc: {  	[sflag:s14] =	ssyncadd.s32 $0xFFFFFF80  }
0xfd: {  	[tilespmem:s25], [sflag:$0x1] =	stream.indirect.gather [hbm4b:s4+s24], $0x80, s3, s24, $0xb8;
	[tilespmem:$0x1FA00] =	vst v63  }
0xfe: {  	_ =	swait.ge [sflag:s1], $0x4000  }
0xff: {  	[sflag:s1] =	ssyncset.done $0x0  }
0x100: {  	s9 =	sadd.s32 s7, s16;
	[sflag:s1] =	ssyncadd.s32 $0xFFFFC000  }
0x101: {  	[tilespmem:s24], [sflag:$0x5] =	stream.linear.gather [hbm4b:s9+s3], $0x80, $0x38;
	[tilespmem:$0x1FA00] =	vst v63  }
0x102: {  	_ =	swait.ge [sflag:s14], $0x80  }
0x103: {  	[sflag:s14] =	ssyncset.done $0x0  }
0x104: {  	s9 =	sadd.s32 s7, s15;
	[sflag:s14] =	ssyncadd.s32 $0xFFFFFF80  }
0x105: {  	[tilespmem:s26], [sflag:$0x5] =	stream.linear.gather [hbm4b:s9+s3], $0x80, $0x38;
	[tilespmem:$0x1FA00] =	vst v63  }
.Ltmp5:
0x106: {  	_ = 	snop;
	(pc) =	sbr.rel .LBB2_6-.Ltmp5, $4  }
0x107: {  	_ =	swait.ge [sflag:s14], $0x80  }
0x108: {  	[sflag:s14] =	ssyncset.done $0x0  }
0x109: {  	s7 =	sadd.s32 $0x20, s7;
	[sflag:s14] =	ssyncadd.s32 $0xFFFFFF80  }
0x10a: {  	[tilespmem:s28], [sflag:$0x2] =	stream.indirect.gather [hbm4b:s4+s24], $0x80, s24, s24, $0xb8;
	[tilespmem:$0x1FA00] =	vst v63  }
.LBB2_9:
0x10b: {  	_ =	sfence.sel $0x180000  }
0x10c: {  	[bflag:$0x0] =	sbarrier.arrive $0xFFFF  }
0x10d: {  	_ =	strace $0x9000004A  }
0x10e: {  	s0 =	stileid.u32;
	[bflag:$0x2] =	sbarrier.arrive $0xFFFF  }
0x10f: {  	p0 =	sne.s32 s0, $0x0;
	s0 =	rddreg [dreg:$0x3]  }
0x110: {  	s0 =	sadd.s32 @!p0 $0x100000, s0  }
0x111: {  	[sflag:s0] =	ssyncadd.tile.s32 @!p0 $0x1;
	_ =	shalt  }
.Lfunc_end2:
_tile_overlayer_lowered:
.L_overlay_start_2:
0x112: {  	(tag) =	ssettag $0x2  }
0x113: {  	s0 =	rddreg [dreg:$0x0];
	s2 =	stileid.u32  }
0x114: {  	s1 =	rddreg [dreg:$0x1];
	p0 =	sne.s32 s2, $0x0  }
0x115: {  	s3 =	rddreg [dreg:$0x2];
	[bflag:$0x3] =	sbarrier.arrive $0xFFFF;
	s2 =	simm.s32 @!p0 $0x1C05  }
0x116: {  	[timem:s3], [sflag:s2] =	dma.local @!p0 [hbm:s0], s1  }
0x117: {  	s0 =	simm.s32 @!p0 $0x5  }
0x118: {  	_ =	swait.ge @!p0 [sflag:s0], s1  }
0x119: {  	s1 =	ssub.s32 @!p0 $0x0, s1;
	[sflag:s0] =	ssyncset.done @!p0 $0x0  }
0x11a: {  	[sflag:s0] =	ssyncadd.s32 @!p0 s1  }
0x11b: {  	[bflag:$0x3] =	sbarrier.arrive $0xFFFF  }
0x11c: {  	_ =	shalt  }

</sc_bundles>
